<compile_context>
chip_gen: v7x
topology: tpu7x:2x2x1
jax: 0.10.2.dev20260603
libtpu: 0.0.44.dev20260713+nightly
codegen_flags: <defaults>
</compile_context>

<pallas_src>
import functools

import jax
import jax.numpy as jnp
from jax import lax
from jax.experimental import pallas as pl
from jax.experimental.pallas import tpu as pltpu
from jax.experimental.pallas import tpu_sc as plsc

_LANES = 16
_NW = 32
_GCH = 128
_NCHUNKS = 1
_BM = 1024
_NBUF = 4
_WSPLIT = 4


def _sc_hash_gather(tokens_flat, embed_weight, seq_len, chunk_off, mc):
    vocab, dim = embed_weight.shape
    tw = mc // _NW
    nch = tw // _GCH
    mod = jnp.int32(vocab - 1)

    mesh = plsc.VectorSubcoreMesh(core_axis_name="c", subcore_axis_name="s")

    @functools.partial(
        pl.kernel,
        out_type=jax.ShapeDtypeStruct((_NW, nch, _GCH, dim), jnp.float32),
        mesh=mesh,
        scratch_types=[
            pltpu.VMEM((tw + 8,), jnp.int32),
            pltpu.VMEM((nch, _GCH), jnp.int32),
            pltpu.VMEM((nch, _GCH, dim), jnp.float32),
            pltpu.SemaphoreType.DMA((nch,)),
            pltpu.SemaphoreType.DMA,
        ],
    )
    def k(tok_hbm, table_hbm, out_hbm, tok_v, idx_v, rows_v, gsems, wsem):
        wid = lax.axis_index("s") * 2 + lax.axis_index("c")
        base = chunk_off + wid * tw

        if chunk_off == 0:
            @pl.when(wid == 0)
            def _():
                pltpu.sync_copy(tok_hbm.at[pl.ds(0, tw)],
                                tok_v.at[pl.ds(8, tw)])

            @pl.when(wid != 0)
            def _():
                pltpu.sync_copy(tok_hbm.at[pl.ds(base - 8, tw + 8)], tok_v)
        else:
            pltpu.sync_copy(tok_hbm.at[pl.ds(base - 8, tw + 8)], tok_v)

        inv_mod = jnp.float32(1.0 / float(vocab - 1))
        for c in range(nch):
            for j in range(_GCH // _LANES):
                off = c * _GCH + j * _LANES
                prev = tok_v[pl.ds(off + 7, _LANES)]
                cur = tok_v[pl.ds(off + 8, _LANES)]
                x = lax.bitwise_xor(jnp.int32(36313) * cur,
                                    jnp.int32(27191) * prev)
                q = (x.astype(jnp.float32) * inv_mod).astype(jnp.int32)
                r = x - q * mod
                neg = lax.shift_right_arithmetic(r, 31)
                r = r - neg * mod
                t = r - mod
                tneg = lax.shift_right_arithmetic(t, 31)
                r = t - tneg * mod
                idx_v[c, pl.ds(j * _LANES, _LANES)] = r

        @pl.when((base % seq_len) == 0)
        def _():
            first = idx_v[0, pl.ds(0, _LANES)]
            keep = jnp.minimum(lax.iota(jnp.int32, _LANES), 1)
            idx_v[0, pl.ds(0, _LANES)] = first * keep + mod * (1 - keep)

        gathers = [
            pltpu.make_async_copy(table_hbm.at[idx_v.at[c]], rows_v.at[c],
                                  gsems.at[c])
            for c in range(nch)
        ]
        writes = [
            pltpu.make_async_copy(rows_v.at[c], out_hbm.at[wid, c], wsem)
            for c in range(nch)
        ]
        for g in gathers:
            g.start()
        for c in range(nch):
            gathers[c].wait()
            writes[c].start()
        for w in writes:
            w.wait()

    return k(tokens_flat, embed_weight).reshape(mc, dim)


def _tc_project_chunk(h_c, proj_weight, scale, total_m, block_off, prev):
    mc, kdim = h_c.shape
    n = proj_weight.shape[0]
    bm = _BM
    ng = mc // bm
    nbuf = min(_NBUF, ng)
    row_off = block_off * bm

    hb = bm // _WSPLIT

    def _copies(acc_ref, o_hbm, sems, it, slot):
        return [
            pltpu.make_async_copy(
                acc_ref.at[slot, pl.ds(p * hb, hb)],
                o_hbm.at[pl.ds(row_off + it * bm + p * hb, hb)],
                sems.at[slot, p])
            for p in range(_WSPLIT)
        ]

    def body(s_ref, h_ref, w_ref, *rest):
        o_hbm, acc_ref, sems = rest[-3], rest[-2], rest[-1]
        i = pl.program_id(0)
        slot = lax.rem(i, nbuf)

        @pl.when(i >= nbuf)
        def _():
            for cp in _copies(acc_ref, o_hbm, sems, i - nbuf, slot):
                cp.wait()

        acc = lax.dot_general(
            h_ref[...], w_ref[...], (((1,), (1,)), ((), ())),
            preferred_element_type=jnp.float32)
        acc_ref[slot] = acc * s_ref[0]
        for cp in _copies(acc_ref, o_hbm, sems, i, slot):
            cp.start()

        @pl.when(i == ng - 1)
        def _():
            for it in range(ng - nbuf, ng):
                for cp in _copies(acc_ref, o_hbm, sems, it, it % nbuf):
                    cp.wait()

    in_specs = [
        pl.BlockSpec(memory_space=pltpu.SMEM),
        pl.BlockSpec((bm, kdim), lambda i: (i, 0)),
        pl.BlockSpec((n, kdim), lambda i: (0, 0)),
    ]
    args = [scale.reshape(1), h_c, proj_weight]
    aliases = {}
    if prev is not None:
        in_specs.append(pl.BlockSpec(memory_space=pl.ANY))
        args.append(prev)
        aliases = {3: 0}

    return pl.pallas_call(
        body,
        grid=(ng,),
        in_specs=in_specs,
        out_specs=pl.BlockSpec(memory_space=pl.ANY),
        out_shape=jax.ShapeDtypeStruct((total_m, n), jnp.float32),
        input_output_aliases=aliases,
        scratch_shapes=[
            pltpu.VMEM((nbuf, bm, n), jnp.float32),
            pltpu.SemaphoreType.DMA((nbuf, _WSPLIT)),
        ],
    )(*args)


def kernel(token_ids, embed_weight, proj_weight, scale):
    batch, seq = token_ids.shape
    total = batch * seq
    dim = embed_weight.shape[1]
    n = proj_weight.shape[0]
    scale_f = scale.astype(jnp.float32)
    tokens_flat = token_ids.reshape(-1).astype(jnp.int32)

    nchunks = _NCHUNKS
    mc = total // nchunks
    bm = _BM
    hs = []
    for c in range(nchunks):
        hs.append(_sc_hash_gather(tokens_flat, embed_weight, seq,
                                  c * mc, mc))
    out = None
    for c in range(nchunks):
        out = _tc_project_chunk(hs[c], proj_weight, scale_f, total,
                                c * (mc // bm), out)
    return out.reshape(batch, seq, n)

# --- scband reference (transcript-rebuilt; emitter-appended) ---
"""Pipeline reference for scband-bigram-hash-embedding-137438954038 (READ-ONLY COPY).

The authoritative reference and input builder live on the scoring server;
editing this copy changes nothing except your own understanding.
"""

import jax, jax.numpy as jnp
import numpy as np

VOCAB = 100000
BIGRAM_DIM = 128
MODEL_DIM = 2048
BATCH = 4
SEQ = 4096
TOKEN_VOCAB = 50257


def _bigram_hash(tokens, vocab):
    # matches BigramHashEmbedding.bigram_hash with int32 wraparound arithmetic
    t = tokens.astype(jnp.int32)
    mod = jnp.int32(vocab - 1)
    rest = jnp.bitwise_xor(jnp.int32(36313) * t[..., 1:], jnp.int32(27191) * t[..., :-1]) % mod
    first = jnp.full(t.shape[:-1] + (1,), vocab - 1, dtype=jnp.int32)
    return jnp.concatenate([first, rest], axis=-1)


def setup_inputs(seed: int = 0) -> dict:
    key = jax.random.key(seed)
    k1, k2, k3 = jax.random.split(key, 3)
    token_ids = jax.random.randint(k1, (BATCH, SEQ), 0, TOKEN_VOCAB, dtype=jnp.int32)
    # learned params (randomized for benchmarking; module inits them to zero)
    embed_weight = jax.random.normal(k2, (VOCAB, BIGRAM_DIM), dtype=jnp.float32) * 0.02
    proj_weight = jax.random.normal(k3, (MODEL_DIM, BIGRAM_DIM), dtype=jnp.float32) * 0.02
    scale = jnp.asarray(0.05, dtype=jnp.float32)
    return {"token_ids": token_ids, "embed_weight": embed_weight, "proj_weight": proj_weight, "scale": scale}


def reference(token_ids, embed_weight, proj_weight, scale):
    idx = _bigram_hash(token_ids, embed_weight.shape[0])
    h = jnp.take(embed_weight, idx, axis=0)          # [B, S, bigram_dim] gather
    h = h @ proj_weight.T                            # [B, S, model_dim] projection (CastedLinear, no bias)
    return h * scale.astype(h.dtype)

if __name__ == "__main__":
    import jax
    _d = setup_inputs()
    print(jax.jit(kernel)(*tuple(_d.values())))

</pallas_src>

<mosaic_0001>
#map = affine_map<(d0, d1) -> (0)>
#map1 = affine_map<(d0, d1) -> (0, 0)>
#map2 = affine_map<(d0, d1) -> (0, 0, 0, 0)>
module attributes {stable_mosaic.version = 14 : i64} {
  func.func @_rewritten_body(%arg0: i32, %arg1: i32, %arg2: memref<16384xi32, #tpu.memory_space<hbm>>, %arg3: memref<100000x128xf32, #tpu.memory_space<hbm>>, %arg4: memref<1xi32, #tpu.memory_space<hbm>>, %arg5: memref<32x4x128x128xf32, #tpu.memory_space<hbm>>, %arg6: memref<520xi32, #tpu.memory_space<vmem>>, %arg7: memref<4x128xi32, #tpu.memory_space<vmem>>, %arg8: memref<4x128x128xf32, #tpu.memory_space<vmem>>, %arg9: memref<4x!tpu.dma_semaphore, #tpu.memory_space<semaphore_mem>>, %arg10: memref<!tpu.dma_semaphore, #tpu.memory_space<semaphore_mem>>) attributes {dimension_semantics = [#tpu.dimension_semantics<core_parallel>, #tpu.dimension_semantics<subcore_parallel>], iteration_bounds = array<i64: 2, 16>, scalar_prefetch = 0 : i64, scratch_operands = 5 : i64, tpu.core_type = #tpu.core_type<sc_vector_subcore>, window_params = [{transform_indices = #map}, {transform_indices = #map1}, {transform_indices = #map}, {transform_indices = #map2}]} {
    %empty_ref3A = memref.alloca() : memref<16xi32, #tpu.memory_space<vmem>>
    "tpu.region"() ({
      %run_scoped3A = tpu.sem_alloc : memref<!tpu.dma_semaphore, #tpu.memory_space<semaphore_mem>>
      %dma_start3A_1599 = arith.constant 0 : i32
      %dma_start3A_1600 = tpu.memref_slice %empty_ref3A[%dma_start3A_1599] : memref<16xi32, #tpu.memory_space<vmem>> -> memref<1xi32, #tpu.memory_space<vmem>>
      %dma_start3A_1601 = arith.constant 0 : i32
      %dma_start3A_1602 = tpu.memref_slice %empty_ref3A[%dma_start3A_1601] : memref<16xi32, #tpu.memory_space<vmem>> -> memref<1xi32, #tpu.memory_space<vmem>>
      tpu.enqueue_dma source(%arg4 : memref<1xi32, #tpu.memory_space<hbm>>) target(%dma_start3A_1602 : memref<1xi32, #tpu.memory_space<vmem>>) target_semaphore(%run_scoped3A : memref<!tpu.dma_semaphore, #tpu.memory_space<semaphore_mem>>)
      %dma_wait3A_1603 = arith.constant 0 : i32
      %dma_wait3A_1604 = tpu.memref_slice %empty_ref3A[%dma_wait3A_1603] : memref<16xi32, #tpu.memory_space<vmem>> -> memref<1xi32, #tpu.memory_space<vmem>>
      %dma_wait3A_1605 = arith.constant 0 : i32
      %dma_wait3A_1606 = tpu.memref_slice %empty_ref3A[%dma_wait3A_1605] : memref<16xi32, #tpu.memory_space<vmem>> -> memref<1xi32, #tpu.memory_space<vmem>>
      tpu.wait_dma2 semaphore(%run_scoped3A : memref<!tpu.dma_semaphore, #tpu.memory_space<semaphore_mem>>) src(%arg4 : memref<1xi32, #tpu.memory_space<hbm>>) dst(%dma_wait3A_1606 : memref<1xi32, #tpu.memory_space<vmem>>)
      tpu.yield
    }) : () -> ()
    %get3A = arith.constant 0 : index
    %get3A_0 = tpu.vector_load %empty_ref3A[%get3A] {strides = array<i32>} : memref<16xi32, #tpu.memory_space<vmem>>, vector<16xi32>,
    %get3A_1 = vector.shape_cast %get3A_0 : vector<16xi32> to vector<16xi32>
    %slice3A = vector.extract_strided_slice %get3A_1 {offsets = [0], sizes = [1], strides = [1]} : vector<16xi32> to vector<1xi32>
    %squeeze3A = vector.extract %slice3A[0] : i32 from vector<1xi32>
    %mul3A = arith.constant 2 : i32
    %mul3A_2 = arith.muli %arg1, %mul3A : i32
    %add3A = arith.addi %mul3A_2, %arg0 : i32
    %mul3A_3 = arith.constant 512 : i32
    %mul3A_4 = arith.muli %add3A, %mul3A_3 : i32
    %add3A_5 = arith.constant 0 : i32
    %add3A_6 = arith.addi %add3A_5, %mul3A_4 : i32
    %eq3A = arith.constant 0 : i32
    %eq3A_7 = arith.cmpi eq, %add3A, %eq3A : i32
    %convert_element_type3A = arith.extui %eq3A_7 : i1 to i32
    %cond3A = arith.constant 0 : i32
    %cond3A_8 = arith.cmpi ne, %convert_element_type3A, %cond3A : i32
    scf.if %cond3A_8 {
      "tpu.region"() ({
        %run_scoped3A = tpu.sem_alloc : memref<!tpu.dma_semaphore, #tpu.memory_space<semaphore_mem>>
        %dma_start3A_1599 = arith.constant 8 : i32
        %dma_start3A_1600 = tpu.memref_slice %arg6[%dma_start3A_1599] : memref<520xi32, #tpu.memory_space<vmem>> -> memref<512xi32, #tpu.memory_space<vmem>>
        %dma_start3A_1601 = arith.constant 0 : i32
        %dma_start3A_1602 = tpu.memref_slice %arg2[%dma_start3A_1601] : memref<16384xi32, #tpu.memory_space<hbm>> -> memref<512xi32, #tpu.memory_space<hbm>>
        %dma_start3A_1603 = arith.constant 8 : i32
        %dma_start3A_1604 = tpu.memref_slice %arg6[%dma_start3A_1603] : memref<520xi32, #tpu.memory_space<vmem>> -> memref<512xi32, #tpu.memory_space<vmem>>
        %dma_start3A_1605 = arith.constant 0 : i32
        %dma_start3A_1606 = tpu.memref_slice %arg2[%dma_start3A_1605] : memref<16384xi32, #tpu.memory_space<hbm>> -> memref<512xi32, #tpu.memory_space<hbm>>
        tpu.enqueue_dma source(%dma_start3A_1606 : memref<512xi32, #tpu.memory_space<hbm>>) target(%dma_start3A_1604 : memref<512xi32, #tpu.memory_space<vmem>>) target_semaphore(%run_scoped3A : memref<!tpu.dma_semaphore, #tpu.memory_space<semaphore_mem>>)
        %dma_wait3A_1607 = arith.constant 8 : i32
        %dma_wait3A_1608 = tpu.memref_slice %arg6[%dma_wait3A_1607] : memref<520xi32, #tpu.memory_space<vmem>> -> memref<512xi32, #tpu.memory_space<vmem>>
        %dma_wait3A_1609 = arith.constant 0 : i32
        %dma_wait3A_1610 = tpu.memref_slice %arg2[%dma_wait3A_1609] : memref<16384xi32, #tpu.memory_space<hbm>> -> memref<512xi32, #tpu.memory_space<hbm>>
        %dma_wait3A_1611 = arith.constant 8 : i32
        %dma_wait3A_1612 = tpu.memref_slice %arg6[%dma_wait3A_1611] : memref<520xi32, #tpu.memory_space<vmem>> -> memref<512xi32, #tpu.memory_space<vmem>>
        %dma_wait3A_1613 = arith.constant 0 : i32
        %dma_wait3A_1614 = tpu.memref_slice %arg2[%dma_wait3A_1613] : memref<16384xi32, #tpu.memory_space<hbm>> -> memref<512xi32, #tpu.memory_space<hbm>>
        tpu.wait_dma2 semaphore(%run_scoped3A : memref<!tpu.dma_semaphore, #tpu.memory_space<semaphore_mem>>) src(%dma_wait3A_1614 : memref<512xi32, #tpu.memory_space<hbm>>) dst(%dma_wait3A_1612 : memref<512xi32, #tpu.memory_space<vmem>>)
        tpu.yield
      }) : () -> ()
    } else {
    }
    %ne3A = arith.constant 0 : i32
    %ne3A_9 = arith.cmpi ne, %add3A, %ne3A : i32
    %convert_element_type3A_10 = arith.extui %ne3A_9 : i1 to i32
    %cond3A_11 = arith.constant 0 : i32
    %cond3A_12 = arith.cmpi ne, %convert_element_type3A_10, %cond3A_11 : i32
    scf.if %cond3A_12 {
      %sub3A_1599 = arith.constant 8 : i32
      %sub3A_1600 = arith.subi %add3A_6, %sub3A_1599 : i32
      "tpu.region"() ({
        %run_scoped3A = tpu.sem_alloc : memref<!tpu.dma_semaphore, #tpu.memory_space<semaphore_mem>>
        %dma_start3A_1601 = tpu.memref_slice %arg2[%sub3A_1600] : memref<16384xi32, #tpu.memory_space<hbm>> -> memref<520xi32, #tpu.memory_space<hbm>>
        %dma_start3A_1602 = tpu.memref_slice %arg2[%sub3A_1600] : memref<16384xi32, #tpu.memory_space<hbm>> -> memref<520xi32, #tpu.memory_space<hbm>>
        tpu.enqueue_dma source(%dma_start3A_1602 : memref<520xi32, #tpu.memory_space<hbm>>) target(%arg6 : memref<520xi32, #tpu.memory_space<vmem>>) target_semaphore(%run_scoped3A : memref<!tpu.dma_semaphore, #tpu.memory_space<semaphore_mem>>)
        %dma_wait3A_1603 = tpu.memref_slice %arg2[%sub3A_1600] : memref<16384xi32, #tpu.memory_space<hbm>> -> memref<520xi32, #tpu.memory_space<hbm>>
        %dma_wait3A_1604 = tpu.memref_slice %arg2[%sub3A_1600] : memref<16384xi32, #tpu.memory_space<hbm>> -> memref<520xi32, #tpu.memory_space<hbm>>
        tpu.wait_dma2 semaphore(%run_scoped3A : memref<!tpu.dma_semaphore, #tpu.memory_space<semaphore_mem>>) src(%dma_wait3A_1604 : memref<520xi32, #tpu.memory_space<hbm>>) dst(%arg6 : memref<520xi32, #tpu.memory_space<vmem>>)
        tpu.yield
      }) : () -> ()
    } else {
    }
    %get3A_13 = arith.constant 7 : index
    %get3A_14 = tpu.vector_load %arg6[%get3A_13] {strides = array<i32>} : memref<520xi32, #tpu.memory_space<vmem>>, vector<16xi32>,
    %get3A_15 = vector.shape_cast %get3A_14 : vector<16xi32> to vector<16xi32>
    %get3A_16 = arith.constant 8 : index
    %get3A_17 = tpu.vector_load %arg6[%get3A_16] {strides = array<i32>} : memref<520xi32, #tpu.memory_space<vmem>>, vector<16xi32>,
    %get3A_18 = vector.shape_cast %get3A_17 : vector<16xi32> to vector<16xi32>
    %mul3A_19 = arith.constant 36313 : i32
    %mul3A_20 = vector.broadcast %mul3A_19 : i32 to vector<16xi32>
    %mul3A_21 = arith.muli %mul3A_20, %get3A_18 : vector<16xi32>
    %mul3A_22 = arith.constant 27191 : i32
    %mul3A_23 = vector.broadcast %mul3A_22 : i32 to vector<16xi32>
    %mul3A_24 = arith.muli %mul3A_23, %get3A_15 : vector<16xi32>
    %xor3A = arith.xori %mul3A_21, %mul3A_24 : vector<16xi32>
    %convert_element_type3A_25 = arith.sitofp %xor3A : vector<16xi32> to vector<16xf32>
    %mul3A_26 = arith.constant 1.000010e-05 : f32
    %mul3A_27 = vector.broadcast %mul3A_26 : f32 to vector<16xf32>
    %mul3A_28 = arith.mulf %convert_element_type3A_25, %mul3A_27 : vector<16xf32>
    %convert_element_type3A_29 = arith.fptosi %mul3A_28 : vector<16xf32> to vector<16xi32>
    %mul3A_30 = vector.broadcast %squeeze3A : i32 to vector<16xi32>
    %mul3A_31 = arith.muli %convert_element_type3A_29, %mul3A_30 : vector<16xi32>
    %sub3A = arith.subi %xor3A, %mul3A_31 : vector<16xi32>
    %shift_right_arithmetic3A = arith.constant 31 : i32
    %shift_right_arithmetic3A_32 = vector.broadcast %shift_right_arithmetic3A : i32 to vector<16xi32>
    %shift_right_arithmetic3A_33 = arith.shrsi %sub3A, %shift_right_arithmetic3A_32 : vector<16xi32>
    %mul3A_34 = vector.broadcast %squeeze3A : i32 to vector<16xi32>
    %mul3A_35 = arith.muli %shift_right_arithmetic3A_33, %mul3A_34 : vector<16xi32>
    %sub3A_36 = arith.subi %sub3A, %mul3A_35 : vector<16xi32>
    %sub3A_37 = vector.broadcast %squeeze3A : i32 to vector<16xi32>
    %sub3A_38 = arith.subi %sub3A_36, %sub3A_37 : vector<16xi32>
    %shift_right_arithmetic3A_39 = arith.constant 31 : i32
    %shift_right_arithmetic3A_40 = vector.broadcast %shift_right_arithmetic3A_39 : i32 to vector<16xi32>
    %shift_right_arithmetic3A_41 = arith.shrsi %sub3A_38, %shift_right_arithmetic3A_40 : vector<16xi32>
    %mul3A_42 = vector.broadcast %squeeze3A : i32 to vector<16xi32>
    %mul3A_43 = arith.muli %shift_right_arithmetic3A_41, %mul3A_42 : vector<16xi32>
    %sub3A_44 = arith.subi %sub3A_38, %mul3A_43 : vector<16xi32>
    %swap3A = arith.constant 0 : i32
    %swap3A_45 = arith.index_cast %swap3A : i32 to index
    %swap3A_46 = arith.constant 0 : index
    %swap3A_47 = tpu.vector_load %arg7[%swap3A_45, %swap3A_46] {strides = array<i32>} : memref<4x128xi32, #tpu.memory_space<vmem>>, vector<1x16xi32>,
    %swap3A_48 = vector.shape_cast %swap3A_47 : vector<1x16xi32> to vector<16xi32>
    %swap3A_49 = vector.shape_cast %sub3A_44 : vector<16xi32> to vector<1x16xi32>
    tpu.vector_store %arg7[%swap3A_45, %swap3A_46], %swap3A_49 {strides = array<i32>} : memref<4x128xi32, #tpu.memory_space<vmem>>, vector<1x16xi32>,
    %get3A_50 = arith.constant 23 : index
    %get3A_51 = tpu.vector_load %arg6[%get3A_50] {strides = array<i32>} : memref<520xi32, #tpu.memory_space<vmem>>, vector<16xi32>,
    %get3A_52 = vector.shape_cast %get3A_51 : vector<16xi32> to vector<16xi32>
    %get3A_53 = arith.constant 24 : index
    %get3A_54 = tpu.vector_load %arg6[%get3A_53] {strides = array<i32>} : memref<520xi32, #tpu.memory_space<vmem>>, vector<16xi32>,
    %get3A_55 = vector.shape_cast %get3A_54 : vector<16xi32> to vector<16xi32>
    %mul3A_56 = arith.constant 36313 : i32
    %mul3A_57 = vector.broadcast %mul3A_56 : i32 to vector<16xi32>
    %mul3A_58 = arith.muli %mul3A_57, %get3A_55 : vector<16xi32>
    %mul3A_59 = arith.constant 27191 : i32
    %mul3A_60 = vector.broadcast %mul3A_59 : i32 to vector<16xi32>
    %mul3A_61 = arith.muli %mul3A_60, %get3A_52 : vector<16xi32>
    %xor3A_62 = arith.xori %mul3A_58, %mul3A_61 : vector<16xi32>
    %convert_element_type3A_63 = arith.sitofp %xor3A_62 : vector<16xi32> to vector<16xf32>
    %mul3A_64 = arith.constant 1.000010e-05 : f32
    %mul3A_65 = vector.broadcast %mul3A_64 : f32 to vector<16xf32>
    %mul3A_66 = arith.mulf %convert_element_type3A_63, %mul3A_65 : vector<16xf32>
    %convert_element_type3A_67 = arith.fptosi %mul3A_66 : vector<16xf32> to vector<16xi32>
    %mul3A_68 = vector.broadcast %squeeze3A : i32 to vector<16xi32>
    %mul3A_69 = arith.muli %convert_element_type3A_67, %mul3A_68 : vector<16xi32>
    %sub3A_70 = arith.subi %xor3A_62, %mul3A_69 : vector<16xi32>
    %shift_right_arithmetic3A_71 = arith.constant 31 : i32
    %shift_right_arithmetic3A_72 = vector.broadcast %shift_right_arithmetic3A_71 : i32 to vector<16xi32>
    %shift_right_arithmetic3A_73 = arith.shrsi %sub3A_70, %shift_right_arithmetic3A_72 : vector<16xi32>
    %mul3A_74 = vector.broadcast %squeeze3A : i32 to vector<16xi32>
    %mul3A_75 = arith.muli %shift_right_arithmetic3A_73, %mul3A_74 : vector<16xi32>
    %sub3A_76 = arith.subi %sub3A_70, %mul3A_75 : vector<16xi32>
    %sub3A_77 = vector.broadcast %squeeze3A : i32 to vector<16xi32>
    %sub3A_78 = arith.subi %sub3A_76, %sub3A_77 : vector<16xi32>
    %shift_right_arithmetic3A_79 = arith.constant 31 : i32
    %shift_right_arithmetic3A_80 = vector.broadcast %shift_right_arithmetic3A_79 : i32 to vector<16xi32>
    %shift_right_arithmetic3A_81 = arith.shrsi %sub3A_78, %shift_right_arithmetic3A_80 : vector<16xi32>
    %mul3A_82 = vector.broadcast %squeeze3A : i32 to vector<16xi32>
    %mul3A_83 = arith.muli %shift_right_arithmetic3A_81, %mul3A_82 : vector<16xi32>
    %sub3A_84 = arith.subi %sub3A_78, %mul3A_83 : vector<16xi32>
    %swap3A_85 = arith.constant 0 : i32
    %swap3A_86 = arith.index_cast %swap3A_85 : i32 to index
    %swap3A_87 = arith.constant 16 : index
    %swap3A_88 = tpu.vector_load %arg7[%swap3A_86, %swap3A_87] {strides = array<i32>} : memref<4x128xi32, #tpu.memory_space<vmem>>, vector<1x16xi32>,
    %swap3A_89 = vector.shape_cast %swap3A_88 : vector<1x16xi32> to vector<16xi32>
    %swap3A_90 = vector.shape_cast %sub3A_84 : vector<16xi32> to vector<1x16xi32>
    tpu.vector_store %arg7[%swap3A_86, %swap3A_87], %swap3A_90 {strides = array<i32>} : memref<4x128xi32, #tpu.memory_space<vmem>>, vector<1x16xi32>,
    %get3A_91 = arith.constant 39 : index
    %get3A_92 = tpu.vector_load %arg6[%get3A_91] {strides = array<i32>} : memref<520xi32, #tpu.memory_space<vmem>>, vector<16xi32>,
    %get3A_93 = vector.shape_cast %get3A_92 : vector<16xi32> to vector<16xi32>
    %get3A_94 = arith.constant 40 : index
    %get3A_95 = tpu.vector_load %arg6[%get3A_94] {strides = array<i32>} : memref<520xi32, #tpu.memory_space<vmem>>, vector<16xi32>,
    %get3A_96 = vector.shape_cast %get3A_95 : vector<16xi32> to vector<16xi32>
    %mul3A_97 = arith.constant 36313 : i32
    %mul3A_98 = vector.broadcast %mul3A_97 : i32 to vector<16xi32>
    %mul3A_99 = arith.muli %mul3A_98, %get3A_96 : vector<16xi32>
    %mul3A_100 = arith.constant 27191 : i32
    %mul3A_101 = vector.broadcast %mul3A_100 : i32 to vector<16xi32>
    %mul3A_102 = arith.muli %mul3A_101, %get3A_93 : vector<16xi32>
    %xor3A_103 = arith.xori %mul3A_99, %mul3A_102 : vector<16xi32>
    %convert_element_type3A_104 = arith.sitofp %xor3A_103 : vector<16xi32> to vector<16xf32>
    %mul3A_105 = arith.constant 1.000010e-05 : f32
    %mul3A_106 = vector.broadcast %mul3A_105 : f32 to vector<16xf32>
    %mul3A_107 = arith.mulf %convert_element_type3A_104, %mul3A_106 : vector<16xf32>
    %convert_element_type3A_108 = arith.fptosi %mul3A_107 : vector<16xf32> to vector<16xi32>
    %mul3A_109 = vector.broadcast %squeeze3A : i32 to vector<16xi32>
    %mul3A_110 = arith.muli %convert_element_type3A_108, %mul3A_109 : vector<16xi32>
    %sub3A_111 = arith.subi %xor3A_103, %mul3A_110 : vector<16xi32>
    %shift_right_arithmetic3A_112 = arith.constant 31 : i32
    %shift_right_arithmetic3A_113 = vector.broadcast %shift_right_arithmetic3A_112 : i32 to vector<16xi32>
    %shift_right_arithmetic3A_114 = arith.shrsi %sub3A_111, %shift_right_arithmetic3A_113 : vector<16xi32>
    %mul3A_115 = vector.broadcast %squeeze3A : i32 to vector<16xi32>
    %mul3A_116 = arith.muli %shift_right_arithmetic3A_114, %mul3A_115 : vector<16xi32>
    %sub3A_117 = arith.subi %sub3A_111, %mul3A_116 : vector<16xi32>
    %sub3A_118 = vector.broadcast %squeeze3A : i32 to vector<16xi32>
    %sub3A_119 = arith.subi %sub3A_117, %sub3A_118 : vector<16xi32>
    %shift_right_arithmetic3A_120 = arith.constant 31 : i32
    %shift_right_arithmetic3A_121 = vector.broadcast %shift_right_arithmetic3A_120 : i32 to vector<16xi32>
    %shift_right_arithmetic3A_122 = arith.shrsi %sub3A_119, %shift_right_arithmetic3A_121 : vector<16xi32>
    %mul3A_123 = vector.broadcast %squeeze3A : i32 to vector<16xi32>
    %mul3A_124 = arith.muli %shift_right_arithmetic3A_122, %mul3A_123 : vector<16xi32>
    %sub3A_125 = arith.subi %sub3A_119, %mul3A_124 : vector<16xi32>
    %swap3A_126 = arith.constant 0 : i32
    %swap3A_127 = arith.index_cast %swap3A_126 : i32 to index
    %swap3A_128 = arith.constant 32 : index
    %swap3A_129 = tpu.vector_load %arg7[%swap3A_127, %swap3A_128] {strides = array<i32>} : memref<4x128xi32, #tpu.memory_space<vmem>>, vector<1x16xi32>,
    %swap3A_130 = vector.shape_cast %swap3A_129 : vector<1x16xi32> to vector<16xi32>
    %swap3A_131 = vector.shape_cast %sub3A_125 : vector<16xi32> to vector<1x16xi32>
    tpu.vector_store %arg7[%swap3A_127, %swap3A_128], %swap3A_131 {strides = array<i32>} : memref<4x128xi32, #tpu.memory_space<vmem>>, vector<1x16xi32>,
    %get3A_132 = arith.constant 55 : index
    %get3A_133 = tpu.vector_load %arg6[%get3A_132] {strides = array<i32>} : memref<520xi32, #tpu.memory_space<vmem>>, vector<16xi32>,
    %get3A_134 = vector.shape_cast %get3A_133 : vector<16xi32> to vector<16xi32>
    %get3A_135 = arith.constant 56 : index
    %get3A_136 = tpu.vector_load %arg6[%get3A_135] {strides = array<i32>} : memref<520xi32, #tpu.memory_space<vmem>>, vector<16xi32>,
    %get3A_137 = vector.shape_cast %get3A_136 : vector<16xi32> to vector<16xi32>
    %mul3A_138 = arith.constant 36313 : i32
    %mul3A_139 = vector.broadcast %mul3A_138 : i32 to vector<16xi32>
    %mul3A_140 = arith.muli %mul3A_139, %get3A_137 : vector<16xi32>
    %mul3A_141 = arith.constant 27191 : i32
    %mul3A_142 = vector.broadcast %mul3A_141 : i32 to vector<16xi32>
    %mul3A_143 = arith.muli %mul3A_142, %get3A_134 : vector<16xi32>
    %xor3A_144 = arith.xori %mul3A_140, %mul3A_143 : vector<16xi32>
    %convert_element_type3A_145 = arith.sitofp %xor3A_144 : vector<16xi32> to vector<16xf32>
    %mul3A_146 = arith.constant 1.000010e-05 : f32
    %mul3A_147 = vector.broadcast %mul3A_146 : f32 to vector<16xf32>
    %mul3A_148 = arith.mulf %convert_element_type3A_145, %mul3A_147 : vector<16xf32>
    %convert_element_type3A_149 = arith.fptosi %mul3A_148 : vector<16xf32> to vector<16xi32>
    %mul3A_150 = vector.broadcast %squeeze3A : i32 to vector<16xi32>
    %mul3A_151 = arith.muli %convert_element_type3A_149, %mul3A_150 : vector<16xi32>
    %sub3A_152 = arith.subi %xor3A_144, %mul3A_151 : vector<16xi32>
    %shift_right_arithmetic3A_153 = arith.constant 31 : i32
    %shift_right_arithmetic3A_154 = vector.broadcast %shift_right_arithmetic3A_153 : i32 to vector<16xi32>
    %shift_right_arithmetic3A_155 = arith.shrsi %sub3A_152, %shift_right_arithmetic3A_154 : vector<16xi32>
    %mul3A_156 = vector.broadcast %squeeze3A : i32 to vector<16xi32>
    %mul3A_157 = arith.muli %shift_right_arithmetic3A_155, %mul3A_156 : vector<16xi32>
    %sub3A_158 = arith.subi %sub3A_152, %mul3A_157 : vector<16xi32>
    %sub3A_159 = vector.broadcast %squeeze3A : i32 to vector<16xi32>
    %sub3A_160 = arith.subi %sub3A_158, %sub3A_159 : vector<16xi32>
    %shift_right_arithmetic3A_161 = arith.constant 31 : i32
    %shift_right_arithmetic3A_162 = vector.broadcast %shift_right_arithmetic3A_161 : i32 to vector<16xi32>
    %shift_right_arithmetic3A_163 = arith.shrsi %sub3A_160, %shift_right_arithmetic3A_162 : vector<16xi32>
    %mul3A_164 = vector.broadcast %squeeze3A : i32 to vector<16xi32>
    %mul3A_165 = arith.muli %shift_right_arithmetic3A_163, %mul3A_164 : vector<16xi32>
    %sub3A_166 = arith.subi %sub3A_160, %mul3A_165 : vector<16xi32>
    %swap3A_167 = arith.constant 0 : i32
    %swap3A_168 = arith.index_cast %swap3A_167 : i32 to index
    %swap3A_169 = arith.constant 48 : index
    %swap3A_170 = tpu.vector_load %arg7[%swap3A_168, %swap3A_169] {strides = array<i32>} : memref<4x128xi32, #tpu.memory_space<vmem>>, vector<1x16xi32>,
    %swap3A_171 = vector.shape_cast %swap3A_170 : vector<1x16xi32> to vector<16xi32>
    %swap3A_172 = vector.shape_cast %sub3A_166 : vector<16xi32> to vector<1x16xi32>
    tpu.vector_store %arg7[%swap3A_168, %swap3A_169], %swap3A_172 {strides = array<i32>} : memref<4x128xi32, #tpu.memory_space<vmem>>, vector<1x16xi32>,
    %get3A_173 = arith.constant 71 : index
    %get3A_174 = tpu.vector_load %arg6[%get3A_173] {strides = array<i32>} : memref<520xi32, #tpu.memory_space<vmem>>, vector<16xi32>,
    %get3A_175 = vector.shape_cast %get3A_174 : vector<16xi32> to vector<16xi32>
    %get3A_176 = arith.constant 72 : index
    %get3A_177 = tpu.vector_load %arg6[%get3A_176] {strides = array<i32>} : memref<520xi32, #tpu.memory_space<vmem>>, vector<16xi32>,
    %get3A_178 = vector.shape_cast %get3A_177 : vector<16xi32> to vector<16xi32>
    %mul3A_179 = arith.constant 36313 : i32
    %mul3A_180 = vector.broadcast %mul3A_179 : i32 to vector<16xi32>
    %mul3A_181 = arith.muli %mul3A_180, %get3A_178 : vector<16xi32>
    %mul3A_182 = arith.constant 27191 : i32
    %mul3A_183 = vector.broadcast %mul3A_182 : i32 to vector<16xi32>
    %mul3A_184 = arith.muli %mul3A_183, %get3A_175 : vector<16xi32>
    %xor3A_185 = arith.xori %mul3A_181, %mul3A_184 : vector<16xi32>
    %convert_element_type3A_186 = arith.sitofp %xor3A_185 : vector<16xi32> to vector<16xf32>
    %mul3A_187 = arith.constant 1.000010e-05 : f32
    %mul3A_188 = vector.broadcast %mul3A_187 : f32 to vector<16xf32>
    %mul3A_189 = arith.mulf %convert_element_type3A_186, %mul3A_188 : vector<16xf32>
    %convert_element_type3A_190 = arith.fptosi %mul3A_189 : vector<16xf32> to vector<16xi32>
    %mul3A_191 = vector.broadcast %squeeze3A : i32 to vector<16xi32>
    %mul3A_192 = arith.muli %convert_element_type3A_190, %mul3A_191 : vector<16xi32>
    %sub3A_193 = arith.subi %xor3A_185, %mul3A_192 : vector<16xi32>
    %shift_right_arithmetic3A_194 = arith.constant 31 : i32
    %shift_right_arithmetic3A_195 = vector.broadcast %shift_right_arithmetic3A_194 : i32 to vector<16xi32>
    %shift_right_arithmetic3A_196 = arith.shrsi %sub3A_193, %shift_right_arithmetic3A_195 : vector<16xi32>
    %mul3A_197 = vector.broadcast %squeeze3A : i32 to vector<16xi32>
    %mul3A_198 = arith.muli %shift_right_arithmetic3A_196, %mul3A_197 : vector<16xi32>
    %sub3A_199 = arith.subi %sub3A_193, %mul3A_198 : vector<16xi32>
    %sub3A_200 = vector.broadcast %squeeze3A : i32 to vector<16xi32>
    %sub3A_201 = arith.subi %sub3A_199, %sub3A_200 : vector<16xi32>
    %shift_right_arithmetic3A_202 = arith.constant 31 : i32
    %shift_right_arithmetic3A_203 = vector.broadcast %shift_right_arithmetic3A_202 : i32 to vector<16xi32>
    %shift_right_arithmetic3A_204 = arith.shrsi %sub3A_201, %shift_right_arithmetic3A_203 : vector<16xi32>
    %mul3A_205 = vector.broadcast %squeeze3A : i32 to vector<16xi32>
    %mul3A_206 = arith.muli %shift_right_arithmetic3A_204, %mul3A_205 : vector<16xi32>
    %sub3A_207 = arith.subi %sub3A_201, %mul3A_206 : vector<16xi32>
    %swap3A_208 = arith.constant 0 : i32
    %swap3A_209 = arith.index_cast %swap3A_208 : i32 to index
    %swap3A_210 = arith.constant 64 : index
    %swap3A_211 = tpu.vector_load %arg7[%swap3A_209, %swap3A_210] {strides = array<i32>} : memref<4x128xi32, #tpu.memory_space<vmem>>, vector<1x16xi32>,
    %swap3A_212 = vector.shape_cast %swap3A_211 : vector<1x16xi32> to vector<16xi32>
    %swap3A_213 = vector.shape_cast %sub3A_207 : vector<16xi32> to vector<1x16xi32>
    tpu.vector_store %arg7[%swap3A_209, %swap3A_210], %swap3A_213 {strides = array<i32>} : memref<4x128xi32, #tpu.memory_space<vmem>>, vector<1x16xi32>,
    %get3A_214 = arith.constant 87 : index
    %get3A_215 = tpu.vector_load %arg6[%get3A_214] {strides = array<i32>} : memref<520xi32, #tpu.memory_space<vmem>>, vector<16xi32>,
    %get3A_216 = vector.shape_cast %get3A_215 : vector<16xi32> to vector<16xi32>
    %get3A_217 = arith.constant 88 : index
    %get3A_218 = tpu.vector_load %arg6[%get3A_217] {strides = array<i32>} : memref<520xi32, #tpu.memory_space<vmem>>, vector<16xi32>,
    %get3A_219 = vector.shape_cast %get3A_218 : vector<16xi32> to vector<16xi32>
    %mul3A_220 = arith.constant 36313 : i32
    %mul3A_221 = vector.broadcast %mul3A_220 : i32 to vector<16xi32>
    %mul3A_222 = arith.muli %mul3A_221, %get3A_219 : vector<16xi32>
    %mul3A_223 = arith.constant 27191 : i32
    %mul3A_224 = vector.broadcast %mul3A_223 : i32 to vector<16xi32>
    %mul3A_225 = arith.muli %mul3A_224, %get3A_216 : vector<16xi32>
    %xor3A_226 = arith.xori %mul3A_222, %mul3A_225 : vector<16xi32>
    %convert_element_type3A_227 = arith.sitofp %xor3A_226 : vector<16xi32> to vector<16xf32>
    %mul3A_228 = arith.constant 1.000010e-05 : f32
    %mul3A_229 = vector.broadcast %mul3A_228 : f32 to vector<16xf32>
    %mul3A_230 = arith.mulf %convert_element_type3A_227, %mul3A_229 : vector<16xf32>
    %convert_element_type3A_231 = arith.fptosi %mul3A_230 : vector<16xf32> to vector<16xi32>
    %mul3A_232 = vector.broadcast %squeeze3A : i32 to vector<16xi32>
    %mul3A_233 = arith.muli %convert_element_type3A_231, %mul3A_232 : vector<16xi32>
    %sub3A_234 = arith.subi %xor3A_226, %mul3A_233 : vector<16xi32>
    %shift_right_arithmetic3A_235 = arith.constant 31 : i32
    %shift_right_arithmetic3A_236 = vector.broadcast %shift_right_arithmetic3A_235 : i32 to vector<16xi32>
    %shift_right_arithmetic3A_237 = arith.shrsi %sub3A_234, %shift_right_arithmetic3A_236 : vector<16xi32>
    %mul3A_238 = vector.broadcast %squeeze3A : i32 to vector<16xi32>
    %mul3A_239 = arith.muli %shift_right_arithmetic3A_237, %mul3A_238 : vector<16xi32>
    %sub3A_240 = arith.subi %sub3A_234, %mul3A_239 : vector<16xi32>
    %sub3A_241 = vector.broadcast %squeeze3A : i32 to vector<16xi32>
    %sub3A_242 = arith.subi %sub3A_240, %sub3A_241 : vector<16xi32>
    %shift_right_arithmetic3A_243 = arith.constant 31 : i32
    %shift_right_arithmetic3A_244 = vector.broadcast %shift_right_arithmetic3A_243 : i32 to vector<16xi32>
    %shift_right_arithmetic3A_245 = arith.shrsi %sub3A_242, %shift_right_arithmetic3A_244 : vector<16xi32>
    %mul3A_246 = vector.broadcast %squeeze3A : i32 to vector<16xi32>
    %mul3A_247 = arith.muli %shift_right_arithmetic3A_245, %mul3A_246 : vector<16xi32>
    %sub3A_248 = arith.subi %sub3A_242, %mul3A_247 : vector<16xi32>
    %swap3A_249 = arith.constant 0 : i32
    %swap3A_250 = arith.index_cast %swap3A_249 : i32 to index
    %swap3A_251 = arith.constant 80 : index
    %swap3A_252 = tpu.vector_load %arg7[%swap3A_250, %swap3A_251] {strides = array<i32>} : memref<4x128xi32, #tpu.memory_space<vmem>>, vector<1x16xi32>,
    %swap3A_253 = vector.shape_cast %swap3A_252 : vector<1x16xi32> to vector<16xi32>
    %swap3A_254 = vector.shape_cast %sub3A_248 : vector<16xi32> to vector<1x16xi32>
    tpu.vector_store %arg7[%swap3A_250, %swap3A_251], %swap3A_254 {strides = array<i32>} : memref<4x128xi32, #tpu.memory_space<vmem>>, vector<1x16xi32>,
    %get3A_255 = arith.constant 103 : index
    %get3A_256 = tpu.vector_load %arg6[%get3A_255] {strides = array<i32>} : memref<520xi32, #tpu.memory_space<vmem>>, vector<16xi32>,
    %get3A_257 = vector.shape_cast %get3A_256 : vector<16xi32> to vector<16xi32>
    %get3A_258 = arith.constant 104 : index
    %get3A_259 = tpu.vector_load %arg6[%get3A_258] {strides = array<i32>} : memref<520xi32, #tpu.memory_space<vmem>>, vector<16xi32>,
    %get3A_260 = vector.shape_cast %get3A_259 : vector<16xi32> to vector<16xi32>
    %mul3A_261 = arith.constant 36313 : i32
    %mul3A_262 = vector.broadcast %mul3A_261 : i32 to vector<16xi32>
    %mul3A_263 = arith.muli %mul3A_262, %get3A_260 : vector<16xi32>
    %mul3A_264 = arith.constant 27191 : i32
    %mul3A_265 = vector.broadcast %mul3A_264 : i32 to vector<16xi32>
    %mul3A_266 = arith.muli %mul3A_265, %get3A_257 : vector<16xi32>
    %xor3A_267 = arith.xori %mul3A_263, %mul3A_266 : vector<16xi32>
    %convert_element_type3A_268 = arith.sitofp %xor3A_267 : vector<16xi32> to vector<16xf32>
    %mul3A_269 = arith.constant 1.000010e-05 : f32
    %mul3A_270 = vector.broadcast %mul3A_269 : f32 to vector<16xf32>
    %mul3A_271 = arith.mulf %convert_element_type3A_268, %mul3A_270 : vector<16xf32>
    %convert_element_type3A_272 = arith.fptosi %mul3A_271 : vector<16xf32> to vector<16xi32>
    %mul3A_273 = vector.broadcast %squeeze3A : i32 to vector<16xi32>
    %mul3A_274 = arith.muli %convert_element_type3A_272, %mul3A_273 : vector<16xi32>
    %sub3A_275 = arith.subi %xor3A_267, %mul3A_274 : vector<16xi32>
    %shift_right_arithmetic3A_276 = arith.constant 31 : i32
    %shift_right_arithmetic3A_277 = vector.broadcast %shift_right_arithmetic3A_276 : i32 to vector<16xi32>
    %shift_right_arithmetic3A_278 = arith.shrsi %sub3A_275, %shift_right_arithmetic3A_277 : vector<16xi32>
    %mul3A_279 = vector.broadcast %squeeze3A : i32 to vector<16xi32>
    %mul3A_280 = arith.muli %shift_right_arithmetic3A_278, %mul3A_279 : vector<16xi32>
    %sub3A_281 = arith.subi %sub3A_275, %mul3A_280 : vector<16xi32>
    %sub3A_282 = vector.broadcast %squeeze3A : i32 to vector<16xi32>
    %sub3A_283 = arith.subi %sub3A_281, %sub3A_282 : vector<16xi32>
    %shift_right_arithmetic3A_284 = arith.constant 31 : i32
    %shift_right_arithmetic3A_285 = vector.broadcast %shift_right_arithmetic3A_284 : i32 to vector<16xi32>
    %shift_right_arithmetic3A_286 = arith.shrsi %sub3A_283, %shift_right_arithmetic3A_285 : vector<16xi32>
    %mul3A_287 = vector.broadcast %squeeze3A : i32 to vector<16xi32>
    %mul3A_288 = arith.muli %shift_right_arithmetic3A_286, %mul3A_287 : vector<16xi32>
    %sub3A_289 = arith.subi %sub3A_283, %mul3A_288 : vector<16xi32>
    %swap3A_290 = arith.constant 0 : i32
    %swap3A_291 = arith.index_cast %swap3A_290 : i32 to index
    %swap3A_292 = arith.constant 96 : index
    %swap3A_293 = tpu.vector_load %arg7[%swap3A_291, %swap3A_292] {strides = array<i32>} : memref<4x128xi32, #tpu.memory_space<vmem>>, vector<1x16xi32>,
    %swap3A_294 = vector.shape_cast %swap3A_293 : vector<1x16xi32> to vector<16xi32>
    %swap3A_295 = vector.shape_cast %sub3A_289 : vector<16xi32> to vector<1x16xi32>
    tpu.vector_store %arg7[%swap3A_291, %swap3A_292], %swap3A_295 {strides = array<i32>} : memref<4x128xi32, #tpu.memory_space<vmem>>, vector<1x16xi32>,
    %get3A_296 = arith.constant 119 : index
    %get3A_297 = tpu.vector_load %arg6[%get3A_296] {strides = array<i32>} : memref<520xi32, #tpu.memory_space<vmem>>, vector<16xi32>,
    %get3A_298 = vector.shape_cast %get3A_297 : vector<16xi32> to vector<16xi32>
    %get3A_299 = arith.constant 120 : index
    %get3A_300 = tpu.vector_load %arg6[%get3A_299] {strides = array<i32>} : memref<520xi32, #tpu.memory_space<vmem>>, vector<16xi32>,
    %get3A_301 = vector.shape_cast %get3A_300 : vector<16xi32> to vector<16xi32>
    %mul3A_302 = arith.constant 36313 : i32
    %mul3A_303 = vector.broadcast %mul3A_302 : i32 to vector<16xi32>
    %mul3A_304 = arith.muli %mul3A_303, %get3A_301 : vector<16xi32>
    %mul3A_305 = arith.constant 27191 : i32
    %mul3A_306 = vector.broadcast %mul3A_305 : i32 to vector<16xi32>
    %mul3A_307 = arith.muli %mul3A_306, %get3A_298 : vector<16xi32>
    %xor3A_308 = arith.xori %mul3A_304, %mul3A_307 : vector<16xi32>
    %convert_element_type3A_309 = arith.sitofp %xor3A_308 : vector<16xi32> to vector<16xf32>
    %mul3A_310 = arith.constant 1.000010e-05 : f32
    %mul3A_311 = vector.broadcast %mul3A_310 : f32 to vector<16xf32>
    %mul3A_312 = arith.mulf %convert_element_type3A_309, %mul3A_311 : vector<16xf32>
    %convert_element_type3A_313 = arith.fptosi %mul3A_312 : vector<16xf32> to vector<16xi32>
    %mul3A_314 = vector.broadcast %squeeze3A : i32 to vector<16xi32>
    %mul3A_315 = arith.muli %convert_element_type3A_313, %mul3A_314 : vector<16xi32>
    %sub3A_316 = arith.subi %xor3A_308, %mul3A_315 : vector<16xi32>
    %shift_right_arithmetic3A_317 = arith.constant 31 : i32
    %shift_right_arithmetic3A_318 = vector.broadcast %shift_right_arithmetic3A_317 : i32 to vector<16xi32>
    %shift_right_arithmetic3A_319 = arith.shrsi %sub3A_316, %shift_right_arithmetic3A_318 : vector<16xi32>
    %mul3A_320 = vector.broadcast %squeeze3A : i32 to vector<16xi32>
    %mul3A_321 = arith.muli %shift_right_arithmetic3A_319, %mul3A_320 : vector<16xi32>
    %sub3A_322 = arith.subi %sub3A_316, %mul3A_321 : vector<16xi32>
    %sub3A_323 = vector.broadcast %squeeze3A : i32 to vector<16xi32>
    %sub3A_324 = arith.subi %sub3A_322, %sub3A_323 : vector<16xi32>
    %shift_right_arithmetic3A_325 = arith.constant 31 : i32
    %shift_right_arithmetic3A_326 = vector.broadcast %shift_right_arithmetic3A_325 : i32 to vector<16xi32>
    %shift_right_arithmetic3A_327 = arith.shrsi %sub3A_324, %shift_right_arithmetic3A_326 : vector<16xi32>
    %mul3A_328 = vector.broadcast %squeeze3A : i32 to vector<16xi32>
    %mul3A_329 = arith.muli %shift_right_arithmetic3A_327, %mul3A_328 : vector<16xi32>
    %sub3A_330 = arith.subi %sub3A_324, %mul3A_329 : vector<16xi32>
    %swap3A_331 = arith.constant 0 : i32
    %swap3A_332 = arith.index_cast %swap3A_331 : i32 to index
    %swap3A_333 = arith.constant 112 : index
    %swap3A_334 = tpu.vector_load %arg7[%swap3A_332, %swap3A_333] {strides = array<i32>} : memref<4x128xi32, #tpu.memory_space<vmem>>, vector<1x16xi32>,
    %swap3A_335 = vector.shape_cast %swap3A_334 : vector<1x16xi32> to vector<16xi32>
    %swap3A_336 = vector.shape_cast %sub3A_330 : vector<16xi32> to vector<1x16xi32>
    tpu.vector_store %arg7[%swap3A_332, %swap3A_333], %swap3A_336 {strides = array<i32>} : memref<4x128xi32, #tpu.memory_space<vmem>>, vector<1x16xi32>,
    %get3A_337 = arith.constant 135 : index
    %get3A_338 = tpu.vector_load %arg6[%get3A_337] {strides = array<i32>} : memref<520xi32, #tpu.memory_space<vmem>>, vector<16xi32>,
    %get3A_339 = vector.shape_cast %get3A_338 : vector<16xi32> to vector<16xi32>
    %get3A_340 = arith.constant 136 : index
    %get3A_341 = tpu.vector_load %arg6[%get3A_340] {strides = array<i32>} : memref<520xi32, #tpu.memory_space<vmem>>, vector<16xi32>,
    %get3A_342 = vector.shape_cast %get3A_341 : vector<16xi32> to vector<16xi32>
    %mul3A_343 = arith.constant 36313 : i32
    %mul3A_344 = vector.broadcast %mul3A_343 : i32 to vector<16xi32>
    %mul3A_345 = arith.muli %mul3A_344, %get3A_342 : vector<16xi32>
    %mul3A_346 = arith.constant 27191 : i32
    %mul3A_347 = vector.broadcast %mul3A_346 : i32 to vector<16xi32>
    %mul3A_348 = arith.muli %mul3A_347, %get3A_339 : vector<16xi32>
    %xor3A_349 = arith.xori %mul3A_345, %mul3A_348 : vector<16xi32>
    %convert_element_type3A_350 = arith.sitofp %xor3A_349 : vector<16xi32> to vector<16xf32>
    %mul3A_351 = arith.constant 1.000010e-05 : f32
    %mul3A_352 = vector.broadcast %mul3A_351 : f32 to vector<16xf32>
    %mul3A_353 = arith.mulf %convert_element_type3A_350, %mul3A_352 : vector<16xf32>
    %convert_element_type3A_354 = arith.fptosi %mul3A_353 : vector<16xf32> to vector<16xi32>
    %mul3A_355 = vector.broadcast %squeeze3A : i32 to vector<16xi32>
    %mul3A_356 = arith.muli %convert_element_type3A_354, %mul3A_355 : vector<16xi32>
    %sub3A_357 = arith.subi %xor3A_349, %mul3A_356 : vector<16xi32>
    %shift_right_arithmetic3A_358 = arith.constant 31 : i32
    %shift_right_arithmetic3A_359 = vector.broadcast %shift_right_arithmetic3A_358 : i32 to vector<16xi32>
    %shift_right_arithmetic3A_360 = arith.shrsi %sub3A_357, %shift_right_arithmetic3A_359 : vector<16xi32>
    %mul3A_361 = vector.broadcast %squeeze3A : i32 to vector<16xi32>
    %mul3A_362 = arith.muli %shift_right_arithmetic3A_360, %mul3A_361 : vector<16xi32>
    %sub3A_363 = arith.subi %sub3A_357, %mul3A_362 : vector<16xi32>
    %sub3A_364 = vector.broadcast %squeeze3A : i32 to vector<16xi32>
    %sub3A_365 = arith.subi %sub3A_363, %sub3A_364 : vector<16xi32>
    %shift_right_arithmetic3A_366 = arith.constant 31 : i32
    %shift_right_arithmetic3A_367 = vector.broadcast %shift_right_arithmetic3A_366 : i32 to vector<16xi32>
    %shift_right_arithmetic3A_368 = arith.shrsi %sub3A_365, %shift_right_arithmetic3A_367 : vector<16xi32>
    %mul3A_369 = vector.broadcast %squeeze3A : i32 to vector<16xi32>
    %mul3A_370 = arith.muli %shift_right_arithmetic3A_368, %mul3A_369 : vector<16xi32>
    %sub3A_371 = arith.subi %sub3A_365, %mul3A_370 : vector<16xi32>
    %swap3A_372 = arith.constant 1 : i32
    %swap3A_373 = arith.index_cast %swap3A_372 : i32 to index
    %swap3A_374 = arith.constant 0 : index
    %swap3A_375 = tpu.vector_load %arg7[%swap3A_373, %swap3A_374] {strides = array<i32>} : memref<4x128xi32, #tpu.memory_space<vmem>>, vector<1x16xi32>,
    %swap3A_376 = vector.shape_cast %swap3A_375 : vector<1x16xi32> to vector<16xi32>
    %swap3A_377 = vector.shape_cast %sub3A_371 : vector<16xi32> to vector<1x16xi32>
    tpu.vector_store %arg7[%swap3A_373, %swap3A_374], %swap3A_377 {strides = array<i32>} : memref<4x128xi32, #tpu.memory_space<vmem>>, vector<1x16xi32>,
    %get3A_378 = arith.constant 151 : index
    %get3A_379 = tpu.vector_load %arg6[%get3A_378] {strides = array<i32>} : memref<520xi32, #tpu.memory_space<vmem>>, vector<16xi32>,
    %get3A_380 = vector.shape_cast %get3A_379 : vector<16xi32> to vector<16xi32>
    %get3A_381 = arith.constant 152 : index
    %get3A_382 = tpu.vector_load %arg6[%get3A_381] {strides = array<i32>} : memref<520xi32, #tpu.memory_space<vmem>>, vector<16xi32>,
    %get3A_383 = vector.shape_cast %get3A_382 : vector<16xi32> to vector<16xi32>
    %mul3A_384 = arith.constant 36313 : i32
    %mul3A_385 = vector.broadcast %mul3A_384 : i32 to vector<16xi32>
    %mul3A_386 = arith.muli %mul3A_385, %get3A_383 : vector<16xi32>
    %mul3A_387 = arith.constant 27191 : i32
    %mul3A_388 = vector.broadcast %mul3A_387 : i32 to vector<16xi32>
    %mul3A_389 = arith.muli %mul3A_388, %get3A_380 : vector<16xi32>
    %xor3A_390 = arith.xori %mul3A_386, %mul3A_389 : vector<16xi32>
    %convert_element_type3A_391 = arith.sitofp %xor3A_390 : vector<16xi32> to vector<16xf32>
    %mul3A_392 = arith.constant 1.000010e-05 : f32
    %mul3A_393 = vector.broadcast %mul3A_392 : f32 to vector<16xf32>
    %mul3A_394 = arith.mulf %convert_element_type3A_391, %mul3A_393 : vector<16xf32>
    %convert_element_type3A_395 = arith.fptosi %mul3A_394 : vector<16xf32> to vector<16xi32>
    %mul3A_396 = vector.broadcast %squeeze3A : i32 to vector<16xi32>
    %mul3A_397 = arith.muli %convert_element_type3A_395, %mul3A_396 : vector<16xi32>
    %sub3A_398 = arith.subi %xor3A_390, %mul3A_397 : vector<16xi32>
    %shift_right_arithmetic3A_399 = arith.constant 31 : i32
    %shift_right_arithmetic3A_400 = vector.broadcast %shift_right_arithmetic3A_399 : i32 to vector<16xi32>
    %shift_right_arithmetic3A_401 = arith.shrsi %sub3A_398, %shift_right_arithmetic3A_400 : vector<16xi32>
    %mul3A_402 = vector.broadcast %squeeze3A : i32 to vector<16xi32>
    %mul3A_403 = arith.muli %shift_right_arithmetic3A_401, %mul3A_402 : vector<16xi32>
    %sub3A_404 = arith.subi %sub3A_398, %mul3A_403 : vector<16xi32>
    %sub3A_405 = vector.broadcast %squeeze3A : i32 to vector<16xi32>
    %sub3A_406 = arith.subi %sub3A_404, %sub3A_405 : vector<16xi32>
    %shift_right_arithmetic3A_407 = arith.constant 31 : i32
    %shift_right_arithmetic3A_408 = vector.broadcast %shift_right_arithmetic3A_407 : i32 to vector<16xi32>
    %shift_right_arithmetic3A_409 = arith.shrsi %sub3A_406, %shift_right_arithmetic3A_408 : vector<16xi32>
    %mul3A_410 = vector.broadcast %squeeze3A : i32 to vector<16xi32>
    %mul3A_411 = arith.muli %shift_right_arithmetic3A_409, %mul3A_410 : vector<16xi32>
    %sub3A_412 = arith.subi %sub3A_406, %mul3A_411 : vector<16xi32>
    %swap3A_413 = arith.constant 1 : i32
    %swap3A_414 = arith.index_cast %swap3A_413 : i32 to index
    %swap3A_415 = arith.constant 16 : index
    %swap3A_416 = tpu.vector_load %arg7[%swap3A_414, %swap3A_415] {strides = array<i32>} : memref<4x128xi32, #tpu.memory_space<vmem>>, vector<1x16xi32>,
    %swap3A_417 = vector.shape_cast %swap3A_416 : vector<1x16xi32> to vector<16xi32>
    %swap3A_418 = vector.shape_cast %sub3A_412 : vector<16xi32> to vector<1x16xi32>
    tpu.vector_store %arg7[%swap3A_414, %swap3A_415], %swap3A_418 {strides = array<i32>} : memref<4x128xi32, #tpu.memory_space<vmem>>, vector<1x16xi32>,
    %get3A_419 = arith.constant 167 : index
    %get3A_420 = tpu.vector_load %arg6[%get3A_419] {strides = array<i32>} : memref<520xi32, #tpu.memory_space<vmem>>, vector<16xi32>,
    %get3A_421 = vector.shape_cast %get3A_420 : vector<16xi32> to vector<16xi32>
    %get3A_422 = arith.constant 168 : index
    %get3A_423 = tpu.vector_load %arg6[%get3A_422] {strides = array<i32>} : memref<520xi32, #tpu.memory_space<vmem>>, vector<16xi32>,
    %get3A_424 = vector.shape_cast %get3A_423 : vector<16xi32> to vector<16xi32>
    %mul3A_425 = arith.constant 36313 : i32
    %mul3A_426 = vector.broadcast %mul3A_425 : i32 to vector<16xi32>
    %mul3A_427 = arith.muli %mul3A_426, %get3A_424 : vector<16xi32>
    %mul3A_428 = arith.constant 27191 : i32
    %mul3A_429 = vector.broadcast %mul3A_428 : i32 to vector<16xi32>
    %mul3A_430 = arith.muli %mul3A_429, %get3A_421 : vector<16xi32>
    %xor3A_431 = arith.xori %mul3A_427, %mul3A_430 : vector<16xi32>
    %convert_element_type3A_432 = arith.sitofp %xor3A_431 : vector<16xi32> to vector<16xf32>
    %mul3A_433 = arith.constant 1.000010e-05 : f32
    %mul3A_434 = vector.broadcast %mul3A_433 : f32 to vector<16xf32>
    %mul3A_435 = arith.mulf %convert_element_type3A_432, %mul3A_434 : vector<16xf32>
    %convert_element_type3A_436 = arith.fptosi %mul3A_435 : vector<16xf32> to vector<16xi32>
    %mul3A_437 = vector.broadcast %squeeze3A : i32 to vector<16xi32>
    %mul3A_438 = arith.muli %convert_element_type3A_436, %mul3A_437 : vector<16xi32>
    %sub3A_439 = arith.subi %xor3A_431, %mul3A_438 : vector<16xi32>
    %shift_right_arithmetic3A_440 = arith.constant 31 : i32
    %shift_right_arithmetic3A_441 = vector.broadcast %shift_right_arithmetic3A_440 : i32 to vector<16xi32>
    %shift_right_arithmetic3A_442 = arith.shrsi %sub3A_439, %shift_right_arithmetic3A_441 : vector<16xi32>
    %mul3A_443 = vector.broadcast %squeeze3A : i32 to vector<16xi32>
    %mul3A_444 = arith.muli %shift_right_arithmetic3A_442, %mul3A_443 : vector<16xi32>
    %sub3A_445 = arith.subi %sub3A_439, %mul3A_444 : vector<16xi32>
    %sub3A_446 = vector.broadcast %squeeze3A : i32 to vector<16xi32>
    %sub3A_447 = arith.subi %sub3A_445, %sub3A_446 : vector<16xi32>
    %shift_right_arithmetic3A_448 = arith.constant 31 : i32
    %shift_right_arithmetic3A_449 = vector.broadcast %shift_right_arithmetic3A_448 : i32 to vector<16xi32>
    %shift_right_arithmetic3A_450 = arith.shrsi %sub3A_447, %shift_right_arithmetic3A_449 : vector<16xi32>
    %mul3A_451 = vector.broadcast %squeeze3A : i32 to vector<16xi32>
    %mul3A_452 = arith.muli %shift_right_arithmetic3A_450, %mul3A_451 : vector<16xi32>
    %sub3A_453 = arith.subi %sub3A_447, %mul3A_452 : vector<16xi32>
    %swap3A_454 = arith.constant 1 : i32
    %swap3A_455 = arith.index_cast %swap3A_454 : i32 to index
    %swap3A_456 = arith.constant 32 : index
    %swap3A_457 = tpu.vector_load %arg7[%swap3A_455, %swap3A_456] {strides = array<i32>} : memref<4x128xi32, #tpu.memory_space<vmem>>, vector<1x16xi32>,
    %swap3A_458 = vector.shape_cast %swap3A_457 : vector<1x16xi32> to vector<16xi32>
    %swap3A_459 = vector.shape_cast %sub3A_453 : vector<16xi32> to vector<1x16xi32>
    tpu.vector_store %arg7[%swap3A_455, %swap3A_456], %swap3A_459 {strides = array<i32>} : memref<4x128xi32, #tpu.memory_space<vmem>>, vector<1x16xi32>,
    %get3A_460 = arith.constant 183 : index
    %get3A_461 = tpu.vector_load %arg6[%get3A_460] {strides = array<i32>} : memref<520xi32, #tpu.memory_space<vmem>>, vector<16xi32>,
    %get3A_462 = vector.shape_cast %get3A_461 : vector<16xi32> to vector<16xi32>
    %get3A_463 = arith.constant 184 : index
    %get3A_464 = tpu.vector_load %arg6[%get3A_463] {strides = array<i32>} : memref<520xi32, #tpu.memory_space<vmem>>, vector<16xi32>,
    %get3A_465 = vector.shape_cast %get3A_464 : vector<16xi32> to vector<16xi32>
    %mul3A_466 = arith.constant 36313 : i32
    %mul3A_467 = vector.broadcast %mul3A_466 : i32 to vector<16xi32>
    %mul3A_468 = arith.muli %mul3A_467, %get3A_465 : vector<16xi32>
    %mul3A_469 = arith.constant 27191 : i32
    %mul3A_470 = vector.broadcast %mul3A_469 : i32 to vector<16xi32>
    %mul3A_471 = arith.muli %mul3A_470, %get3A_462 : vector<16xi32>
    %xor3A_472 = arith.xori %mul3A_468, %mul3A_471 : vector<16xi32>
    %convert_element_type3A_473 = arith.sitofp %xor3A_472 : vector<16xi32> to vector<16xf32>
    %mul3A_474 = arith.constant 1.000010e-05 : f32
    %mul3A_475 = vector.broadcast %mul3A_474 : f32 to vector<16xf32>
    %mul3A_476 = arith.mulf %convert_element_type3A_473, %mul3A_475 : vector<16xf32>
    %convert_element_type3A_477 = arith.fptosi %mul3A_476 : vector<16xf32> to vector<16xi32>
    %mul3A_478 = vector.broadcast %squeeze3A : i32 to vector<16xi32>
    %mul3A_479 = arith.muli %convert_element_type3A_477, %mul3A_478 : vector<16xi32>
    %sub3A_480 = arith.subi %xor3A_472, %mul3A_479 : vector<16xi32>
    %shift_right_arithmetic3A_481 = arith.constant 31 : i32
    %shift_right_arithmetic3A_482 = vector.broadcast %shift_right_arithmetic3A_481 : i32 to vector<16xi32>
    %shift_right_arithmetic3A_483 = arith.shrsi %sub3A_480, %shift_right_arithmetic3A_482 : vector<16xi32>
    %mul3A_484 = vector.broadcast %squeeze3A : i32 to vector<16xi32>
    %mul3A_485 = arith.muli %shift_right_arithmetic3A_483, %mul3A_484 : vector<16xi32>
    %sub3A_486 = arith.subi %sub3A_480, %mul3A_485 : vector<16xi32>
    %sub3A_487 = vector.broadcast %squeeze3A : i32 to vector<16xi32>
    %sub3A_488 = arith.subi %sub3A_486, %sub3A_487 : vector<16xi32>
    %shift_right_arithmetic3A_489 = arith.constant 31 : i32
    %shift_right_arithmetic3A_490 = vector.broadcast %shift_right_arithmetic3A_489 : i32 to vector<16xi32>
    %shift_right_arithmetic3A_491 = arith.shrsi %sub3A_488, %shift_right_arithmetic3A_490 : vector<16xi32>
    %mul3A_492 = vector.broadcast %squeeze3A : i32 to vector<16xi32>
    %mul3A_493 = arith.muli %shift_right_arithmetic3A_491, %mul3A_492 : vector<16xi32>
    %sub3A_494 = arith.subi %sub3A_488, %mul3A_493 : vector<16xi32>
    %swap3A_495 = arith.constant 1 : i32
    %swap3A_496 = arith.index_cast %swap3A_495 : i32 to index
    %swap3A_497 = arith.constant 48 : index
    %swap3A_498 = tpu.vector_load %arg7[%swap3A_496, %swap3A_497] {strides = array<i32>} : memref<4x128xi32, #tpu.memory_space<vmem>>, vector<1x16xi32>,
    %swap3A_499 = vector.shape_cast %swap3A_498 : vector<1x16xi32> to vector<16xi32>
    %swap3A_500 = vector.shape_cast %sub3A_494 : vector<16xi32> to vector<1x16xi32>
    tpu.vector_store %arg7[%swap3A_496, %swap3A_497], %swap3A_500 {strides = array<i32>} : memref<4x128xi32, #tpu.memory_space<vmem>>, vector<1x16xi32>,
    %get3A_501 = arith.constant 199 : index
    %get3A_502 = tpu.vector_load %arg6[%get3A_501] {strides = array<i32>} : memref<520xi32, #tpu.memory_space<vmem>>, vector<16xi32>,
    %get3A_503 = vector.shape_cast %get3A_502 : vector<16xi32> to vector<16xi32>
    %get3A_504 = arith.constant 200 : index
    %get3A_505 = tpu.vector_load %arg6[%get3A_504] {strides = array<i32>} : memref<520xi32, #tpu.memory_space<vmem>>, vector<16xi32>,
    %get3A_506 = vector.shape_cast %get3A_505 : vector<16xi32> to vector<16xi32>
    %mul3A_507 = arith.constant 36313 : i32
    %mul3A_508 = vector.broadcast %mul3A_507 : i32 to vector<16xi32>
    %mul3A_509 = arith.muli %mul3A_508, %get3A_506 : vector<16xi32>
    %mul3A_510 = arith.constant 27191 : i32
    %mul3A_511 = vector.broadcast %mul3A_510 : i32 to vector<16xi32>
    %mul3A_512 = arith.muli %mul3A_511, %get3A_503 : vector<16xi32>
    %xor3A_513 = arith.xori %mul3A_509, %mul3A_512 : vector<16xi32>
    %convert_element_type3A_514 = arith.sitofp %xor3A_513 : vector<16xi32> to vector<16xf32>
    %mul3A_515 = arith.constant 1.000010e-05 : f32
    %mul3A_516 = vector.broadcast %mul3A_515 : f32 to vector<16xf32>
    %mul3A_517 = arith.mulf %convert_element_type3A_514, %mul3A_516 : vector<16xf32>
    %convert_element_type3A_518 = arith.fptosi %mul3A_517 : vector<16xf32> to vector<16xi32>
    %mul3A_519 = vector.broadcast %squeeze3A : i32 to vector<16xi32>
    %mul3A_520 = arith.muli %convert_element_type3A_518, %mul3A_519 : vector<16xi32>
    %sub3A_521 = arith.subi %xor3A_513, %mul3A_520 : vector<16xi32>
    %shift_right_arithmetic3A_522 = arith.constant 31 : i32
    %shift_right_arithmetic3A_523 = vector.broadcast %shift_right_arithmetic3A_522 : i32 to vector<16xi32>
    %shift_right_arithmetic3A_524 = arith.shrsi %sub3A_521, %shift_right_arithmetic3A_523 : vector<16xi32>
    %mul3A_525 = vector.broadcast %squeeze3A : i32 to vector<16xi32>
    %mul3A_526 = arith.muli %shift_right_arithmetic3A_524, %mul3A_525 : vector<16xi32>
    %sub3A_527 = arith.subi %sub3A_521, %mul3A_526 : vector<16xi32>
    %sub3A_528 = vector.broadcast %squeeze3A : i32 to vector<16xi32>
    %sub3A_529 = arith.subi %sub3A_527, %sub3A_528 : vector<16xi32>
    %shift_right_arithmetic3A_530 = arith.constant 31 : i32
    %shift_right_arithmetic3A_531 = vector.broadcast %shift_right_arithmetic3A_530 : i32 to vector<16xi32>
    %shift_right_arithmetic3A_532 = arith.shrsi %sub3A_529, %shift_right_arithmetic3A_531 : vector<16xi32>
    %mul3A_533 = vector.broadcast %squeeze3A : i32 to vector<16xi32>
    %mul3A_534 = arith.muli %shift_right_arithmetic3A_532, %mul3A_533 : vector<16xi32>
    %sub3A_535 = arith.subi %sub3A_529, %mul3A_534 : vector<16xi32>
    %swap3A_536 = arith.constant 1 : i32
    %swap3A_537 = arith.index_cast %swap3A_536 : i32 to index
    %swap3A_538 = arith.constant 64 : index
    %swap3A_539 = tpu.vector_load %arg7[%swap3A_537, %swap3A_538] {strides = array<i32>} : memref<4x128xi32, #tpu.memory_space<vmem>>, vector<1x16xi32>,
    %swap3A_540 = vector.shape_cast %swap3A_539 : vector<1x16xi32> to vector<16xi32>
    %swap3A_541 = vector.shape_cast %sub3A_535 : vector<16xi32> to vector<1x16xi32>
    tpu.vector_store %arg7[%swap3A_537, %swap3A_538], %swap3A_541 {strides = array<i32>} : memref<4x128xi32, #tpu.memory_space<vmem>>, vector<1x16xi32>,
    %get3A_542 = arith.constant 215 : index
    %get3A_543 = tpu.vector_load %arg6[%get3A_542] {strides = array<i32>} : memref<520xi32, #tpu.memory_space<vmem>>, vector<16xi32>,
    %get3A_544 = vector.shape_cast %get3A_543 : vector<16xi32> to vector<16xi32>
    %get3A_545 = arith.constant 216 : index
    %get3A_546 = tpu.vector_load %arg6[%get3A_545] {strides = array<i32>} : memref<520xi32, #tpu.memory_space<vmem>>, vector<16xi32>,
    %get3A_547 = vector.shape_cast %get3A_546 : vector<16xi32> to vector<16xi32>
    %mul3A_548 = arith.constant 36313 : i32
    %mul3A_549 = vector.broadcast %mul3A_548 : i32 to vector<16xi32>
    %mul3A_550 = arith.muli %mul3A_549, %get3A_547 : vector<16xi32>
    %mul3A_551 = arith.constant 27191 : i32
    %mul3A_552 = vector.broadcast %mul3A_551 : i32 to vector<16xi32>
    %mul3A_553 = arith.muli %mul3A_552, %get3A_544 : vector<16xi32>
    %xor3A_554 = arith.xori %mul3A_550, %mul3A_553 : vector<16xi32>
    %convert_element_type3A_555 = arith.sitofp %xor3A_554 : vector<16xi32> to vector<16xf32>
    %mul3A_556 = arith.constant 1.000010e-05 : f32
    %mul3A_557 = vector.broadcast %mul3A_556 : f32 to vector<16xf32>
    %mul3A_558 = arith.mulf %convert_element_type3A_555, %mul3A_557 : vector<16xf32>
    %convert_element_type3A_559 = arith.fptosi %mul3A_558 : vector<16xf32> to vector<16xi32>
    %mul3A_560 = vector.broadcast %squeeze3A : i32 to vector<16xi32>
    %mul3A_561 = arith.muli %convert_element_type3A_559, %mul3A_560 : vector<16xi32>
    %sub3A_562 = arith.subi %xor3A_554, %mul3A_561 : vector<16xi32>
    %shift_right_arithmetic3A_563 = arith.constant 31 : i32
    %shift_right_arithmetic3A_564 = vector.broadcast %shift_right_arithmetic3A_563 : i32 to vector<16xi32>
    %shift_right_arithmetic3A_565 = arith.shrsi %sub3A_562, %shift_right_arithmetic3A_564 : vector<16xi32>
    %mul3A_566 = vector.broadcast %squeeze3A : i32 to vector<16xi32>
    %mul3A_567 = arith.muli %shift_right_arithmetic3A_565, %mul3A_566 : vector<16xi32>
    %sub3A_568 = arith.subi %sub3A_562, %mul3A_567 : vector<16xi32>
    %sub3A_569 = vector.broadcast %squeeze3A : i32 to vector<16xi32>
    %sub3A_570 = arith.subi %sub3A_568, %sub3A_569 : vector<16xi32>
    %shift_right_arithmetic3A_571 = arith.constant 31 : i32
    %shift_right_arithmetic3A_572 = vector.broadcast %shift_right_arithmetic3A_571 : i32 to vector<16xi32>
    %shift_right_arithmetic3A_573 = arith.shrsi %sub3A_570, %shift_right_arithmetic3A_572 : vector<16xi32>
    %mul3A_574 = vector.broadcast %squeeze3A : i32 to vector<16xi32>
    %mul3A_575 = arith.muli %shift_right_arithmetic3A_573, %mul3A_574 : vector<16xi32>
    %sub3A_576 = arith.subi %sub3A_570, %mul3A_575 : vector<16xi32>
    %swap3A_577 = arith.constant 1 : i32
    %swap3A_578 = arith.index_cast %swap3A_577 : i32 to index
    %swap3A_579 = arith.constant 80 : index
    %swap3A_580 = tpu.vector_load %arg7[%swap3A_578, %swap3A_579] {strides = array<i32>} : memref<4x128xi32, #tpu.memory_space<vmem>>, vector<1x16xi32>,
    %swap3A_581 = vector.shape_cast %swap3A_580 : vector<1x16xi32> to vector<16xi32>
    %swap3A_582 = vector.shape_cast %sub3A_576 : vector<16xi32> to vector<1x16xi32>
    tpu.vector_store %arg7[%swap3A_578, %swap3A_579], %swap3A_582 {strides = array<i32>} : memref<4x128xi32, #tpu.memory_space<vmem>>, vector<1x16xi32>,
    %get3A_583 = arith.constant 231 : index
    %get3A_584 = tpu.vector_load %arg6[%get3A_583] {strides = array<i32>} : memref<520xi32, #tpu.memory_space<vmem>>, vector<16xi32>,
    %get3A_585 = vector.shape_cast %get3A_584 : vector<16xi32> to vector<16xi32>
    %get3A_586 = arith.constant 232 : index
    %get3A_587 = tpu.vector_load %arg6[%get3A_586] {strides = array<i32>} : memref<520xi32, #tpu.memory_space<vmem>>, vector<16xi32>,
    %get3A_588 = vector.shape_cast %get3A_587 : vector<16xi32> to vector<16xi32>
    %mul3A_589 = arith.constant 36313 : i32
    %mul3A_590 = vector.broadcast %mul3A_589 : i32 to vector<16xi32>
    %mul3A_591 = arith.muli %mul3A_590, %get3A_588 : vector<16xi32>
    %mul3A_592 = arith.constant 27191 : i32
    %mul3A_593 = vector.broadcast %mul3A_592 : i32 to vector<16xi32>
    %mul3A_594 = arith.muli %mul3A_593, %get3A_585 : vector<16xi32>
    %xor3A_595 = arith.xori %mul3A_591, %mul3A_594 : vector<16xi32>
    %convert_element_type3A_596 = arith.sitofp %xor3A_595 : vector<16xi32> to vector<16xf32>
    %mul3A_597 = arith.constant 1.000010e-05 : f32
    %mul3A_598 = vector.broadcast %mul3A_597 : f32 to vector<16xf32>
    %mul3A_599 = arith.mulf %convert_element_type3A_596, %mul3A_598 : vector<16xf32>
    %convert_element_type3A_600 = arith.fptosi %mul3A_599 : vector<16xf32> to vector<16xi32>
    %mul3A_601 = vector.broadcast %squeeze3A : i32 to vector<16xi32>
    %mul3A_602 = arith.muli %convert_element_type3A_600, %mul3A_601 : vector<16xi32>
    %sub3A_603 = arith.subi %xor3A_595, %mul3A_602 : vector<16xi32>
    %shift_right_arithmetic3A_604 = arith.constant 31 : i32
    %shift_right_arithmetic3A_605 = vector.broadcast %shift_right_arithmetic3A_604 : i32 to vector<16xi32>
    %shift_right_arithmetic3A_606 = arith.shrsi %sub3A_603, %shift_right_arithmetic3A_605 : vector<16xi32>
    %mul3A_607 = vector.broadcast %squeeze3A : i32 to vector<16xi32>
    %mul3A_608 = arith.muli %shift_right_arithmetic3A_606, %mul3A_607 : vector<16xi32>
    %sub3A_609 = arith.subi %sub3A_603, %mul3A_608 : vector<16xi32>
    %sub3A_610 = vector.broadcast %squeeze3A : i32 to vector<16xi32>
    %sub3A_611 = arith.subi %sub3A_609, %sub3A_610 : vector<16xi32>
    %shift_right_arithmetic3A_612 = arith.constant 31 : i32
    %shift_right_arithmetic3A_613 = vector.broadcast %shift_right_arithmetic3A_612 : i32 to vector<16xi32>
    %shift_right_arithmetic3A_614 = arith.shrsi %sub3A_611, %shift_right_arithmetic3A_613 : vector<16xi32>
    %mul3A_615 = vector.broadcast %squeeze3A : i32 to vector<16xi32>
    %mul3A_616 = arith.muli %shift_right_arithmetic3A_614, %mul3A_615 : vector<16xi32>
    %sub3A_617 = arith.subi %sub3A_611, %mul3A_616 : vector<16xi32>
    %swap3A_618 = arith.constant 1 : i32
    %swap3A_619 = arith.index_cast %swap3A_618 : i32 to index
    %swap3A_620 = arith.constant 96 : index
    %swap3A_621 = tpu.vector_load %arg7[%swap3A_619, %swap3A_620] {strides = array<i32>} : memref<4x128xi32, #tpu.memory_space<vmem>>, vector<1x16xi32>,
    %swap3A_622 = vector.shape_cast %swap3A_621 : vector<1x16xi32> to vector<16xi32>
    %swap3A_623 = vector.shape_cast %sub3A_617 : vector<16xi32> to vector<1x16xi32>
    tpu.vector_store %arg7[%swap3A_619, %swap3A_620], %swap3A_623 {strides = array<i32>} : memref<4x128xi32, #tpu.memory_space<vmem>>, vector<1x16xi32>,
    %get3A_624 = arith.constant 247 : index
    %get3A_625 = tpu.vector_load %arg6[%get3A_624] {strides = array<i32>} : memref<520xi32, #tpu.memory_space<vmem>>, vector<16xi32>,
    %get3A_626 = vector.shape_cast %get3A_625 : vector<16xi32> to vector<16xi32>
    %get3A_627 = arith.constant 248 : index
    %get3A_628 = tpu.vector_load %arg6[%get3A_627] {strides = array<i32>} : memref<520xi32, #tpu.memory_space<vmem>>, vector<16xi32>,
    %get3A_629 = vector.shape_cast %get3A_628 : vector<16xi32> to vector<16xi32>
    %mul3A_630 = arith.constant 36313 : i32
    %mul3A_631 = vector.broadcast %mul3A_630 : i32 to vector<16xi32>
    %mul3A_632 = arith.muli %mul3A_631, %get3A_629 : vector<16xi32>
    %mul3A_633 = arith.constant 27191 : i32
    %mul3A_634 = vector.broadcast %mul3A_633 : i32 to vector<16xi32>
    %mul3A_635 = arith.muli %mul3A_634, %get3A_626 : vector<16xi32>
    %xor3A_636 = arith.xori %mul3A_632, %mul3A_635 : vector<16xi32>
    %convert_element_type3A_637 = arith.sitofp %xor3A_636 : vector<16xi32> to vector<16xf32>
    %mul3A_638 = arith.constant 1.000010e-05 : f32
    %mul3A_639 = vector.broadcast %mul3A_638 : f32 to vector<16xf32>
    %mul3A_640 = arith.mulf %convert_element_type3A_637, %mul3A_639 : vector<16xf32>
    %convert_element_type3A_641 = arith.fptosi %mul3A_640 : vector<16xf32> to vector<16xi32>
    %mul3A_642 = vector.broadcast %squeeze3A : i32 to vector<16xi32>
    %mul3A_643 = arith.muli %convert_element_type3A_641, %mul3A_642 : vector<16xi32>
    %sub3A_644 = arith.subi %xor3A_636, %mul3A_643 : vector<16xi32>
    %shift_right_arithmetic3A_645 = arith.constant 31 : i32
    %shift_right_arithmetic3A_646 = vector.broadcast %shift_right_arithmetic3A_645 : i32 to vector<16xi32>
    %shift_right_arithmetic3A_647 = arith.shrsi %sub3A_644, %shift_right_arithmetic3A_646 : vector<16xi32>
    %mul3A_648 = vector.broadcast %squeeze3A : i32 to vector<16xi32>
    %mul3A_649 = arith.muli %shift_right_arithmetic3A_647, %mul3A_648 : vector<16xi32>
    %sub3A_650 = arith.subi %sub3A_644, %mul3A_649 : vector<16xi32>
    %sub3A_651 = vector.broadcast %squeeze3A : i32 to vector<16xi32>
    %sub3A_652 = arith.subi %sub3A_650, %sub3A_651 : vector<16xi32>
    %shift_right_arithmetic3A_653 = arith.constant 31 : i32
    %shift_right_arithmetic3A_654 = vector.broadcast %shift_right_arithmetic3A_653 : i32 to vector<16xi32>
    %shift_right_arithmetic3A_655 = arith.shrsi %sub3A_652, %shift_right_arithmetic3A_654 : vector<16xi32>
    %mul3A_656 = vector.broadcast %squeeze3A : i32 to vector<16xi32>
    %mul3A_657 = arith.muli %shift_right_arithmetic3A_655, %mul3A_656 : vector<16xi32>
    %sub3A_658 = arith.subi %sub3A_652, %mul3A_657 : vector<16xi32>
    %swap3A_659 = arith.constant 1 : i32
    %swap3A_660 = arith.index_cast %swap3A_659 : i32 to index
    %swap3A_661 = arith.constant 112 : index
    %swap3A_662 = tpu.vector_load %arg7[%swap3A_660, %swap3A_661] {strides = array<i32>} : memref<4x128xi32, #tpu.memory_space<vmem>>, vector<1x16xi32>,
    %swap3A_663 = vector.shape_cast %swap3A_662 : vector<1x16xi32> to vector<16xi32>
    %swap3A_664 = vector.shape_cast %sub3A_658 : vector<16xi32> to vector<1x16xi32>
    tpu.vector_store %arg7[%swap3A_660, %swap3A_661], %swap3A_664 {strides = array<i32>} : memref<4x128xi32, #tpu.memory_space<vmem>>, vector<1x16xi32>,
    %get3A_665 = arith.constant 263 : index
    %get3A_666 = tpu.vector_load %arg6[%get3A_665] {strides = array<i32>} : memref<520xi32, #tpu.memory_space<vmem>>, vector<16xi32>,
    %get3A_667 = vector.shape_cast %get3A_666 : vector<16xi32> to vector<16xi32>
    %get3A_668 = arith.constant 264 : index
    %get3A_669 = tpu.vector_load %arg6[%get3A_668] {strides = array<i32>} : memref<520xi32, #tpu.memory_space<vmem>>, vector<16xi32>,
    %get3A_670 = vector.shape_cast %get3A_669 : vector<16xi32> to vector<16xi32>
    %mul3A_671 = arith.constant 36313 : i32
    %mul3A_672 = vector.broadcast %mul3A_671 : i32 to vector<16xi32>
    %mul3A_673 = arith.muli %mul3A_672, %get3A_670 : vector<16xi32>
    %mul3A_674 = arith.constant 27191 : i32
    %mul3A_675 = vector.broadcast %mul3A_674 : i32 to vector<16xi32>
    %mul3A_676 = arith.muli %mul3A_675, %get3A_667 : vector<16xi32>
    %xor3A_677 = arith.xori %mul3A_673, %mul3A_676 : vector<16xi32>
    %convert_element_type3A_678 = arith.sitofp %xor3A_677 : vector<16xi32> to vector<16xf32>
    %mul3A_679 = arith.constant 1.000010e-05 : f32
    %mul3A_680 = vector.broadcast %mul3A_679 : f32 to vector<16xf32>
    %mul3A_681 = arith.mulf %convert_element_type3A_678, %mul3A_680 : vector<16xf32>
    %convert_element_type3A_682 = arith.fptosi %mul3A_681 : vector<16xf32> to vector<16xi32>
    %mul3A_683 = vector.broadcast %squeeze3A : i32 to vector<16xi32>
    %mul3A_684 = arith.muli %convert_element_type3A_682, %mul3A_683 : vector<16xi32>
    %sub3A_685 = arith.subi %xor3A_677, %mul3A_684 : vector<16xi32>
    %shift_right_arithmetic3A_686 = arith.constant 31 : i32
    %shift_right_arithmetic3A_687 = vector.broadcast %shift_right_arithmetic3A_686 : i32 to vector<16xi32>
    %shift_right_arithmetic3A_688 = arith.shrsi %sub3A_685, %shift_right_arithmetic3A_687 : vector<16xi32>
    %mul3A_689 = vector.broadcast %squeeze3A : i32 to vector<16xi32>
    %mul3A_690 = arith.muli %shift_right_arithmetic3A_688, %mul3A_689 : vector<16xi32>
    %sub3A_691 = arith.subi %sub3A_685, %mul3A_690 : vector<16xi32>
    %sub3A_692 = vector.broadcast %squeeze3A : i32 to vector<16xi32>
    %sub3A_693 = arith.subi %sub3A_691, %sub3A_692 : vector<16xi32>
    %shift_right_arithmetic3A_694 = arith.constant 31 : i32
    %shift_right_arithmetic3A_695 = vector.broadcast %shift_right_arithmetic3A_694 : i32 to vector<16xi32>
    %shift_right_arithmetic3A_696 = arith.shrsi %sub3A_693, %shift_right_arithmetic3A_695 : vector<16xi32>
    %mul3A_697 = vector.broadcast %squeeze3A : i32 to vector<16xi32>
    %mul3A_698 = arith.muli %shift_right_arithmetic3A_696, %mul3A_697 : vector<16xi32>
    %sub3A_699 = arith.subi %sub3A_693, %mul3A_698 : vector<16xi32>
    %swap3A_700 = arith.constant 2 : i32
    %swap3A_701 = arith.index_cast %swap3A_700 : i32 to index
    %swap3A_702 = arith.constant 0 : index
    %swap3A_703 = tpu.vector_load %arg7[%swap3A_701, %swap3A_702] {strides = array<i32>} : memref<4x128xi32, #tpu.memory_space<vmem>>, vector<1x16xi32>,
    %swap3A_704 = vector.shape_cast %swap3A_703 : vector<1x16xi32> to vector<16xi32>
    %swap3A_705 = vector.shape_cast %sub3A_699 : vector<16xi32> to vector<1x16xi32>
    tpu.vector_store %arg7[%swap3A_701, %swap3A_702], %swap3A_705 {strides = array<i32>} : memref<4x128xi32, #tpu.memory_space<vmem>>, vector<1x16xi32>,
    %get3A_706 = arith.constant 279 : index
    %get3A_707 = tpu.vector_load %arg6[%get3A_706] {strides = array<i32>} : memref<520xi32, #tpu.memory_space<vmem>>, vector<16xi32>,
    %get3A_708 = vector.shape_cast %get3A_707 : vector<16xi32> to vector<16xi32>
    %get3A_709 = arith.constant 280 : index
    %get3A_710 = tpu.vector_load %arg6[%get3A_709] {strides = array<i32>} : memref<520xi32, #tpu.memory_space<vmem>>, vector<16xi32>,
    %get3A_711 = vector.shape_cast %get3A_710 : vector<16xi32> to vector<16xi32>
    %mul3A_712 = arith.constant 36313 : i32
    %mul3A_713 = vector.broadcast %mul3A_712 : i32 to vector<16xi32>
    %mul3A_714 = arith.muli %mul3A_713, %get3A_711 : vector<16xi32>
    %mul3A_715 = arith.constant 27191 : i32
    %mul3A_716 = vector.broadcast %mul3A_715 : i32 to vector<16xi32>
    %mul3A_717 = arith.muli %mul3A_716, %get3A_708 : vector<16xi32>
    %xor3A_718 = arith.xori %mul3A_714, %mul3A_717 : vector<16xi32>
    %convert_element_type3A_719 = arith.sitofp %xor3A_718 : vector<16xi32> to vector<16xf32>
    %mul3A_720 = arith.constant 1.000010e-05 : f32
    %mul3A_721 = vector.broadcast %mul3A_720 : f32 to vector<16xf32>
    %mul3A_722 = arith.mulf %convert_element_type3A_719, %mul3A_721 : vector<16xf32>
    %convert_element_type3A_723 = arith.fptosi %mul3A_722 : vector<16xf32> to vector<16xi32>
    %mul3A_724 = vector.broadcast %squeeze3A : i32 to vector<16xi32>
    %mul3A_725 = arith.muli %convert_element_type3A_723, %mul3A_724 : vector<16xi32>
    %sub3A_726 = arith.subi %xor3A_718, %mul3A_725 : vector<16xi32>
    %shift_right_arithmetic3A_727 = arith.constant 31 : i32
    %shift_right_arithmetic3A_728 = vector.broadcast %shift_right_arithmetic3A_727 : i32 to vector<16xi32>
    %shift_right_arithmetic3A_729 = arith.shrsi %sub3A_726, %shift_right_arithmetic3A_728 : vector<16xi32>
    %mul3A_730 = vector.broadcast %squeeze3A : i32 to vector<16xi32>
    %mul3A_731 = arith.muli %shift_right_arithmetic3A_729, %mul3A_730 : vector<16xi32>
    %sub3A_732 = arith.subi %sub3A_726, %mul3A_731 : vector<16xi32>
    %sub3A_733 = vector.broadcast %squeeze3A : i32 to vector<16xi32>
    %sub3A_734 = arith.subi %sub3A_732, %sub3A_733 : vector<16xi32>
    %shift_right_arithmetic3A_735 = arith.constant 31 : i32
    %shift_right_arithmetic3A_736 = vector.broadcast %shift_right_arithmetic3A_735 : i32 to vector<16xi32>
    %shift_right_arithmetic3A_737 = arith.shrsi %sub3A_734, %shift_right_arithmetic3A_736 : vector<16xi32>
    %mul3A_738 = vector.broadcast %squeeze3A : i32 to vector<16xi32>
    %mul3A_739 = arith.muli %shift_right_arithmetic3A_737, %mul3A_738 : vector<16xi32>
    %sub3A_740 = arith.subi %sub3A_734, %mul3A_739 : vector<16xi32>
    %swap3A_741 = arith.constant 2 : i32
    %swap3A_742 = arith.index_cast %swap3A_741 : i32 to index
    %swap3A_743 = arith.constant 16 : index
    %swap3A_744 = tpu.vector_load %arg7[%swap3A_742, %swap3A_743] {strides = array<i32>} : memref<4x128xi32, #tpu.memory_space<vmem>>, vector<1x16xi32>,
    %swap3A_745 = vector.shape_cast %swap3A_744 : vector<1x16xi32> to vector<16xi32>
    %swap3A_746 = vector.shape_cast %sub3A_740 : vector<16xi32> to vector<1x16xi32>
    tpu.vector_store %arg7[%swap3A_742, %swap3A_743], %swap3A_746 {strides = array<i32>} : memref<4x128xi32, #tpu.memory_space<vmem>>, vector<1x16xi32>,
    %get3A_747 = arith.constant 295 : index
    %get3A_748 = tpu.vector_load %arg6[%get3A_747] {strides = array<i32>} : memref<520xi32, #tpu.memory_space<vmem>>, vector<16xi32>,
    %get3A_749 = vector.shape_cast %get3A_748 : vector<16xi32> to vector<16xi32>
    %get3A_750 = arith.constant 296 : index
    %get3A_751 = tpu.vector_load %arg6[%get3A_750] {strides = array<i32>} : memref<520xi32, #tpu.memory_space<vmem>>, vector<16xi32>,
    %get3A_752 = vector.shape_cast %get3A_751 : vector<16xi32> to vector<16xi32>
    %mul3A_753 = arith.constant 36313 : i32
    %mul3A_754 = vector.broadcast %mul3A_753 : i32 to vector<16xi32>
    %mul3A_755 = arith.muli %mul3A_754, %get3A_752 : vector<16xi32>
    %mul3A_756 = arith.constant 27191 : i32
    %mul3A_757 = vector.broadcast %mul3A_756 : i32 to vector<16xi32>
    %mul3A_758 = arith.muli %mul3A_757, %get3A_749 : vector<16xi32>
    %xor3A_759 = arith.xori %mul3A_755, %mul3A_758 : vector<16xi32>
    %convert_element_type3A_760 = arith.sitofp %xor3A_759 : vector<16xi32> to vector<16xf32>
    %mul3A_761 = arith.constant 1.000010e-05 : f32
    %mul3A_762 = vector.broadcast %mul3A_761 : f32 to vector<16xf32>
    %mul3A_763 = arith.mulf %convert_element_type3A_760, %mul3A_762 : vector<16xf32>
    %convert_element_type3A_764 = arith.fptosi %mul3A_763 : vector<16xf32> to vector<16xi32>
    %mul3A_765 = vector.broadcast %squeeze3A : i32 to vector<16xi32>
    %mul3A_766 = arith.muli %convert_element_type3A_764, %mul3A_765 : vector<16xi32>
    %sub3A_767 = arith.subi %xor3A_759, %mul3A_766 : vector<16xi32>
    %shift_right_arithmetic3A_768 = arith.constant 31 : i32
    %shift_right_arithmetic3A_769 = vector.broadcast %shift_right_arithmetic3A_768 : i32 to vector<16xi32>
    %shift_right_arithmetic3A_770 = arith.shrsi %sub3A_767, %shift_right_arithmetic3A_769 : vector<16xi32>
    %mul3A_771 = vector.broadcast %squeeze3A : i32 to vector<16xi32>
    %mul3A_772 = arith.muli %shift_right_arithmetic3A_770, %mul3A_771 : vector<16xi32>
    %sub3A_773 = arith.subi %sub3A_767, %mul3A_772 : vector<16xi32>
    %sub3A_774 = vector.broadcast %squeeze3A : i32 to vector<16xi32>
    %sub3A_775 = arith.subi %sub3A_773, %sub3A_774 : vector<16xi32>
    %shift_right_arithmetic3A_776 = arith.constant 31 : i32
    %shift_right_arithmetic3A_777 = vector.broadcast %shift_right_arithmetic3A_776 : i32 to vector<16xi32>
    %shift_right_arithmetic3A_778 = arith.shrsi %sub3A_775, %shift_right_arithmetic3A_777 : vector<16xi32>
    %mul3A_779 = vector.broadcast %squeeze3A : i32 to vector<16xi32>
    %mul3A_780 = arith.muli %shift_right_arithmetic3A_778, %mul3A_779 : vector<16xi32>
    %sub3A_781 = arith.subi %sub3A_775, %mul3A_780 : vector<16xi32>
    %swap3A_782 = arith.constant 2 : i32
    %swap3A_783 = arith.index_cast %swap3A_782 : i32 to index
    %swap3A_784 = arith.constant 32 : index
    %swap3A_785 = tpu.vector_load %arg7[%swap3A_783, %swap3A_784] {strides = array<i32>} : memref<4x128xi32, #tpu.memory_space<vmem>>, vector<1x16xi32>,
    %swap3A_786 = vector.shape_cast %swap3A_785 : vector<1x16xi32> to vector<16xi32>
    %swap3A_787 = vector.shape_cast %sub3A_781 : vector<16xi32> to vector<1x16xi32>
    tpu.vector_store %arg7[%swap3A_783, %swap3A_784], %swap3A_787 {strides = array<i32>} : memref<4x128xi32, #tpu.memory_space<vmem>>, vector<1x16xi32>,
    %get3A_788 = arith.constant 311 : index
    %get3A_789 = tpu.vector_load %arg6[%get3A_788] {strides = array<i32>} : memref<520xi32, #tpu.memory_space<vmem>>, vector<16xi32>,
    %get3A_790 = vector.shape_cast %get3A_789 : vector<16xi32> to vector<16xi32>
    %get3A_791 = arith.constant 312 : index
    %get3A_792 = tpu.vector_load %arg6[%get3A_791] {strides = array<i32>} : memref<520xi32, #tpu.memory_space<vmem>>, vector<16xi32>,
    %get3A_793 = vector.shape_cast %get3A_792 : vector<16xi32> to vector<16xi32>
    %mul3A_794 = arith.constant 36313 : i32
    %mul3A_795 = vector.broadcast %mul3A_794 : i32 to vector<16xi32>
    %mul3A_796 = arith.muli %mul3A_795, %get3A_793 : vector<16xi32>
    %mul3A_797 = arith.constant 27191 : i32
    %mul3A_798 = vector.broadcast %mul3A_797 : i32 to vector<16xi32>
    %mul3A_799 = arith.muli %mul3A_798, %get3A_790 : vector<16xi32>
    %xor3A_800 = arith.xori %mul3A_796, %mul3A_799 : vector<16xi32>
    %convert_element_type3A_801 = arith.sitofp %xor3A_800 : vector<16xi32> to vector<16xf32>
    %mul3A_802 = arith.constant 1.000010e-05 : f32
    %mul3A_803 = vector.broadcast %mul3A_802 : f32 to vector<16xf32>
    %mul3A_804 = arith.mulf %convert_element_type3A_801, %mul3A_803 : vector<16xf32>
    %convert_element_type3A_805 = arith.fptosi %mul3A_804 : vector<16xf32> to vector<16xi32>
    %mul3A_806 = vector.broadcast %squeeze3A : i32 to vector<16xi32>
    %mul3A_807 = arith.muli %convert_element_type3A_805, %mul3A_806 : vector<16xi32>
    %sub3A_808 = arith.subi %xor3A_800, %mul3A_807 : vector<16xi32>
    %shift_right_arithmetic3A_809 = arith.constant 31 : i32
    %shift_right_arithmetic3A_810 = vector.broadcast %shift_right_arithmetic3A_809 : i32 to vector<16xi32>
    %shift_right_arithmetic3A_811 = arith.shrsi %sub3A_808, %shift_right_arithmetic3A_810 : vector<16xi32>
    %mul3A_812 = vector.broadcast %squeeze3A : i32 to vector<16xi32>
    %mul3A_813 = arith.muli %shift_right_arithmetic3A_811, %mul3A_812 : vector<16xi32>
    %sub3A_814 = arith.subi %sub3A_808, %mul3A_813 : vector<16xi32>
    %sub3A_815 = vector.broadcast %squeeze3A : i32 to vector<16xi32>
    %sub3A_816 = arith.subi %sub3A_814, %sub3A_815 : vector<16xi32>
    %shift_right_arithmetic3A_817 = arith.constant 31 : i32
    %shift_right_arithmetic3A_818 = vector.broadcast %shift_right_arithmetic3A_817 : i32 to vector<16xi32>
    %shift_right_arithmetic3A_819 = arith.shrsi %sub3A_816, %shift_right_arithmetic3A_818 : vector<16xi32>
    %mul3A_820 = vector.broadcast %squeeze3A : i32 to vector<16xi32>
    %mul3A_821 = arith.muli %shift_right_arithmetic3A_819, %mul3A_820 : vector<16xi32>
    %sub3A_822 = arith.subi %sub3A_816, %mul3A_821 : vector<16xi32>
    %swap3A_823 = arith.constant 2 : i32
    %swap3A_824 = arith.index_cast %swap3A_823 : i32 to index
    %swap3A_825 = arith.constant 48 : index
    %swap3A_826 = tpu.vector_load %arg7[%swap3A_824, %swap3A_825] {strides = array<i32>} : memref<4x128xi32, #tpu.memory_space<vmem>>, vector<1x16xi32>,
    %swap3A_827 = vector.shape_cast %swap3A_826 : vector<1x16xi32> to vector<16xi32>
    %swap3A_828 = vector.shape_cast %sub3A_822 : vector<16xi32> to vector<1x16xi32>
    tpu.vector_store %arg7[%swap3A_824, %swap3A_825], %swap3A_828 {strides = array<i32>} : memref<4x128xi32, #tpu.memory_space<vmem>>, vector<1x16xi32>,
    %get3A_829 = arith.constant 327 : index
    %get3A_830 = tpu.vector_load %arg6[%get3A_829] {strides = array<i32>} : memref<520xi32, #tpu.memory_space<vmem>>, vector<16xi32>,
    %get3A_831 = vector.shape_cast %get3A_830 : vector<16xi32> to vector<16xi32>
    %get3A_832 = arith.constant 328 : index
    %get3A_833 = tpu.vector_load %arg6[%get3A_832] {strides = array<i32>} : memref<520xi32, #tpu.memory_space<vmem>>, vector<16xi32>,
    %get3A_834 = vector.shape_cast %get3A_833 : vector<16xi32> to vector<16xi32>
    %mul3A_835 = arith.constant 36313 : i32
    %mul3A_836 = vector.broadcast %mul3A_835 : i32 to vector<16xi32>
    %mul3A_837 = arith.muli %mul3A_836, %get3A_834 : vector<16xi32>
    %mul3A_838 = arith.constant 27191 : i32
    %mul3A_839 = vector.broadcast %mul3A_838 : i32 to vector<16xi32>
    %mul3A_840 = arith.muli %mul3A_839, %get3A_831 : vector<16xi32>
    %xor3A_841 = arith.xori %mul3A_837, %mul3A_840 : vector<16xi32>
    %convert_element_type3A_842 = arith.sitofp %xor3A_841 : vector<16xi32> to vector<16xf32>
    %mul3A_843 = arith.constant 1.000010e-05 : f32
    %mul3A_844 = vector.broadcast %mul3A_843 : f32 to vector<16xf32>
    %mul3A_845 = arith.mulf %convert_element_type3A_842, %mul3A_844 : vector<16xf32>
    %convert_element_type3A_846 = arith.fptosi %mul3A_845 : vector<16xf32> to vector<16xi32>
    %mul3A_847 = vector.broadcast %squeeze3A : i32 to vector<16xi32>
    %mul3A_848 = arith.muli %convert_element_type3A_846, %mul3A_847 : vector<16xi32>
    %sub3A_849 = arith.subi %xor3A_841, %mul3A_848 : vector<16xi32>
    %shift_right_arithmetic3A_850 = arith.constant 31 : i32
    %shift_right_arithmetic3A_851 = vector.broadcast %shift_right_arithmetic3A_850 : i32 to vector<16xi32>
    %shift_right_arithmetic3A_852 = arith.shrsi %sub3A_849, %shift_right_arithmetic3A_851 : vector<16xi32>
    %mul3A_853 = vector.broadcast %squeeze3A : i32 to vector<16xi32>
    %mul3A_854 = arith.muli %shift_right_arithmetic3A_852, %mul3A_853 : vector<16xi32>
    %sub3A_855 = arith.subi %sub3A_849, %mul3A_854 : vector<16xi32>
    %sub3A_856 = vector.broadcast %squeeze3A : i32 to vector<16xi32>
    %sub3A_857 = arith.subi %sub3A_855, %sub3A_856 : vector<16xi32>
    %shift_right_arithmetic3A_858 = arith.constant 31 : i32
    %shift_right_arithmetic3A_859 = vector.broadcast %shift_right_arithmetic3A_858 : i32 to vector<16xi32>
    %shift_right_arithmetic3A_860 = arith.shrsi %sub3A_857, %shift_right_arithmetic3A_859 : vector<16xi32>
    %mul3A_861 = vector.broadcast %squeeze3A : i32 to vector<16xi32>
    %mul3A_862 = arith.muli %shift_right_arithmetic3A_860, %mul3A_861 : vector<16xi32>
    %sub3A_863 = arith.subi %sub3A_857, %mul3A_862 : vector<16xi32>
    %swap3A_864 = arith.constant 2 : i32
    %swap3A_865 = arith.index_cast %swap3A_864 : i32 to index
    %swap3A_866 = arith.constant 64 : index
    %swap3A_867 = tpu.vector_load %arg7[%swap3A_865, %swap3A_866] {strides = array<i32>} : memref<4x128xi32, #tpu.memory_space<vmem>>, vector<1x16xi32>,
    %swap3A_868 = vector.shape_cast %swap3A_867 : vector<1x16xi32> to vector<16xi32>
    %swap3A_869 = vector.shape_cast %sub3A_863 : vector<16xi32> to vector<1x16xi32>
    tpu.vector_store %arg7[%swap3A_865, %swap3A_866], %swap3A_869 {strides = array<i32>} : memref<4x128xi32, #tpu.memory_space<vmem>>, vector<1x16xi32>,
    %get3A_870 = arith.constant 343 : index
    %get3A_871 = tpu.vector_load %arg6[%get3A_870] {strides = array<i32>} : memref<520xi32, #tpu.memory_space<vmem>>, vector<16xi32>,
    %get3A_872 = vector.shape_cast %get3A_871 : vector<16xi32> to vector<16xi32>
    %get3A_873 = arith.constant 344 : index
    %get3A_874 = tpu.vector_load %arg6[%get3A_873] {strides = array<i32>} : memref<520xi32, #tpu.memory_space<vmem>>, vector<16xi32>,
    %get3A_875 = vector.shape_cast %get3A_874 : vector<16xi32> to vector<16xi32>
    %mul3A_876 = arith.constant 36313 : i32
    %mul3A_877 = vector.broadcast %mul3A_876 : i32 to vector<16xi32>
    %mul3A_878 = arith.muli %mul3A_877, %get3A_875 : vector<16xi32>
    %mul3A_879 = arith.constant 27191 : i32
    %mul3A_880 = vector.broadcast %mul3A_879 : i32 to vector<16xi32>
    %mul3A_881 = arith.muli %mul3A_880, %get3A_872 : vector<16xi32>
    %xor3A_882 = arith.xori %mul3A_878, %mul3A_881 : vector<16xi32>
    %convert_element_type3A_883 = arith.sitofp %xor3A_882 : vector<16xi32> to vector<16xf32>
    %mul3A_884 = arith.constant 1.000010e-05 : f32
    %mul3A_885 = vector.broadcast %mul3A_884 : f32 to vector<16xf32>
    %mul3A_886 = arith.mulf %convert_element_type3A_883, %mul3A_885 : vector<16xf32>
    %convert_element_type3A_887 = arith.fptosi %mul3A_886 : vector<16xf32> to vector<16xi32>
    %mul3A_888 = vector.broadcast %squeeze3A : i32 to vector<16xi32>
    %mul3A_889 = arith.muli %convert_element_type3A_887, %mul3A_888 : vector<16xi32>
    %sub3A_890 = arith.subi %xor3A_882, %mul3A_889 : vector<16xi32>
    %shift_right_arithmetic3A_891 = arith.constant 31 : i32
    %shift_right_arithmetic3A_892 = vector.broadcast %shift_right_arithmetic3A_891 : i32 to vector<16xi32>
    %shift_right_arithmetic3A_893 = arith.shrsi %sub3A_890, %shift_right_arithmetic3A_892 : vector<16xi32>
    %mul3A_894 = vector.broadcast %squeeze3A : i32 to vector<16xi32>
    %mul3A_895 = arith.muli %shift_right_arithmetic3A_893, %mul3A_894 : vector<16xi32>
    %sub3A_896 = arith.subi %sub3A_890, %mul3A_895 : vector<16xi32>
    %sub3A_897 = vector.broadcast %squeeze3A : i32 to vector<16xi32>
    %sub3A_898 = arith.subi %sub3A_896, %sub3A_897 : vector<16xi32>
    %shift_right_arithmetic3A_899 = arith.constant 31 : i32
    %shift_right_arithmetic3A_900 = vector.broadcast %shift_right_arithmetic3A_899 : i32 to vector<16xi32>
    %shift_right_arithmetic3A_901 = arith.shrsi %sub3A_898, %shift_right_arithmetic3A_900 : vector<16xi32>
    %mul3A_902 = vector.broadcast %squeeze3A : i32 to vector<16xi32>
    %mul3A_903 = arith.muli %shift_right_arithmetic3A_901, %mul3A_902 : vector<16xi32>
    %sub3A_904 = arith.subi %sub3A_898, %mul3A_903 : vector<16xi32>
    %swap3A_905 = arith.constant 2 : i32
    %swap3A_906 = arith.index_cast %swap3A_905 : i32 to index
    %swap3A_907 = arith.constant 80 : index
    %swap3A_908 = tpu.vector_load %arg7[%swap3A_906, %swap3A_907] {strides = array<i32>} : memref<4x128xi32, #tpu.memory_space<vmem>>, vector<1x16xi32>,
    %swap3A_909 = vector.shape_cast %swap3A_908 : vector<1x16xi32> to vector<16xi32>
    %swap3A_910 = vector.shape_cast %sub3A_904 : vector<16xi32> to vector<1x16xi32>
    tpu.vector_store %arg7[%swap3A_906, %swap3A_907], %swap3A_910 {strides = array<i32>} : memref<4x128xi32, #tpu.memory_space<vmem>>, vector<1x16xi32>,
    %get3A_911 = arith.constant 359 : index
    %get3A_912 = tpu.vector_load %arg6[%get3A_911] {strides = array<i32>} : memref<520xi32, #tpu.memory_space<vmem>>, vector<16xi32>,
    %get3A_913 = vector.shape_cast %get3A_912 : vector<16xi32> to vector<16xi32>
    %get3A_914 = arith.constant 360 : index
    %get3A_915 = tpu.vector_load %arg6[%get3A_914] {strides = array<i32>} : memref<520xi32, #tpu.memory_space<vmem>>, vector<16xi32>,
    %get3A_916 = vector.shape_cast %get3A_915 : vector<16xi32> to vector<16xi32>
    %mul3A_917 = arith.constant 36313 : i32
    %mul3A_918 = vector.broadcast %mul3A_917 : i32 to vector<16xi32>
    %mul3A_919 = arith.muli %mul3A_918, %get3A_916 : vector<16xi32>
    %mul3A_920 = arith.constant 27191 : i32
    %mul3A_921 = vector.broadcast %mul3A_920 : i32 to vector<16xi32>
    %mul3A_922 = arith.muli %mul3A_921, %get3A_913 : vector<16xi32>
    %xor3A_923 = arith.xori %mul3A_919, %mul3A_922 : vector<16xi32>
    %convert_element_type3A_924 = arith.sitofp %xor3A_923 : vector<16xi32> to vector<16xf32>
    %mul3A_925 = arith.constant 1.000010e-05 : f32
    %mul3A_926 = vector.broadcast %mul3A_925 : f32 to vector<16xf32>
    %mul3A_927 = arith.mulf %convert_element_type3A_924, %mul3A_926 : vector<16xf32>
    %convert_element_type3A_928 = arith.fptosi %mul3A_927 : vector<16xf32> to vector<16xi32>
    %mul3A_929 = vector.broadcast %squeeze3A : i32 to vector<16xi32>
    %mul3A_930 = arith.muli %convert_element_type3A_928, %mul3A_929 : vector<16xi32>
    %sub3A_931 = arith.subi %xor3A_923, %mul3A_930 : vector<16xi32>
    %shift_right_arithmetic3A_932 = arith.constant 31 : i32
    %shift_right_arithmetic3A_933 = vector.broadcast %shift_right_arithmetic3A_932 : i32 to vector<16xi32>
    %shift_right_arithmetic3A_934 = arith.shrsi %sub3A_931, %shift_right_arithmetic3A_933 : vector<16xi32>
    %mul3A_935 = vector.broadcast %squeeze3A : i32 to vector<16xi32>
    %mul3A_936 = arith.muli %shift_right_arithmetic3A_934, %mul3A_935 : vector<16xi32>
    %sub3A_937 = arith.subi %sub3A_931, %mul3A_936 : vector<16xi32>
    %sub3A_938 = vector.broadcast %squeeze3A : i32 to vector<16xi32>
    %sub3A_939 = arith.subi %sub3A_937, %sub3A_938 : vector<16xi32>
    %shift_right_arithmetic3A_940 = arith.constant 31 : i32
    %shift_right_arithmetic3A_941 = vector.broadcast %shift_right_arithmetic3A_940 : i32 to vector<16xi32>
    %shift_right_arithmetic3A_942 = arith.shrsi %sub3A_939, %shift_right_arithmetic3A_941 : vector<16xi32>
    %mul3A_943 = vector.broadcast %squeeze3A : i32 to vector<16xi32>
    %mul3A_944 = arith.muli %shift_right_arithmetic3A_942, %mul3A_943 : vector<16xi32>
    %sub3A_945 = arith.subi %sub3A_939, %mul3A_944 : vector<16xi32>
    %swap3A_946 = arith.constant 2 : i32
    %swap3A_947 = arith.index_cast %swap3A_946 : i32 to index
    %swap3A_948 = arith.constant 96 : index
    %swap3A_949 = tpu.vector_load %arg7[%swap3A_947, %swap3A_948] {strides = array<i32>} : memref<4x128xi32, #tpu.memory_space<vmem>>, vector<1x16xi32>,
    %swap3A_950 = vector.shape_cast %swap3A_949 : vector<1x16xi32> to vector<16xi32>
    %swap3A_951 = vector.shape_cast %sub3A_945 : vector<16xi32> to vector<1x16xi32>
    tpu.vector_store %arg7[%swap3A_947, %swap3A_948], %swap3A_951 {strides = array<i32>} : memref<4x128xi32, #tpu.memory_space<vmem>>, vector<1x16xi32>,
    %get3A_952 = arith.constant 375 : index
    %get3A_953 = tpu.vector_load %arg6[%get3A_952] {strides = array<i32>} : memref<520xi32, #tpu.memory_space<vmem>>, vector<16xi32>,
    %get3A_954 = vector.shape_cast %get3A_953 : vector<16xi32> to vector<16xi32>
    %get3A_955 = arith.constant 376 : index
    %get3A_956 = tpu.vector_load %arg6[%get3A_955] {strides = array<i32>} : memref<520xi32, #tpu.memory_space<vmem>>, vector<16xi32>,
    %get3A_957 = vector.shape_cast %get3A_956 : vector<16xi32> to vector<16xi32>
    %mul3A_958 = arith.constant 36313 : i32
    %mul3A_959 = vector.broadcast %mul3A_958 : i32 to vector<16xi32>
    %mul3A_960 = arith.muli %mul3A_959, %get3A_957 : vector<16xi32>
    %mul3A_961 = arith.constant 27191 : i32
    %mul3A_962 = vector.broadcast %mul3A_961 : i32 to vector<16xi32>
    %mul3A_963 = arith.muli %mul3A_962, %get3A_954 : vector<16xi32>
    %xor3A_964 = arith.xori %mul3A_960, %mul3A_963 : vector<16xi32>
    %convert_element_type3A_965 = arith.sitofp %xor3A_964 : vector<16xi32> to vector<16xf32>
    %mul3A_966 = arith.constant 1.000010e-05 : f32
    %mul3A_967 = vector.broadcast %mul3A_966 : f32 to vector<16xf32>
    %mul3A_968 = arith.mulf %convert_element_type3A_965, %mul3A_967 : vector<16xf32>
    %convert_element_type3A_969 = arith.fptosi %mul3A_968 : vector<16xf32> to vector<16xi32>
    %mul3A_970 = vector.broadcast %squeeze3A : i32 to vector<16xi32>
    %mul3A_971 = arith.muli %convert_element_type3A_969, %mul3A_970 : vector<16xi32>
    %sub3A_972 = arith.subi %xor3A_964, %mul3A_971 : vector<16xi32>
    %shift_right_arithmetic3A_973 = arith.constant 31 : i32
    %shift_right_arithmetic3A_974 = vector.broadcast %shift_right_arithmetic3A_973 : i32 to vector<16xi32>
    %shift_right_arithmetic3A_975 = arith.shrsi %sub3A_972, %shift_right_arithmetic3A_974 : vector<16xi32>
    %mul3A_976 = vector.broadcast %squeeze3A : i32 to vector<16xi32>
    %mul3A_977 = arith.muli %shift_right_arithmetic3A_975, %mul3A_976 : vector<16xi32>
    %sub3A_978 = arith.subi %sub3A_972, %mul3A_977 : vector<16xi32>
    %sub3A_979 = vector.broadcast %squeeze3A : i32 to vector<16xi32>
    %sub3A_980 = arith.subi %sub3A_978, %sub3A_979 : vector<16xi32>
    %shift_right_arithmetic3A_981 = arith.constant 31 : i32
    %shift_right_arithmetic3A_982 = vector.broadcast %shift_right_arithmetic3A_981 : i32 to vector<16xi32>
    %shift_right_arithmetic3A_983 = arith.shrsi %sub3A_980, %shift_right_arithmetic3A_982 : vector<16xi32>
    %mul3A_984 = vector.broadcast %squeeze3A : i32 to vector<16xi32>
    %mul3A_985 = arith.muli %shift_right_arithmetic3A_983, %mul3A_984 : vector<16xi32>
    %sub3A_986 = arith.subi %sub3A_980, %mul3A_985 : vector<16xi32>
    %swap3A_987 = arith.constant 2 : i32
    %swap3A_988 = arith.index_cast %swap3A_987 : i32 to index
    %swap3A_989 = arith.constant 112 : index
    %swap3A_990 = tpu.vector_load %arg7[%swap3A_988, %swap3A_989] {strides = array<i32>} : memref<4x128xi32, #tpu.memory_space<vmem>>, vector<1x16xi32>,
    %swap3A_991 = vector.shape_cast %swap3A_990 : vector<1x16xi32> to vector<16xi32>
    %swap3A_992 = vector.shape_cast %sub3A_986 : vector<16xi32> to vector<1x16xi32>
    tpu.vector_store %arg7[%swap3A_988, %swap3A_989], %swap3A_992 {strides = array<i32>} : memref<4x128xi32, #tpu.memory_space<vmem>>, vector<1x16xi32>,
    %get3A_993 = arith.constant 391 : index
    %get3A_994 = tpu.vector_load %arg6[%get3A_993] {strides = array<i32>} : memref<520xi32, #tpu.memory_space<vmem>>, vector<16xi32>,
    %get3A_995 = vector.shape_cast %get3A_994 : vector<16xi32> to vector<16xi32>
    %get3A_996 = arith.constant 392 : index
    %get3A_997 = tpu.vector_load %arg6[%get3A_996] {strides = array<i32>} : memref<520xi32, #tpu.memory_space<vmem>>, vector<16xi32>,
    %get3A_998 = vector.shape_cast %get3A_997 : vector<16xi32> to vector<16xi32>
    %mul3A_999 = arith.constant 36313 : i32
    %mul3A_1000 = vector.broadcast %mul3A_999 : i32 to vector<16xi32>
    %mul3A_1001 = arith.muli %mul3A_1000, %get3A_998 : vector<16xi32>
    %mul3A_1002 = arith.constant 27191 : i32
    %mul3A_1003 = vector.broadcast %mul3A_1002 : i32 to vector<16xi32>
    %mul3A_1004 = arith.muli %mul3A_1003, %get3A_995 : vector<16xi32>
    %xor3A_1005 = arith.xori %mul3A_1001, %mul3A_1004 : vector<16xi32>
    %convert_element_type3A_1006 = arith.sitofp %xor3A_1005 : vector<16xi32> to vector<16xf32>
    %mul3A_1007 = arith.constant 1.000010e-05 : f32
    %mul3A_1008 = vector.broadcast %mul3A_1007 : f32 to vector<16xf32>
    %mul3A_1009 = arith.mulf %convert_element_type3A_1006, %mul3A_1008 : vector<16xf32>
    %convert_element_type3A_1010 = arith.fptosi %mul3A_1009 : vector<16xf32> to vector<16xi32>
    %mul3A_1011 = vector.broadcast %squeeze3A : i32 to vector<16xi32>
    %mul3A_1012 = arith.muli %convert_element_type3A_1010, %mul3A_1011 : vector<16xi32>
    %sub3A_1013 = arith.subi %xor3A_1005, %mul3A_1012 : vector<16xi32>
    %shift_right_arithmetic3A_1014 = arith.constant 31 : i32
    %shift_right_arithmetic3A_1015 = vector.broadcast %shift_right_arithmetic3A_1014 : i32 to vector<16xi32>
    %shift_right_arithmetic3A_1016 = arith.shrsi %sub3A_1013, %shift_right_arithmetic3A_1015 : vector<16xi32>
    %mul3A_1017 = vector.broadcast %squeeze3A : i32 to vector<16xi32>
    %mul3A_1018 = arith.muli %shift_right_arithmetic3A_1016, %mul3A_1017 : vector<16xi32>
    %sub3A_1019 = arith.subi %sub3A_1013, %mul3A_1018 : vector<16xi32>
    %sub3A_1020 = vector.broadcast %squeeze3A : i32 to vector<16xi32>
    %sub3A_1021 = arith.subi %sub3A_1019, %sub3A_1020 : vector<16xi32>
    %shift_right_arithmetic3A_1022 = arith.constant 31 : i32
    %shift_right_arithmetic3A_1023 = vector.broadcast %shift_right_arithmetic3A_1022 : i32 to vector<16xi32>
    %shift_right_arithmetic3A_1024 = arith.shrsi %sub3A_1021, %shift_right_arithmetic3A_1023 : vector<16xi32>
    %mul3A_1025 = vector.broadcast %squeeze3A : i32 to vector<16xi32>
    %mul3A_1026 = arith.muli %shift_right_arithmetic3A_1024, %mul3A_1025 : vector<16xi32>
    %sub3A_1027 = arith.subi %sub3A_1021, %mul3A_1026 : vector<16xi32>
    %swap3A_1028 = arith.constant 3 : i32
    %swap3A_1029 = arith.index_cast %swap3A_1028 : i32 to index
    %swap3A_1030 = arith.constant 0 : index
    %swap3A_1031 = tpu.vector_load %arg7[%swap3A_1029, %swap3A_1030] {strides = array<i32>} : memref<4x128xi32, #tpu.memory_space<vmem>>, vector<1x16xi32>,
    %swap3A_1032 = vector.shape_cast %swap3A_1031 : vector<1x16xi32> to vector<16xi32>
    %swap3A_1033 = vector.shape_cast %sub3A_1027 : vector<16xi32> to vector<1x16xi32>
    tpu.vector_store %arg7[%swap3A_1029, %swap3A_1030], %swap3A_1033 {strides = array<i32>} : memref<4x128xi32, #tpu.memory_space<vmem>>, vector<1x16xi32>,
    %get3A_1034 = arith.constant 407 : index
    %get3A_1035 = tpu.vector_load %arg6[%get3A_1034] {strides = array<i32>} : memref<520xi32, #tpu.memory_space<vmem>>, vector<16xi32>,
    %get3A_1036 = vector.shape_cast %get3A_1035 : vector<16xi32> to vector<16xi32>
    %get3A_1037 = arith.constant 408 : index
    %get3A_1038 = tpu.vector_load %arg6[%get3A_1037] {strides = array<i32>} : memref<520xi32, #tpu.memory_space<vmem>>, vector<16xi32>,
    %get3A_1039 = vector.shape_cast %get3A_1038 : vector<16xi32> to vector<16xi32>
    %mul3A_1040 = arith.constant 36313 : i32
    %mul3A_1041 = vector.broadcast %mul3A_1040 : i32 to vector<16xi32>
    %mul3A_1042 = arith.muli %mul3A_1041, %get3A_1039 : vector<16xi32>
    %mul3A_1043 = arith.constant 27191 : i32
    %mul3A_1044 = vector.broadcast %mul3A_1043 : i32 to vector<16xi32>
    %mul3A_1045 = arith.muli %mul3A_1044, %get3A_1036 : vector<16xi32>
    %xor3A_1046 = arith.xori %mul3A_1042, %mul3A_1045 : vector<16xi32>
    %convert_element_type3A_1047 = arith.sitofp %xor3A_1046 : vector<16xi32> to vector<16xf32>
    %mul3A_1048 = arith.constant 1.000010e-05 : f32
    %mul3A_1049 = vector.broadcast %mul3A_1048 : f32 to vector<16xf32>
    %mul3A_1050 = arith.mulf %convert_element_type3A_1047, %mul3A_1049 : vector<16xf32>
    %convert_element_type3A_1051 = arith.fptosi %mul3A_1050 : vector<16xf32> to vector<16xi32>
    %mul3A_1052 = vector.broadcast %squeeze3A : i32 to vector<16xi32>
    %mul3A_1053 = arith.muli %convert_element_type3A_1051, %mul3A_1052 : vector<16xi32>
    %sub3A_1054 = arith.subi %xor3A_1046, %mul3A_1053 : vector<16xi32>
    %shift_right_arithmetic3A_1055 = arith.constant 31 : i32
    %shift_right_arithmetic3A_1056 = vector.broadcast %shift_right_arithmetic3A_1055 : i32 to vector<16xi32>
    %shift_right_arithmetic3A_1057 = arith.shrsi %sub3A_1054, %shift_right_arithmetic3A_1056 : vector<16xi32>
    %mul3A_1058 = vector.broadcast %squeeze3A : i32 to vector<16xi32>
    %mul3A_1059 = arith.muli %shift_right_arithmetic3A_1057, %mul3A_1058 : vector<16xi32>
    %sub3A_1060 = arith.subi %sub3A_1054, %mul3A_1059 : vector<16xi32>
    %sub3A_1061 = vector.broadcast %squeeze3A : i32 to vector<16xi32>
    %sub3A_1062 = arith.subi %sub3A_1060, %sub3A_1061 : vector<16xi32>
    %shift_right_arithmetic3A_1063 = arith.constant 31 : i32
    %shift_right_arithmetic3A_1064 = vector.broadcast %shift_right_arithmetic3A_1063 : i32 to vector<16xi32>
    %shift_right_arithmetic3A_1065 = arith.shrsi %sub3A_1062, %shift_right_arithmetic3A_1064 : vector<16xi32>
    %mul3A_1066 = vector.broadcast %squeeze3A : i32 to vector<16xi32>
    %mul3A_1067 = arith.muli %shift_right_arithmetic3A_1065, %mul3A_1066 : vector<16xi32>
    %sub3A_1068 = arith.subi %sub3A_1062, %mul3A_1067 : vector<16xi32>
    %swap3A_1069 = arith.constant 3 : i32
    %swap3A_1070 = arith.index_cast %swap3A_1069 : i32 to index
    %swap3A_1071 = arith.constant 16 : index
    %swap3A_1072 = tpu.vector_load %arg7[%swap3A_1070, %swap3A_1071] {strides = array<i32>} : memref<4x128xi32, #tpu.memory_space<vmem>>, vector<1x16xi32>,
    %swap3A_1073 = vector.shape_cast %swap3A_1072 : vector<1x16xi32> to vector<16xi32>
    %swap3A_1074 = vector.shape_cast %sub3A_1068 : vector<16xi32> to vector<1x16xi32>
    tpu.vector_store %arg7[%swap3A_1070, %swap3A_1071], %swap3A_1074 {strides = array<i32>} : memref<4x128xi32, #tpu.memory_space<vmem>>, vector<1x16xi32>,
    %get3A_1075 = arith.constant 423 : index
    %get3A_1076 = tpu.vector_load %arg6[%get3A_1075] {strides = array<i32>} : memref<520xi32, #tpu.memory_space<vmem>>, vector<16xi32>,
    %get3A_1077 = vector.shape_cast %get3A_1076 : vector<16xi32> to vector<16xi32>
    %get3A_1078 = arith.constant 424 : index
    %get3A_1079 = tpu.vector_load %arg6[%get3A_1078] {strides = array<i32>} : memref<520xi32, #tpu.memory_space<vmem>>, vector<16xi32>,
    %get3A_1080 = vector.shape_cast %get3A_1079 : vector<16xi32> to vector<16xi32>
    %mul3A_1081 = arith.constant 36313 : i32
    %mul3A_1082 = vector.broadcast %mul3A_1081 : i32 to vector<16xi32>
    %mul3A_1083 = arith.muli %mul3A_1082, %get3A_1080 : vector<16xi32>
    %mul3A_1084 = arith.constant 27191 : i32
    %mul3A_1085 = vector.broadcast %mul3A_1084 : i32 to vector<16xi32>
    %mul3A_1086 = arith.muli %mul3A_1085, %get3A_1077 : vector<16xi32>
    %xor3A_1087 = arith.xori %mul3A_1083, %mul3A_1086 : vector<16xi32>
    %convert_element_type3A_1088 = arith.sitofp %xor3A_1087 : vector<16xi32> to vector<16xf32>
    %mul3A_1089 = arith.constant 1.000010e-05 : f32
    %mul3A_1090 = vector.broadcast %mul3A_1089 : f32 to vector<16xf32>
    %mul3A_1091 = arith.mulf %convert_element_type3A_1088, %mul3A_1090 : vector<16xf32>
    %convert_element_type3A_1092 = arith.fptosi %mul3A_1091 : vector<16xf32> to vector<16xi32>
    %mul3A_1093 = vector.broadcast %squeeze3A : i32 to vector<16xi32>
    %mul3A_1094 = arith.muli %convert_element_type3A_1092, %mul3A_1093 : vector<16xi32>
    %sub3A_1095 = arith.subi %xor3A_1087, %mul3A_1094 : vector<16xi32>
    %shift_right_arithmetic3A_1096 = arith.constant 31 : i32
    %shift_right_arithmetic3A_1097 = vector.broadcast %shift_right_arithmetic3A_1096 : i32 to vector<16xi32>
    %shift_right_arithmetic3A_1098 = arith.shrsi %sub3A_1095, %shift_right_arithmetic3A_1097 : vector<16xi32>
    %mul3A_1099 = vector.broadcast %squeeze3A : i32 to vector<16xi32>
    %mul3A_1100 = arith.muli %shift_right_arithmetic3A_1098, %mul3A_1099 : vector<16xi32>
    %sub3A_1101 = arith.subi %sub3A_1095, %mul3A_1100 : vector<16xi32>
    %sub3A_1102 = vector.broadcast %squeeze3A : i32 to vector<16xi32>
    %sub3A_1103 = arith.subi %sub3A_1101, %sub3A_1102 : vector<16xi32>
    %shift_right_arithmetic3A_1104 = arith.constant 31 : i32
    %shift_right_arithmetic3A_1105 = vector.broadcast %shift_right_arithmetic3A_1104 : i32 to vector<16xi32>
    %shift_right_arithmetic3A_1106 = arith.shrsi %sub3A_1103, %shift_right_arithmetic3A_1105 : vector<16xi32>
    %mul3A_1107 = vector.broadcast %squeeze3A : i32 to vector<16xi32>
    %mul3A_1108 = arith.muli %shift_right_arithmetic3A_1106, %mul3A_1107 : vector<16xi32>
    %sub3A_1109 = arith.subi %sub3A_1103, %mul3A_1108 : vector<16xi32>
    %swap3A_1110 = arith.constant 3 : i32
    %swap3A_1111 = arith.index_cast %swap3A_1110 : i32 to index
    %swap3A_1112 = arith.constant 32 : index
    %swap3A_1113 = tpu.vector_load %arg7[%swap3A_1111, %swap3A_1112] {strides = array<i32>} : memref<4x128xi32, #tpu.memory_space<vmem>>, vector<1x16xi32>,
    %swap3A_1114 = vector.shape_cast %swap3A_1113 : vector<1x16xi32> to vector<16xi32>
    %swap3A_1115 = vector.shape_cast %sub3A_1109 : vector<16xi32> to vector<1x16xi32>
    tpu.vector_store %arg7[%swap3A_1111, %swap3A_1112], %swap3A_1115 {strides = array<i32>} : memref<4x128xi32, #tpu.memory_space<vmem>>, vector<1x16xi32>,
    %get3A_1116 = arith.constant 439 : index
    %get3A_1117 = tpu.vector_load %arg6[%get3A_1116] {strides = array<i32>} : memref<520xi32, #tpu.memory_space<vmem>>, vector<16xi32>,
    %get3A_1118 = vector.shape_cast %get3A_1117 : vector<16xi32> to vector<16xi32>
    %get3A_1119 = arith.constant 440 : index
    %get3A_1120 = tpu.vector_load %arg6[%get3A_1119] {strides = array<i32>} : memref<520xi32, #tpu.memory_space<vmem>>, vector<16xi32>,
    %get3A_1121 = vector.shape_cast %get3A_1120 : vector<16xi32> to vector<16xi32>
    %mul3A_1122 = arith.constant 36313 : i32
    %mul3A_1123 = vector.broadcast %mul3A_1122 : i32 to vector<16xi32>
    %mul3A_1124 = arith.muli %mul3A_1123, %get3A_1121 : vector<16xi32>
    %mul3A_1125 = arith.constant 27191 : i32
    %mul3A_1126 = vector.broadcast %mul3A_1125 : i32 to vector<16xi32>
    %mul3A_1127 = arith.muli %mul3A_1126, %get3A_1118 : vector<16xi32>
    %xor3A_1128 = arith.xori %mul3A_1124, %mul3A_1127 : vector<16xi32>
    %convert_element_type3A_1129 = arith.sitofp %xor3A_1128 : vector<16xi32> to vector<16xf32>
    %mul3A_1130 = arith.constant 1.000010e-05 : f32
    %mul3A_1131 = vector.broadcast %mul3A_1130 : f32 to vector<16xf32>
    %mul3A_1132 = arith.mulf %convert_element_type3A_1129, %mul3A_1131 : vector<16xf32>
    %convert_element_type3A_1133 = arith.fptosi %mul3A_1132 : vector<16xf32> to vector<16xi32>
    %mul3A_1134 = vector.broadcast %squeeze3A : i32 to vector<16xi32>
    %mul3A_1135 = arith.muli %convert_element_type3A_1133, %mul3A_1134 : vector<16xi32>
    %sub3A_1136 = arith.subi %xor3A_1128, %mul3A_1135 : vector<16xi32>
    %shift_right_arithmetic3A_1137 = arith.constant 31 : i32
    %shift_right_arithmetic3A_1138 = vector.broadcast %shift_right_arithmetic3A_1137 : i32 to vector<16xi32>
    %shift_right_arithmetic3A_1139 = arith.shrsi %sub3A_1136, %shift_right_arithmetic3A_1138 : vector<16xi32>
    %mul3A_1140 = vector.broadcast %squeeze3A : i32 to vector<16xi32>
    %mul3A_1141 = arith.muli %shift_right_arithmetic3A_1139, %mul3A_1140 : vector<16xi32>
    %sub3A_1142 = arith.subi %sub3A_1136, %mul3A_1141 : vector<16xi32>
    %sub3A_1143 = vector.broadcast %squeeze3A : i32 to vector<16xi32>
    %sub3A_1144 = arith.subi %sub3A_1142, %sub3A_1143 : vector<16xi32>
    %shift_right_arithmetic3A_1145 = arith.constant 31 : i32
    %shift_right_arithmetic3A_1146 = vector.broadcast %shift_right_arithmetic3A_1145 : i32 to vector<16xi32>
    %shift_right_arithmetic3A_1147 = arith.shrsi %sub3A_1144, %shift_right_arithmetic3A_1146 : vector<16xi32>
    %mul3A_1148 = vector.broadcast %squeeze3A : i32 to vector<16xi32>
    %mul3A_1149 = arith.muli %shift_right_arithmetic3A_1147, %mul3A_1148 : vector<16xi32>
    %sub3A_1150 = arith.subi %sub3A_1144, %mul3A_1149 : vector<16xi32>
    %swap3A_1151 = arith.constant 3 : i32
    %swap3A_1152 = arith.index_cast %swap3A_1151 : i32 to index
    %swap3A_1153 = arith.constant 48 : index
    %swap3A_1154 = tpu.vector_load %arg7[%swap3A_1152, %swap3A_1153] {strides = array<i32>} : memref<4x128xi32, #tpu.memory_space<vmem>>, vector<1x16xi32>,
    %swap3A_1155 = vector.shape_cast %swap3A_1154 : vector<1x16xi32> to vector<16xi32>
    %swap3A_1156 = vector.shape_cast %sub3A_1150 : vector<16xi32> to vector<1x16xi32>
    tpu.vector_store %arg7[%swap3A_1152, %swap3A_1153], %swap3A_1156 {strides = array<i32>} : memref<4x128xi32, #tpu.memory_space<vmem>>, vector<1x16xi32>,
    %get3A_1157 = arith.constant 455 : index
    %get3A_1158 = tpu.vector_load %arg6[%get3A_1157] {strides = array<i32>} : memref<520xi32, #tpu.memory_space<vmem>>, vector<16xi32>,
    %get3A_1159 = vector.shape_cast %get3A_1158 : vector<16xi32> to vector<16xi32>
    %get3A_1160 = arith.constant 456 : index
    %get3A_1161 = tpu.vector_load %arg6[%get3A_1160] {strides = array<i32>} : memref<520xi32, #tpu.memory_space<vmem>>, vector<16xi32>,
    %get3A_1162 = vector.shape_cast %get3A_1161 : vector<16xi32> to vector<16xi32>
    %mul3A_1163 = arith.constant 36313 : i32
    %mul3A_1164 = vector.broadcast %mul3A_1163 : i32 to vector<16xi32>
    %mul3A_1165 = arith.muli %mul3A_1164, %get3A_1162 : vector<16xi32>
    %mul3A_1166 = arith.constant 27191 : i32
    %mul3A_1167 = vector.broadcast %mul3A_1166 : i32 to vector<16xi32>
    %mul3A_1168 = arith.muli %mul3A_1167, %get3A_1159 : vector<16xi32>
    %xor3A_1169 = arith.xori %mul3A_1165, %mul3A_1168 : vector<16xi32>
    %convert_element_type3A_1170 = arith.sitofp %xor3A_1169 : vector<16xi32> to vector<16xf32>
    %mul3A_1171 = arith.constant 1.000010e-05 : f32
    %mul3A_1172 = vector.broadcast %mul3A_1171 : f32 to vector<16xf32>
    %mul3A_1173 = arith.mulf %convert_element_type3A_1170, %mul3A_1172 : vector<16xf32>
    %convert_element_type3A_1174 = arith.fptosi %mul3A_1173 : vector<16xf32> to vector<16xi32>
    %mul3A_1175 = vector.broadcast %squeeze3A : i32 to vector<16xi32>
    %mul3A_1176 = arith.muli %convert_element_type3A_1174, %mul3A_1175 : vector<16xi32>
    %sub3A_1177 = arith.subi %xor3A_1169, %mul3A_1176 : vector<16xi32>
    %shift_right_arithmetic3A_1178 = arith.constant 31 : i32
    %shift_right_arithmetic3A_1179 = vector.broadcast %shift_right_arithmetic3A_1178 : i32 to vector<16xi32>
    %shift_right_arithmetic3A_1180 = arith.shrsi %sub3A_1177, %shift_right_arithmetic3A_1179 : vector<16xi32>
    %mul3A_1181 = vector.broadcast %squeeze3A : i32 to vector<16xi32>
    %mul3A_1182 = arith.muli %shift_right_arithmetic3A_1180, %mul3A_1181 : vector<16xi32>
    %sub3A_1183 = arith.subi %sub3A_1177, %mul3A_1182 : vector<16xi32>
    %sub3A_1184 = vector.broadcast %squeeze3A : i32 to vector<16xi32>
    %sub3A_1185 = arith.subi %sub3A_1183, %sub3A_1184 : vector<16xi32>
    %shift_right_arithmetic3A_1186 = arith.constant 31 : i32
    %shift_right_arithmetic3A_1187 = vector.broadcast %shift_right_arithmetic3A_1186 : i32 to vector<16xi32>
    %shift_right_arithmetic3A_1188 = arith.shrsi %sub3A_1185, %shift_right_arithmetic3A_1187 : vector<16xi32>
    %mul3A_1189 = vector.broadcast %squeeze3A : i32 to vector<16xi32>
    %mul3A_1190 = arith.muli %shift_right_arithmetic3A_1188, %mul3A_1189 : vector<16xi32>
    %sub3A_1191 = arith.subi %sub3A_1185, %mul3A_1190 : vector<16xi32>
    %swap3A_1192 = arith.constant 3 : i32
    %swap3A_1193 = arith.index_cast %swap3A_1192 : i32 to index
    %swap3A_1194 = arith.constant 64 : index
    %swap3A_1195 = tpu.vector_load %arg7[%swap3A_1193, %swap3A_1194] {strides = array<i32>} : memref<4x128xi32, #tpu.memory_space<vmem>>, vector<1x16xi32>,
    %swap3A_1196 = vector.shape_cast %swap3A_1195 : vector<1x16xi32> to vector<16xi32>
    %swap3A_1197 = vector.shape_cast %sub3A_1191 : vector<16xi32> to vector<1x16xi32>
    tpu.vector_store %arg7[%swap3A_1193, %swap3A_1194], %swap3A_1197 {strides = array<i32>} : memref<4x128xi32, #tpu.memory_space<vmem>>, vector<1x16xi32>,
    %get3A_1198 = arith.constant 471 : index
    %get3A_1199 = tpu.vector_load %arg6[%get3A_1198] {strides = array<i32>} : memref<520xi32, #tpu.memory_space<vmem>>, vector<16xi32>,
    %get3A_1200 = vector.shape_cast %get3A_1199 : vector<16xi32> to vector<16xi32>
    %get3A_1201 = arith.constant 472 : index
    %get3A_1202 = tpu.vector_load %arg6[%get3A_1201] {strides = array<i32>} : memref<520xi32, #tpu.memory_space<vmem>>, vector<16xi32>,
    %get3A_1203 = vector.shape_cast %get3A_1202 : vector<16xi32> to vector<16xi32>
    %mul3A_1204 = arith.constant 36313 : i32
    %mul3A_1205 = vector.broadcast %mul3A_1204 : i32 to vector<16xi32>
    %mul3A_1206 = arith.muli %mul3A_1205, %get3A_1203 : vector<16xi32>
    %mul3A_1207 = arith.constant 27191 : i32
    %mul3A_1208 = vector.broadcast %mul3A_1207 : i32 to vector<16xi32>
    %mul3A_1209 = arith.muli %mul3A_1208, %get3A_1200 : vector<16xi32>
    %xor3A_1210 = arith.xori %mul3A_1206, %mul3A_1209 : vector<16xi32>
    %convert_element_type3A_1211 = arith.sitofp %xor3A_1210 : vector<16xi32> to vector<16xf32>
    %mul3A_1212 = arith.constant 1.000010e-05 : f32
    %mul3A_1213 = vector.broadcast %mul3A_1212 : f32 to vector<16xf32>
    %mul3A_1214 = arith.mulf %convert_element_type3A_1211, %mul3A_1213 : vector<16xf32>
    %convert_element_type3A_1215 = arith.fptosi %mul3A_1214 : vector<16xf32> to vector<16xi32>
    %mul3A_1216 = vector.broadcast %squeeze3A : i32 to vector<16xi32>
    %mul3A_1217 = arith.muli %convert_element_type3A_1215, %mul3A_1216 : vector<16xi32>
    %sub3A_1218 = arith.subi %xor3A_1210, %mul3A_1217 : vector<16xi32>
    %shift_right_arithmetic3A_1219 = arith.constant 31 : i32
    %shift_right_arithmetic3A_1220 = vector.broadcast %shift_right_arithmetic3A_1219 : i32 to vector<16xi32>
    %shift_right_arithmetic3A_1221 = arith.shrsi %sub3A_1218, %shift_right_arithmetic3A_1220 : vector<16xi32>
    %mul3A_1222 = vector.broadcast %squeeze3A : i32 to vector<16xi32>
    %mul3A_1223 = arith.muli %shift_right_arithmetic3A_1221, %mul3A_1222 : vector<16xi32>
    %sub3A_1224 = arith.subi %sub3A_1218, %mul3A_1223 : vector<16xi32>
    %sub3A_1225 = vector.broadcast %squeeze3A : i32 to vector<16xi32>
    %sub3A_1226 = arith.subi %sub3A_1224, %sub3A_1225 : vector<16xi32>
    %shift_right_arithmetic3A_1227 = arith.constant 31 : i32
    %shift_right_arithmetic3A_1228 = vector.broadcast %shift_right_arithmetic3A_1227 : i32 to vector<16xi32>
    %shift_right_arithmetic3A_1229 = arith.shrsi %sub3A_1226, %shift_right_arithmetic3A_1228 : vector<16xi32>
    %mul3A_1230 = vector.broadcast %squeeze3A : i32 to vector<16xi32>
    %mul3A_1231 = arith.muli %shift_right_arithmetic3A_1229, %mul3A_1230 : vector<16xi32>
    %sub3A_1232 = arith.subi %sub3A_1226, %mul3A_1231 : vector<16xi32>
    %swap3A_1233 = arith.constant 3 : i32
    %swap3A_1234 = arith.index_cast %swap3A_1233 : i32 to index
    %swap3A_1235 = arith.constant 80 : index
    %swap3A_1236 = tpu.vector_load %arg7[%swap3A_1234, %swap3A_1235] {strides = array<i32>} : memref<4x128xi32, #tpu.memory_space<vmem>>, vector<1x16xi32>,
    %swap3A_1237 = vector.shape_cast %swap3A_1236 : vector<1x16xi32> to vector<16xi32>
    %swap3A_1238 = vector.shape_cast %sub3A_1232 : vector<16xi32> to vector<1x16xi32>
    tpu.vector_store %arg7[%swap3A_1234, %swap3A_1235], %swap3A_1238 {strides = array<i32>} : memref<4x128xi32, #tpu.memory_space<vmem>>, vector<1x16xi32>,
    %get3A_1239 = arith.constant 487 : index
    %get3A_1240 = tpu.vector_load %arg6[%get3A_1239] {strides = array<i32>} : memref<520xi32, #tpu.memory_space<vmem>>, vector<16xi32>,
    %get3A_1241 = vector.shape_cast %get3A_1240 : vector<16xi32> to vector<16xi32>
    %get3A_1242 = arith.constant 488 : index
    %get3A_1243 = tpu.vector_load %arg6[%get3A_1242] {strides = array<i32>} : memref<520xi32, #tpu.memory_space<vmem>>, vector<16xi32>,
    %get3A_1244 = vector.shape_cast %get3A_1243 : vector<16xi32> to vector<16xi32>
    %mul3A_1245 = arith.constant 36313 : i32
    %mul3A_1246 = vector.broadcast %mul3A_1245 : i32 to vector<16xi32>
    %mul3A_1247 = arith.muli %mul3A_1246, %get3A_1244 : vector<16xi32>
    %mul3A_1248 = arith.constant 27191 : i32
    %mul3A_1249 = vector.broadcast %mul3A_1248 : i32 to vector<16xi32>
    %mul3A_1250 = arith.muli %mul3A_1249, %get3A_1241 : vector<16xi32>
    %xor3A_1251 = arith.xori %mul3A_1247, %mul3A_1250 : vector<16xi32>
    %convert_element_type3A_1252 = arith.sitofp %xor3A_1251 : vector<16xi32> to vector<16xf32>
    %mul3A_1253 = arith.constant 1.000010e-05 : f32
    %mul3A_1254 = vector.broadcast %mul3A_1253 : f32 to vector<16xf32>
    %mul3A_1255 = arith.mulf %convert_element_type3A_1252, %mul3A_1254 : vector<16xf32>
    %convert_element_type3A_1256 = arith.fptosi %mul3A_1255 : vector<16xf32> to vector<16xi32>
    %mul3A_1257 = vector.broadcast %squeeze3A : i32 to vector<16xi32>
    %mul3A_1258 = arith.muli %convert_element_type3A_1256, %mul3A_1257 : vector<16xi32>
    %sub3A_1259 = arith.subi %xor3A_1251, %mul3A_1258 : vector<16xi32>
    %shift_right_arithmetic3A_1260 = arith.constant 31 : i32
    %shift_right_arithmetic3A_1261 = vector.broadcast %shift_right_arithmetic3A_1260 : i32 to vector<16xi32>
    %shift_right_arithmetic3A_1262 = arith.shrsi %sub3A_1259, %shift_right_arithmetic3A_1261 : vector<16xi32>
    %mul3A_1263 = vector.broadcast %squeeze3A : i32 to vector<16xi32>
    %mul3A_1264 = arith.muli %shift_right_arithmetic3A_1262, %mul3A_1263 : vector<16xi32>
    %sub3A_1265 = arith.subi %sub3A_1259, %mul3A_1264 : vector<16xi32>
    %sub3A_1266 = vector.broadcast %squeeze3A : i32 to vector<16xi32>
    %sub3A_1267 = arith.subi %sub3A_1265, %sub3A_1266 : vector<16xi32>
    %shift_right_arithmetic3A_1268 = arith.constant 31 : i32
    %shift_right_arithmetic3A_1269 = vector.broadcast %shift_right_arithmetic3A_1268 : i32 to vector<16xi32>
    %shift_right_arithmetic3A_1270 = arith.shrsi %sub3A_1267, %shift_right_arithmetic3A_1269 : vector<16xi32>
    %mul3A_1271 = vector.broadcast %squeeze3A : i32 to vector<16xi32>
    %mul3A_1272 = arith.muli %shift_right_arithmetic3A_1270, %mul3A_1271 : vector<16xi32>
    %sub3A_1273 = arith.subi %sub3A_1267, %mul3A_1272 : vector<16xi32>
    %swap3A_1274 = arith.constant 3 : i32
    %swap3A_1275 = arith.index_cast %swap3A_1274 : i32 to index
    %swap3A_1276 = arith.constant 96 : index
    %swap3A_1277 = tpu.vector_load %arg7[%swap3A_1275, %swap3A_1276] {strides = array<i32>} : memref<4x128xi32, #tpu.memory_space<vmem>>, vector<1x16xi32>,
    %swap3A_1278 = vector.shape_cast %swap3A_1277 : vector<1x16xi32> to vector<16xi32>
    %swap3A_1279 = vector.shape_cast %sub3A_1273 : vector<16xi32> to vector<1x16xi32>
    tpu.vector_store %arg7[%swap3A_1275, %swap3A_1276], %swap3A_1279 {strides = array<i32>} : memref<4x128xi32, #tpu.memory_space<vmem>>, vector<1x16xi32>,
    %get3A_1280 = arith.constant 503 : index
    %get3A_1281 = tpu.vector_load %arg6[%get3A_1280] {strides = array<i32>} : memref<520xi32, #tpu.memory_space<vmem>>, vector<16xi32>,
    %get3A_1282 = vector.shape_cast %get3A_1281 : vector<16xi32> to vector<16xi32>
    %get3A_1283 = arith.constant 504 : index
    %get3A_1284 = tpu.vector_load %arg6[%get3A_1283] {strides = array<i32>} : memref<520xi32, #tpu.memory_space<vmem>>, vector<16xi32>,
    %get3A_1285 = vector.shape_cast %get3A_1284 : vector<16xi32> to vector<16xi32>
    %mul3A_1286 = arith.constant 36313 : i32
    %mul3A_1287 = vector.broadcast %mul3A_1286 : i32 to vector<16xi32>
    %mul3A_1288 = arith.muli %mul3A_1287, %get3A_1285 : vector<16xi32>
    %mul3A_1289 = arith.constant 27191 : i32
    %mul3A_1290 = vector.broadcast %mul3A_1289 : i32 to vector<16xi32>
    %mul3A_1291 = arith.muli %mul3A_1290, %get3A_1282 : vector<16xi32>
    %xor3A_1292 = arith.xori %mul3A_1288, %mul3A_1291 : vector<16xi32>
    %convert_element_type3A_1293 = arith.sitofp %xor3A_1292 : vector<16xi32> to vector<16xf32>
    %mul3A_1294 = arith.constant 1.000010e-05 : f32
    %mul3A_1295 = vector.broadcast %mul3A_1294 : f32 to vector<16xf32>
    %mul3A_1296 = arith.mulf %convert_element_type3A_1293, %mul3A_1295 : vector<16xf32>
    %convert_element_type3A_1297 = arith.fptosi %mul3A_1296 : vector<16xf32> to vector<16xi32>
    %mul3A_1298 = vector.broadcast %squeeze3A : i32 to vector<16xi32>
    %mul3A_1299 = arith.muli %convert_element_type3A_1297, %mul3A_1298 : vector<16xi32>
    %sub3A_1300 = arith.subi %xor3A_1292, %mul3A_1299 : vector<16xi32>
    %shift_right_arithmetic3A_1301 = arith.constant 31 : i32
    %shift_right_arithmetic3A_1302 = vector.broadcast %shift_right_arithmetic3A_1301 : i32 to vector<16xi32>
    %shift_right_arithmetic3A_1303 = arith.shrsi %sub3A_1300, %shift_right_arithmetic3A_1302 : vector<16xi32>
    %mul3A_1304 = vector.broadcast %squeeze3A : i32 to vector<16xi32>
    %mul3A_1305 = arith.muli %shift_right_arithmetic3A_1303, %mul3A_1304 : vector<16xi32>
    %sub3A_1306 = arith.subi %sub3A_1300, %mul3A_1305 : vector<16xi32>
    %sub3A_1307 = vector.broadcast %squeeze3A : i32 to vector<16xi32>
    %sub3A_1308 = arith.subi %sub3A_1306, %sub3A_1307 : vector<16xi32>
    %shift_right_arithmetic3A_1309 = arith.constant 31 : i32
    %shift_right_arithmetic3A_1310 = vector.broadcast %shift_right_arithmetic3A_1309 : i32 to vector<16xi32>
    %shift_right_arithmetic3A_1311 = arith.shrsi %sub3A_1308, %shift_right_arithmetic3A_1310 : vector<16xi32>
    %mul3A_1312 = vector.broadcast %squeeze3A : i32 to vector<16xi32>
    %mul3A_1313 = arith.muli %shift_right_arithmetic3A_1311, %mul3A_1312 : vector<16xi32>
    %sub3A_1314 = arith.subi %sub3A_1308, %mul3A_1313 : vector<16xi32>
    %swap3A_1315 = arith.constant 3 : i32
    %swap3A_1316 = arith.index_cast %swap3A_1315 : i32 to index
    %swap3A_1317 = arith.constant 112 : index
    %swap3A_1318 = tpu.vector_load %arg7[%swap3A_1316, %swap3A_1317] {strides = array<i32>} : memref<4x128xi32, #tpu.memory_space<vmem>>, vector<1x16xi32>,
    %swap3A_1319 = vector.shape_cast %swap3A_1318 : vector<1x16xi32> to vector<16xi32>
    %swap3A_1320 = vector.shape_cast %sub3A_1314 : vector<16xi32> to vector<1x16xi32>
    tpu.vector_store %arg7[%swap3A_1316, %swap3A_1317], %swap3A_1320 {strides = array<i32>} : memref<4x128xi32, #tpu.memory_space<vmem>>, vector<1x16xi32>,
    %jit3A = arith.constant 4096 : i32
    %eq3A_1321 = arith.constant 0 : i32
    %eq3A_1322 = arith.cmpi eq, %jit3A, %eq3A_1321 : i32
    %jit3A_1323 = arith.constant 1 : i32
    %select_n3A = arith.select %eq3A_1322, %jit3A_1323, %jit3A : i32
    %rem3A = arith.remsi %add3A_6, %select_n3A : i32
    %ne3A_1324 = arith.constant 0 : i32
    %ne3A_1325 = arith.cmpi ne, %rem3A, %ne3A_1324 : i32
    %lt3A = arith.constant 0 : i32
    %lt3A_1326 = arith.cmpi slt, %rem3A, %lt3A : i32
    %lt3A_1327 = arith.constant 0 : i32
    %lt3A_1328 = arith.cmpi slt, %select_n3A, %lt3A_1327 : i32
    %ne3A_1329 = arith.xori %lt3A_1326, %lt3A_1328 : i1
    %and3A = arith.andi %ne3A_1329, %ne3A_1325 : i1
    %add3A_1330 = arith.addi %rem3A, %select_n3A : i32
    %select_n3A_1331 = arith.select %and3A, %add3A_1330, %rem3A : i32
    %eq3A_1332 = arith.constant 0 : i32
    %eq3A_1333 = arith.cmpi eq, %select_n3A_1331, %eq3A_1332 : i32
    %convert_element_type3A_1334 = arith.extui %eq3A_1333 : i1 to i32
    %cond3A_1335 = arith.constant 0 : i32
    %cond3A_1336 = arith.cmpi ne, %convert_element_type3A_1334, %cond3A_1335 : i32
    scf.if %cond3A_1336 {
      %get3A_1599 = arith.constant 0 : i32
      %get3A_1600 = arith.index_cast %get3A_1599 : i32 to index
      %get3A_1601 = arith.constant 0 : index
      %get3A_1602 = tpu.vector_load %arg7[%get3A_1600, %get3A_1601] {strides = array<i32>} : memref<4x128xi32, #tpu.memory_space<vmem>>, vector<1x16xi32>,
      %get3A_1603 = vector.shape_cast %get3A_1602 : vector<1x16xi32> to vector<16xi32>
      %iota3A = tpu.iota {dimensions = array<i32: 0>} : vector<16xi32>
      %min3A = arith.constant 1 : i32
      %min3A_1604 = vector.broadcast %min3A : i32 to vector<16xi32>
      %min3A_1605 = arith.minsi %iota3A, %min3A_1604 : vector<16xi32>
      %mul3A_1606 = arith.muli %get3A_1603, %min3A_1605 : vector<16xi32>
      %sub3A_1607 = arith.constant 1 : i32
      %sub3A_1608 = vector.broadcast %sub3A_1607 : i32 to vector<16xi32>
      %sub3A_1609 = arith.subi %sub3A_1608, %min3A_1605 : vector<16xi32>
      %mul3A_1610 = vector.broadcast %squeeze3A : i32 to vector<16xi32>
      %mul3A_1611 = arith.muli %mul3A_1610, %sub3A_1609 : vector<16xi32>
      %add3A_1612 = arith.addi %mul3A_1606, %mul3A_1611 : vector<16xi32>
      %swap3A_1613 = arith.constant 0 : i32
      %swap3A_1614 = arith.index_cast %swap3A_1613 : i32 to index
      %swap3A_1615 = arith.constant 0 : index
      %swap3A_1616 = tpu.vector_load %arg7[%swap3A_1614, %swap3A_1615] {strides = array<i32>} : memref<4x128xi32, #tpu.memory_space<vmem>>, vector<1x16xi32>,
      %swap3A_1617 = vector.shape_cast %swap3A_1616 : vector<1x16xi32> to vector<16xi32>
      %swap3A_1618 = vector.shape_cast %add3A_1612 : vector<16xi32> to vector<1x16xi32>
      tpu.vector_store %arg7[%swap3A_1614, %swap3A_1615], %swap3A_1618 {strides = array<i32>} : memref<4x128xi32, #tpu.memory_space<vmem>>, vector<1x16xi32>,
    } else {
    }
    %dma_start3A = arith.constant 0 : i32
    %dma_start3A_1337 = arith.constant 0 : i32
    %dma_start3A_1338 = arith.constant 0 : i32
    %dma_start3A_1339 = arith.constant 0 : i32
    %dma_start3A_1340 = arith.constant 0 : i32
    %dma_start3A_1341 = tpu.memref_slice %arg8[%dma_start3A_1337, %dma_start3A_1339, %dma_start3A_1340] : memref<4x128x128xf32, #tpu.memory_space<vmem>> -> memref<1x128x128xf32, #tpu.memory_space<vmem>>
    %dma_start3A_1342 = tpu.memref_squeeze %dma_start3A_1341 : memref<1x128x128xf32, #tpu.memory_space<vmem>> -> memref<128x128xf32, #tpu.memory_space<vmem>>
    %dma_start3A_1343 = arith.constant 0 : i32
    %dma_start3A_1344 = tpu.memref_slice %arg7[%dma_start3A, %dma_start3A_1343] : memref<4x128xi32, #tpu.memory_space<vmem>> -> memref<1x128xi32, #tpu.memory_space<vmem>>
    %dma_start3A_1345 = tpu.memref_squeeze %dma_start3A_1344 : memref<1x128xi32, #tpu.memory_space<vmem>> -> memref<128xi32, #tpu.memory_space<vmem>>
    %dma_start3A_1346 = arith.constant 0 : i32
    %dma_start3A_1347 = arith.constant 0 : i32
    %dma_start3A_1348 = tpu.memref_slice %arg3[%dma_start3A_1346, %dma_start3A_1347] : memref<100000x128xf32, #tpu.memory_space<hbm>> -> memref<100000x128xf32, #tpu.memory_space<hbm>>
    %dma_start3A_1349 = tpu.memref_slice %arg9[%dma_start3A_1338] : memref<4x!tpu.dma_semaphore, #tpu.memory_space<semaphore_mem>> -> memref<1x!tpu.dma_semaphore, #tpu.memory_space<semaphore_mem>>
    %dma_start3A_1350 = tpu.memref_squeeze %dma_start3A_1349 : memref<1x!tpu.dma_semaphore, #tpu.memory_space<semaphore_mem>> -> memref<!tpu.dma_semaphore, #tpu.memory_space<semaphore_mem>>
    tpu.enqueue_indirect_dma source(%dma_start3A_1348 : memref<100000x128xf32, #tpu.memory_space<hbm>>) target(%dma_start3A_1342 : memref<128x128xf32, #tpu.memory_space<vmem>>) offsets(%dma_start3A_1345 : memref<128xi32, #tpu.memory_space<vmem>>) semaphore(%dma_start3A_1350 : memref<!tpu.dma_semaphore, #tpu.memory_space<semaphore_mem>>)
    %dma_start3A_1351 = arith.constant 1 : i32
    %dma_start3A_1352 = arith.constant 1 : i32
    %dma_start3A_1353 = arith.constant 1 : i32
    %dma_start3A_1354 = arith.constant 0 : i32
    %dma_start3A_1355 = arith.constant 0 : i32
    %dma_start3A_1356 = tpu.memref_slice %arg8[%dma_start3A_1352, %dma_start3A_1354, %dma_start3A_1355] : memref<4x128x128xf32, #tpu.memory_space<vmem>> -> memref<1x128x128xf32, #tpu.memory_space<vmem>>
    %dma_start3A_1357 = tpu.memref_squeeze %dma_start3A_1356 : memref<1x128x128xf32, #tpu.memory_space<vmem>> -> memref<128x128xf32, #tpu.memory_space<vmem>>
    %dma_start3A_1358 = arith.constant 0 : i32
    %dma_start3A_1359 = tpu.memref_slice %arg7[%dma_start3A_1351, %dma_start3A_1358] : memref<4x128xi32, #tpu.memory_space<vmem>> -> memref<1x128xi32, #tpu.memory_space<vmem>>
    %dma_start3A_1360 = tpu.memref_squeeze %dma_start3A_1359 : memref<1x128xi32, #tpu.memory_space<vmem>> -> memref<128xi32, #tpu.memory_space<vmem>>
    %dma_start3A_1361 = arith.constant 0 : i32
    %dma_start3A_1362 = arith.constant 0 : i32
    %dma_start3A_1363 = tpu.memref_slice %arg3[%dma_start3A_1361, %dma_start3A_1362] : memref<100000x128xf32, #tpu.memory_space<hbm>> -> memref<100000x128xf32, #tpu.memory_space<hbm>>
    %dma_start3A_1364 = tpu.memref_slice %arg9[%dma_start3A_1353] : memref<4x!tpu.dma_semaphore, #tpu.memory_space<semaphore_mem>> -> memref<1x!tpu.dma_semaphore, #tpu.memory_space<semaphore_mem>>
    %dma_start3A_1365 = tpu.memref_squeeze %dma_start3A_1364 : memref<1x!tpu.dma_semaphore, #tpu.memory_space<semaphore_mem>> -> memref<!tpu.dma_semaphore, #tpu.memory_space<semaphore_mem>>
    tpu.enqueue_indirect_dma source(%dma_start3A_1363 : memref<100000x128xf32, #tpu.memory_space<hbm>>) target(%dma_start3A_1357 : memref<128x128xf32, #tpu.memory_space<vmem>>) offsets(%dma_start3A_1360 : memref<128xi32, #tpu.memory_space<vmem>>) semaphore(%dma_start3A_1365 : memref<!tpu.dma_semaphore, #tpu.memory_space<semaphore_mem>>)
    %dma_start3A_1366 = arith.constant 2 : i32
    %dma_start3A_1367 = arith.constant 2 : i32
    %dma_start3A_1368 = arith.constant 2 : i32
    %dma_start3A_1369 = arith.constant 0 : i32
    %dma_start3A_1370 = arith.constant 0 : i32
    %dma_start3A_1371 = tpu.memref_slice %arg8[%dma_start3A_1367, %dma_start3A_1369, %dma_start3A_1370] : memref<4x128x128xf32, #tpu.memory_space<vmem>> -> memref<1x128x128xf32, #tpu.memory_space<vmem>>
    %dma_start3A_1372 = tpu.memref_squeeze %dma_start3A_1371 : memref<1x128x128xf32, #tpu.memory_space<vmem>> -> memref<128x128xf32, #tpu.memory_space<vmem>>
    %dma_start3A_1373 = arith.constant 0 : i32
    %dma_start3A_1374 = tpu.memref_slice %arg7[%dma_start3A_1366, %dma_start3A_1373] : memref<4x128xi32, #tpu.memory_space<vmem>> -> memref<1x128xi32, #tpu.memory_space<vmem>>
    %dma_start3A_1375 = tpu.memref_squeeze %dma_start3A_1374 : memref<1x128xi32, #tpu.memory_space<vmem>> -> memref<128xi32, #tpu.memory_space<vmem>>
    %dma_start3A_1376 = arith.constant 0 : i32
    %dma_start3A_1377 = arith.constant 0 : i32
    %dma_start3A_1378 = tpu.memref_slice %arg3[%dma_start3A_1376, %dma_start3A_1377] : memref<100000x128xf32, #tpu.memory_space<hbm>> -> memref<100000x128xf32, #tpu.memory_space<hbm>>
    %dma_start3A_1379 = tpu.memref_slice %arg9[%dma_start3A_1368] : memref<4x!tpu.dma_semaphore, #tpu.memory_space<semaphore_mem>> -> memref<1x!tpu.dma_semaphore, #tpu.memory_space<semaphore_mem>>
    %dma_start3A_1380 = tpu.memref_squeeze %dma_start3A_1379 : memref<1x!tpu.dma_semaphore, #tpu.memory_space<semaphore_mem>> -> memref<!tpu.dma_semaphore, #tpu.memory_space<semaphore_mem>>
    tpu.enqueue_indirect_dma source(%dma_start3A_1378 : memref<100000x128xf32, #tpu.memory_space<hbm>>) target(%dma_start3A_1372 : memref<128x128xf32, #tpu.memory_space<vmem>>) offsets(%dma_start3A_1375 : memref<128xi32, #tpu.memory_space<vmem>>) semaphore(%dma_start3A_1380 : memref<!tpu.dma_semaphore, #tpu.memory_space<semaphore_mem>>)
    %dma_start3A_1381 = arith.constant 3 : i32
    %dma_start3A_1382 = arith.constant 3 : i32
    %dma_start3A_1383 = arith.constant 3 : i32
    %dma_start3A_1384 = arith.constant 0 : i32
    %dma_start3A_1385 = arith.constant 0 : i32
    %dma_start3A_1386 = tpu.memref_slice %arg8[%dma_start3A_1382, %dma_start3A_1384, %dma_start3A_1385] : memref<4x128x128xf32, #tpu.memory_space<vmem>> -> memref<1x128x128xf32, #tpu.memory_space<vmem>>
    %dma_start3A_1387 = tpu.memref_squeeze %dma_start3A_1386 : memref<1x128x128xf32, #tpu.memory_space<vmem>> -> memref<128x128xf32, #tpu.memory_space<vmem>>
    %dma_start3A_1388 = arith.constant 0 : i32
    %dma_start3A_1389 = tpu.memref_slice %arg7[%dma_start3A_1381, %dma_start3A_1388] : memref<4x128xi32, #tpu.memory_space<vmem>> -> memref<1x128xi32, #tpu.memory_space<vmem>>
    %dma_start3A_1390 = tpu.memref_squeeze %dma_start3A_1389 : memref<1x128xi32, #tpu.memory_space<vmem>> -> memref<128xi32, #tpu.memory_space<vmem>>
    %dma_start3A_1391 = arith.constant 0 : i32
    %dma_start3A_1392 = arith.constant 0 : i32
    %dma_start3A_1393 = tpu.memref_slice %arg3[%dma_start3A_1391, %dma_start3A_1392] : memref<100000x128xf32, #tpu.memory_space<hbm>> -> memref<100000x128xf32, #tpu.memory_space<hbm>>
    %dma_start3A_1394 = tpu.memref_slice %arg9[%dma_start3A_1383] : memref<4x!tpu.dma_semaphore, #tpu.memory_space<semaphore_mem>> -> memref<1x!tpu.dma_semaphore, #tpu.memory_space<semaphore_mem>>
    %dma_start3A_1395 = tpu.memref_squeeze %dma_start3A_1394 : memref<1x!tpu.dma_semaphore, #tpu.memory_space<semaphore_mem>> -> memref<!tpu.dma_semaphore, #tpu.memory_space<semaphore_mem>>
    tpu.enqueue_indirect_dma source(%dma_start3A_1393 : memref<100000x128xf32, #tpu.memory_space<hbm>>) target(%dma_start3A_1387 : memref<128x128xf32, #tpu.memory_space<vmem>>) offsets(%dma_start3A_1390 : memref<128xi32, #tpu.memory_space<vmem>>) semaphore(%dma_start3A_1395 : memref<!tpu.dma_semaphore, #tpu.memory_space<semaphore_mem>>)
    %dma_wait3A = arith.constant 0 : i32
    %dma_wait3A_1396 = arith.constant 0 : i32
    %dma_wait3A_1397 = arith.constant 0 : i32
    %dma_wait3A_1398 = arith.constant 0 : i32
    %dma_wait3A_1399 = arith.constant 0 : i32
    %dma_wait3A_1400 = tpu.memref_slice %arg8[%dma_wait3A_1396, %dma_wait3A_1398, %dma_wait3A_1399] : memref<4x128x128xf32, #tpu.memory_space<vmem>> -> memref<1x128x128xf32, #tpu.memory_space<vmem>>
    %dma_wait3A_1401 = tpu.memref_squeeze %dma_wait3A_1400 : memref<1x128x128xf32, #tpu.memory_space<vmem>> -> memref<128x128xf32, #tpu.memory_space<vmem>>
    %dma_wait3A_1402 = arith.constant 0 : i32
    %dma_wait3A_1403 = tpu.memref_slice %arg7[%dma_wait3A, %dma_wait3A_1402] : memref<4x128xi32, #tpu.memory_space<vmem>> -> memref<1x128xi32, #tpu.memory_space<vmem>>
    %dma_wait3A_1404 = tpu.memref_squeeze %dma_wait3A_1403 : memref<1x128xi32, #tpu.memory_space<vmem>> -> memref<128xi32, #tpu.memory_space<vmem>>
    %dma_wait3A_1405 = arith.constant 0 : i32
    %dma_wait3A_1406 = arith.constant 0 : i32
    %dma_wait3A_1407 = tpu.memref_slice %arg3[%dma_wait3A_1405, %dma_wait3A_1406] : memref<100000x128xf32, #tpu.memory_space<hbm>> -> memref<100000x128xf32, #tpu.memory_space<hbm>>
    %dma_wait3A_1408 = tpu.memref_slice %arg9[%dma_wait3A_1397] : memref<4x!tpu.dma_semaphore, #tpu.memory_space<semaphore_mem>> -> memref<1x!tpu.dma_semaphore, #tpu.memory_space<semaphore_mem>>
    %dma_wait3A_1409 = tpu.memref_squeeze %dma_wait3A_1408 : memref<1x!tpu.dma_semaphore, #tpu.memory_space<semaphore_mem>> -> memref<!tpu.dma_semaphore, #tpu.memory_space<semaphore_mem>>
    tpu.wait_indirect_dma semaphore(%dma_wait3A_1409 : memref<!tpu.dma_semaphore, #tpu.memory_space<semaphore_mem>>) src(%dma_wait3A_1407 : memref<100000x128xf32, #tpu.memory_space<hbm>>) dst(%dma_wait3A_1401 : memref<128x128xf32, #tpu.memory_space<vmem>>)
    %dma_start3A_1410 = arith.constant 0 : i32
    %dma_start3A_1411 = arith.constant 0 : i32
    %dma_start3A_1412 = arith.constant 0 : i32
    %dma_start3A_1413 = arith.constant 0 : i32
    %dma_start3A_1414 = tpu.memref_slice %arg8[%dma_start3A_1410, %dma_start3A_1412, %dma_start3A_1413] : memref<4x128x128xf32, #tpu.memory_space<vmem>> -> memref<1x128x128xf32, #tpu.memory_space<vmem>>
    %dma_start3A_1415 = tpu.memref_squeeze %dma_start3A_1414 : memref<1x128x128xf32, #tpu.memory_space<vmem>> -> memref<128x128xf32, #tpu.memory_space<vmem>>
    %dma_start3A_1416 = arith.constant 0 : i32
    %dma_start3A_1417 = arith.constant 0 : i32
    %dma_start3A_1418 = tpu.memref_slice %arg5[%add3A, %dma_start3A_1411, %dma_start3A_1416, %dma_start3A_1417] : memref<32x4x128x128xf32, #tpu.memory_space<hbm>> -> memref<1x1x128x128xf32, #tpu.memory_space<hbm>>
    %dma_start3A_1419 = tpu.memref_squeeze %dma_start3A_1418 : memref<1x1x128x128xf32, #tpu.memory_space<hbm>> -> memref<128x128xf32, #tpu.memory_space<hbm>>
    %dma_start3A_1420 = arith.constant 0 : i32
    %dma_start3A_1421 = arith.constant 0 : i32
    %dma_start3A_1422 = tpu.memref_slice %arg5[%add3A, %dma_start3A_1411, %dma_start3A_1420, %dma_start3A_1421] : memref<32x4x128x128xf32, #tpu.memory_space<hbm>> -> memref<1x1x128x128xf32, #tpu.memory_space<hbm>>
    %dma_start3A_1423 = tpu.memref_squeeze %dma_start3A_1422 : memref<1x1x128x128xf32, #tpu.memory_space<hbm>> -> memref<128x128xf32, #tpu.memory_space<hbm>>
    %dma_start3A_1424 = arith.constant 0 : i32
    %dma_start3A_1425 = arith.constant 0 : i32
    %dma_start3A_1426 = tpu.memref_slice %arg8[%dma_start3A_1410, %dma_start3A_1424, %dma_start3A_1425] : memref<4x128x128xf32, #tpu.memory_space<vmem>> -> memref<1x128x128xf32, #tpu.memory_space<vmem>>
    %dma_start3A_1427 = tpu.memref_squeeze %dma_start3A_1426 : memref<1x128x128xf32, #tpu.memory_space<vmem>> -> memref<128x128xf32, #tpu.memory_space<vmem>>
    tpu.enqueue_dma source(%dma_start3A_1427 : memref<128x128xf32, #tpu.memory_space<vmem>>) target(%dma_start3A_1423 : memref<128x128xf32, #tpu.memory_space<hbm>>) target_semaphore(%arg10 : memref<!tpu.dma_semaphore, #tpu.memory_space<semaphore_mem>>)
    %dma_wait3A_1428 = arith.constant 1 : i32
    %dma_wait3A_1429 = arith.constant 1 : i32
    %dma_wait3A_1430 = arith.constant 1 : i32
    %dma_wait3A_1431 = arith.constant 0 : i32
    %dma_wait3A_1432 = arith.constant 0 : i32
    %dma_wait3A_1433 = tpu.memref_slice %arg8[%dma_wait3A_1429, %dma_wait3A_1431, %dma_wait3A_1432] : memref<4x128x128xf32, #tpu.memory_space<vmem>> -> memref<1x128x128xf32, #tpu.memory_space<vmem>>
    %dma_wait3A_1434 = tpu.memref_squeeze %dma_wait3A_1433 : memref<1x128x128xf32, #tpu.memory_space<vmem>> -> memref<128x128xf32, #tpu.memory_space<vmem>>
    %dma_wait3A_1435 = arith.constant 0 : i32
    %dma_wait3A_1436 = tpu.memref_slice %arg7[%dma_wait3A_1428, %dma_wait3A_1435] : memref<4x128xi32, #tpu.memory_space<vmem>> -> memref<1x128xi32, #tpu.memory_space<vmem>>
    %dma_wait3A_1437 = tpu.memref_squeeze %dma_wait3A_1436 : memref<1x128xi32, #tpu.memory_space<vmem>> -> memref<128xi32, #tpu.memory_space<vmem>>
    %dma_wait3A_1438 = arith.constant 0 : i32
    %dma_wait3A_1439 = arith.constant 0 : i32
    %dma_wait3A_1440 = tpu.memref_slice %arg3[%dma_wait3A_1438, %dma_wait3A_1439] : memref<100000x128xf32, #tpu.memory_space<hbm>> -> memref<100000x128xf32, #tpu.memory_space<hbm>>
    %dma_wait3A_1441 = tpu.memref_slice %arg9[%dma_wait3A_1430] : memref<4x!tpu.dma_semaphore, #tpu.memory_space<semaphore_mem>> -> memref<1x!tpu.dma_semaphore, #tpu.memory_space<semaphore_mem>>
    %dma_wait3A_1442 = tpu.memref_squeeze %dma_wait3A_1441 : memref<1x!tpu.dma_semaphore, #tpu.memory_space<semaphore_mem>> -> memref<!tpu.dma_semaphore, #tpu.memory_space<semaphore_mem>>
    tpu.wait_indirect_dma semaphore(%dma_wait3A_1442 : memref<!tpu.dma_semaphore, #tpu.memory_space<semaphore_mem>>) src(%dma_wait3A_1440 : memref<100000x128xf32, #tpu.memory_space<hbm>>) dst(%dma_wait3A_1434 : memref<128x128xf32, #tpu.memory_space<vmem>>)
    %dma_start3A_1443 = arith.constant 1 : i32
    %dma_start3A_1444 = arith.constant 1 : i32
    %dma_start3A_1445 = arith.constant 0 : i32
    %dma_start3A_1446 = arith.constant 0 : i32
    %dma_start3A_1447 = tpu.memref_slice %arg8[%dma_start3A_1443, %dma_start3A_1445, %dma_start3A_1446] : memref<4x128x128xf32, #tpu.memory_space<vmem>> -> memref<1x128x128xf32, #tpu.memory_space<vmem>>
    %dma_start3A_1448 = tpu.memref_squeeze %dma_start3A_1447 : memref<1x128x128xf32, #tpu.memory_space<vmem>> -> memref<128x128xf32, #tpu.memory_space<vmem>>
    %dma_start3A_1449 = arith.constant 0 : i32
    %dma_start3A_1450 = arith.constant 0 : i32
    %dma_start3A_1451 = tpu.memref_slice %arg5[%add3A, %dma_start3A_1444, %dma_start3A_1449, %dma_start3A_1450] : memref<32x4x128x128xf32, #tpu.memory_space<hbm>> -> memref<1x1x128x128xf32, #tpu.memory_space<hbm>>
    %dma_start3A_1452 = tpu.memref_squeeze %dma_start3A_1451 : memref<1x1x128x128xf32, #tpu.memory_space<hbm>> -> memref<128x128xf32, #tpu.memory_space<hbm>>
    %dma_start3A_1453 = arith.constant 0 : i32
    %dma_start3A_1454 = arith.constant 0 : i32
    %dma_start3A_1455 = tpu.memref_slice %arg5[%add3A, %dma_start3A_1444, %dma_start3A_1453, %dma_start3A_1454] : memref<32x4x128x128xf32, #tpu.memory_space<hbm>> -> memref<1x1x128x128xf32, #tpu.memory_space<hbm>>
    %dma_start3A_1456 = tpu.memref_squeeze %dma_start3A_1455 : memref<1x1x128x128xf32, #tpu.memory_space<hbm>> -> memref<128x128xf32, #tpu.memory_space<hbm>>
    %dma_start3A_1457 = arith.constant 0 : i32
    %dma_start3A_1458 = arith.constant 0 : i32
    %dma_start3A_1459 = tpu.memref_slice %arg8[%dma_start3A_1443, %dma_start3A_1457, %dma_start3A_1458] : memref<4x128x128xf32, #tpu.memory_space<vmem>> -> memref<1x128x128xf32, #tpu.memory_space<vmem>>
    %dma_start3A_1460 = tpu.memref_squeeze %dma_start3A_1459 : memref<1x128x128xf32, #tpu.memory_space<vmem>> -> memref<128x128xf32, #tpu.memory_space<vmem>>
    tpu.enqueue_dma source(%dma_start3A_1460 : memref<128x128xf32, #tpu.memory_space<vmem>>) target(%dma_start3A_1456 : memref<128x128xf32, #tpu.memory_space<hbm>>) target_semaphore(%arg10 : memref<!tpu.dma_semaphore, #tpu.memory_space<semaphore_mem>>)
    %dma_wait3A_1461 = arith.constant 2 : i32
    %dma_wait3A_1462 = arith.constant 2 : i32
    %dma_wait3A_1463 = arith.constant 2 : i32
    %dma_wait3A_1464 = arith.constant 0 : i32
    %dma_wait3A_1465 = arith.constant 0 : i32
    %dma_wait3A_1466 = tpu.memref_slice %arg8[%dma_wait3A_1462, %dma_wait3A_1464, %dma_wait3A_1465] : memref<4x128x128xf32, #tpu.memory_space<vmem>> -> memref<1x128x128xf32, #tpu.memory_space<vmem>>
    %dma_wait3A_1467 = tpu.memref_squeeze %dma_wait3A_1466 : memref<1x128x128xf32, #tpu.memory_space<vmem>> -> memref<128x128xf32, #tpu.memory_space<vmem>>
    %dma_wait3A_1468 = arith.constant 0 : i32
    %dma_wait3A_1469 = tpu.memref_slice %arg7[%dma_wait3A_1461, %dma_wait3A_1468] : memref<4x128xi32, #tpu.memory_space<vmem>> -> memref<1x128xi32, #tpu.memory_space<vmem>>
    %dma_wait3A_1470 = tpu.memref_squeeze %dma_wait3A_1469 : memref<1x128xi32, #tpu.memory_space<vmem>> -> memref<128xi32, #tpu.memory_space<vmem>>
    %dma_wait3A_1471 = arith.constant 0 : i32
    %dma_wait3A_1472 = arith.constant 0 : i32
    %dma_wait3A_1473 = tpu.memref_slice %arg3[%dma_wait3A_1471, %dma_wait3A_1472] : memref<100000x128xf32, #tpu.memory_space<hbm>> -> memref<100000x128xf32, #tpu.memory_space<hbm>>
    %dma_wait3A_1474 = tpu.memref_slice %arg9[%dma_wait3A_1463] : memref<4x!tpu.dma_semaphore, #tpu.memory_space<semaphore_mem>> -> memref<1x!tpu.dma_semaphore, #tpu.memory_space<semaphore_mem>>
    %dma_wait3A_1475 = tpu.memref_squeeze %dma_wait3A_1474 : memref<1x!tpu.dma_semaphore, #tpu.memory_space<semaphore_mem>> -> memref<!tpu.dma_semaphore, #tpu.memory_space<semaphore_mem>>
    tpu.wait_indirect_dma semaphore(%dma_wait3A_1475 : memref<!tpu.dma_semaphore, #tpu.memory_space<semaphore_mem>>) src(%dma_wait3A_1473 : memref<100000x128xf32, #tpu.memory_space<hbm>>) dst(%dma_wait3A_1467 : memref<128x128xf32, #tpu.memory_space<vmem>>)
    %dma_start3A_1476 = arith.constant 2 : i32
    %dma_start3A_1477 = arith.constant 2 : i32
    %dma_start3A_1478 = arith.constant 0 : i32
    %dma_start3A_1479 = arith.constant 0 : i32
    %dma_start3A_1480 = tpu.memref_slice %arg8[%dma_start3A_1476, %dma_start3A_1478, %dma_start3A_1479] : memref<4x128x128xf32, #tpu.memory_space<vmem>> -> memref<1x128x128xf32, #tpu.memory_space<vmem>>
    %dma_start3A_1481 = tpu.memref_squeeze %dma_start3A_1480 : memref<1x128x128xf32, #tpu.memory_space<vmem>> -> memref<128x128xf32, #tpu.memory_space<vmem>>
    %dma_start3A_1482 = arith.constant 0 : i32
    %dma_start3A_1483 = arith.constant 0 : i32
    %dma_start3A_1484 = tpu.memref_slice %arg5[%add3A, %dma_start3A_1477, %dma_start3A_1482, %dma_start3A_1483] : memref<32x4x128x128xf32, #tpu.memory_space<hbm>> -> memref<1x1x128x128xf32, #tpu.memory_space<hbm>>
    %dma_start3A_1485 = tpu.memref_squeeze %dma_start3A_1484 : memref<1x1x128x128xf32, #tpu.memory_space<hbm>> -> memref<128x128xf32, #tpu.memory_space<hbm>>
    %dma_start3A_1486 = arith.constant 0 : i32
    %dma_start3A_1487 = arith.constant 0 : i32
    %dma_start3A_1488 = tpu.memref_slice %arg5[%add3A, %dma_start3A_1477, %dma_start3A_1486, %dma_start3A_1487] : memref<32x4x128x128xf32, #tpu.memory_space<hbm>> -> memref<1x1x128x128xf32, #tpu.memory_space<hbm>>
    %dma_start3A_1489 = tpu.memref_squeeze %dma_start3A_1488 : memref<1x1x128x128xf32, #tpu.memory_space<hbm>> -> memref<128x128xf32, #tpu.memory_space<hbm>>
    %dma_start3A_1490 = arith.constant 0 : i32
    %dma_start3A_1491 = arith.constant 0 : i32
    %dma_start3A_1492 = tpu.memref_slice %arg8[%dma_start3A_1476, %dma_start3A_1490, %dma_start3A_1491] : memref<4x128x128xf32, #tpu.memory_space<vmem>> -> memref<1x128x128xf32, #tpu.memory_space<vmem>>
    %dma_start3A_1493 = tpu.memref_squeeze %dma_start3A_1492 : memref<1x128x128xf32, #tpu.memory_space<vmem>> -> memref<128x128xf32, #tpu.memory_space<vmem>>
    tpu.enqueue_dma source(%dma_start3A_1493 : memref<128x128xf32, #tpu.memory_space<vmem>>) target(%dma_start3A_1489 : memref<128x128xf32, #tpu.memory_space<hbm>>) target_semaphore(%arg10 : memref<!tpu.dma_semaphore, #tpu.memory_space<semaphore_mem>>)
    %dma_wait3A_1494 = arith.constant 3 : i32
    %dma_wait3A_1495 = arith.constant 3 : i32
    %dma_wait3A_1496 = arith.constant 3 : i32
    %dma_wait3A_1497 = arith.constant 0 : i32
    %dma_wait3A_1498 = arith.constant 0 : i32
    %dma_wait3A_1499 = tpu.memref_slice %arg8[%dma_wait3A_1495, %dma_wait3A_1497, %dma_wait3A_1498] : memref<4x128x128xf32, #tpu.memory_space<vmem>> -> memref<1x128x128xf32, #tpu.memory_space<vmem>>
    %dma_wait3A_1500 = tpu.memref_squeeze %dma_wait3A_1499 : memref<1x128x128xf32, #tpu.memory_space<vmem>> -> memref<128x128xf32, #tpu.memory_space<vmem>>
    %dma_wait3A_1501 = arith.constant 0 : i32
    %dma_wait3A_1502 = tpu.memref_slice %arg7[%dma_wait3A_1494, %dma_wait3A_1501] : memref<4x128xi32, #tpu.memory_space<vmem>> -> memref<1x128xi32, #tpu.memory_space<vmem>>
    %dma_wait3A_1503 = tpu.memref_squeeze %dma_wait3A_1502 : memref<1x128xi32, #tpu.memory_space<vmem>> -> memref<128xi32, #tpu.memory_space<vmem>>
    %dma_wait3A_1504 = arith.constant 0 : i32
    %dma_wait3A_1505 = arith.constant 0 : i32
    %dma_wait3A_1506 = tpu.memref_slice %arg3[%dma_wait3A_1504, %dma_wait3A_1505] : memref<100000x128xf32, #tpu.memory_space<hbm>> -> memref<100000x128xf32, #tpu.memory_space<hbm>>
    %dma_wait3A_1507 = tpu.memref_slice %arg9[%dma_wait3A_1496] : memref<4x!tpu.dma_semaphore, #tpu.memory_space<semaphore_mem>> -> memref<1x!tpu.dma_semaphore, #tpu.memory_space<semaphore_mem>>
    %dma_wait3A_1508 = tpu.memref_squeeze %dma_wait3A_1507 : memref<1x!tpu.dma_semaphore, #tpu.memory_space<semaphore_mem>> -> memref<!tpu.dma_semaphore, #tpu.memory_space<semaphore_mem>>
    tpu.wait_indirect_dma semaphore(%dma_wait3A_1508 : memref<!tpu.dma_semaphore, #tpu.memory_space<semaphore_mem>>) src(%dma_wait3A_1506 : memref<100000x128xf32, #tpu.memory_space<hbm>>) dst(%dma_wait3A_1500 : memref<128x128xf32, #tpu.memory_space<vmem>>)
    %dma_start3A_1509 = arith.constant 3 : i32
    %dma_start3A_1510 = arith.constant 3 : i32
    %dma_start3A_1511 = arith.constant 0 : i32
    %dma_start3A_1512 = arith.constant 0 : i32
    %dma_start3A_1513 = tpu.memref_slice %arg8[%dma_start3A_1509, %dma_start3A_1511, %dma_start3A_1512] : memref<4x128x128xf32, #tpu.memory_space<vmem>> -> memref<1x128x128xf32, #tpu.memory_space<vmem>>
    %dma_start3A_1514 = tpu.memref_squeeze %dma_start3A_1513 : memref<1x128x128xf32, #tpu.memory_space<vmem>> -> memref<128x128xf32, #tpu.memory_space<vmem>>
    %dma_start3A_1515 = arith.constant 0 : i32
    %dma_start3A_1516 = arith.constant 0 : i32
    %dma_start3A_1517 = tpu.memref_slice %arg5[%add3A, %dma_start3A_1510, %dma_start3A_1515, %dma_start3A_1516] : memref<32x4x128x128xf32, #tpu.memory_space<hbm>> -> memref<1x1x128x128xf32, #tpu.memory_space<hbm>>
    %dma_start3A_1518 = tpu.memref_squeeze %dma_start3A_1517 : memref<1x1x128x128xf32, #tpu.memory_space<hbm>> -> memref<128x128xf32, #tpu.memory_space<hbm>>
    %dma_start3A_1519 = arith.constant 0 : i32
    %dma_start3A_1520 = arith.constant 0 : i32
    %dma_start3A_1521 = tpu.memref_slice %arg5[%add3A, %dma_start3A_1510, %dma_start3A_1519, %dma_start3A_1520] : memref<32x4x128x128xf32, #tpu.memory_space<hbm>> -> memref<1x1x128x128xf32, #tpu.memory_space<hbm>>
    %dma_start3A_1522 = tpu.memref_squeeze %dma_start3A_1521 : memref<1x1x128x128xf32, #tpu.memory_space<hbm>> -> memref<128x128xf32, #tpu.memory_space<hbm>>
    %dma_start3A_1523 = arith.constant 0 : i32
    %dma_start3A_1524 = arith.constant 0 : i32
    %dma_start3A_1525 = tpu.memref_slice %arg8[%dma_start3A_1509, %dma_start3A_1523, %dma_start3A_1524] : memref<4x128x128xf32, #tpu.memory_space<vmem>> -> memref<1x128x128xf32, #tpu.memory_space<vmem>>
    %dma_start3A_1526 = tpu.memref_squeeze %dma_start3A_1525 : memref<1x128x128xf32, #tpu.memory_space<vmem>> -> memref<128x128xf32, #tpu.memory_space<vmem>>
    tpu.enqueue_dma source(%dma_start3A_1526 : memref<128x128xf32, #tpu.memory_space<vmem>>) target(%dma_start3A_1522 : memref<128x128xf32, #tpu.memory_space<hbm>>) target_semaphore(%arg10 : memref<!tpu.dma_semaphore, #tpu.memory_space<semaphore_mem>>)
    %dma_wait3A_1527 = arith.constant 0 : i32
    %dma_wait3A_1528 = arith.constant 0 : i32
    %dma_wait3A_1529 = arith.constant 0 : i32
    %dma_wait3A_1530 = arith.constant 0 : i32
    %dma_wait3A_1531 = tpu.memref_slice %arg8[%dma_wait3A_1527, %dma_wait3A_1529, %dma_wait3A_1530] : memref<4x128x128xf32, #tpu.memory_space<vmem>> -> memref<1x128x128xf32, #tpu.memory_space<vmem>>
    %dma_wait3A_1532 = tpu.memref_squeeze %dma_wait3A_1531 : memref<1x128x128xf32, #tpu.memory_space<vmem>> -> memref<128x128xf32, #tpu.memory_space<vmem>>
    %dma_wait3A_1533 = arith.constant 0 : i32
    %dma_wait3A_1534 = arith.constant 0 : i32
    %dma_wait3A_1535 = tpu.memref_slice %arg5[%add3A, %dma_wait3A_1528, %dma_wait3A_1533, %dma_wait3A_1534] : memref<32x4x128x128xf32, #tpu.memory_space<hbm>> -> memref<1x1x128x128xf32, #tpu.memory_space<hbm>>
    %dma_wait3A_1536 = tpu.memref_squeeze %dma_wait3A_1535 : memref<1x1x128x128xf32, #tpu.memory_space<hbm>> -> memref<128x128xf32, #tpu.memory_space<hbm>>
    %dma_wait3A_1537 = arith.constant 0 : i32
    %dma_wait3A_1538 = arith.constant 0 : i32
    %dma_wait3A_1539 = tpu.memref_slice %arg5[%add3A, %dma_wait3A_1528, %dma_wait3A_1537, %dma_wait3A_1538] : memref<32x4x128x128xf32, #tpu.memory_space<hbm>> -> memref<1x1x128x128xf32, #tpu.memory_space<hbm>>
    %dma_wait3A_1540 = tpu.memref_squeeze %dma_wait3A_1539 : memref<1x1x128x128xf32, #tpu.memory_space<hbm>> -> memref<128x128xf32, #tpu.memory_space<hbm>>
    %dma_wait3A_1541 = arith.constant 0 : i32
    %dma_wait3A_1542 = arith.constant 0 : i32
    %dma_wait3A_1543 = tpu.memref_slice %arg8[%dma_wait3A_1527, %dma_wait3A_1541, %dma_wait3A_1542] : memref<4x128x128xf32, #tpu.memory_space<vmem>> -> memref<1x128x128xf32, #tpu.memory_space<vmem>>
    %dma_wait3A_1544 = tpu.memref_squeeze %dma_wait3A_1543 : memref<1x128x128xf32, #tpu.memory_space<vmem>> -> memref<128x128xf32, #tpu.memory_space<vmem>>
    tpu.wait_dma2 semaphore(%arg10 : memref<!tpu.dma_semaphore, #tpu.memory_space<semaphore_mem>>) src(%dma_wait3A_1544 : memref<128x128xf32, #tpu.memory_space<vmem>>) dst(%dma_wait3A_1540 : memref<128x128xf32, #tpu.memory_space<hbm>>)
    %dma_wait3A_1545 = arith.constant 1 : i32
    %dma_wait3A_1546 = arith.constant 1 : i32
    %dma_wait3A_1547 = arith.constant 0 : i32
    %dma_wait3A_1548 = arith.constant 0 : i32
    %dma_wait3A_1549 = tpu.memref_slice %arg8[%dma_wait3A_1545, %dma_wait3A_1547, %dma_wait3A_1548] : memref<4x128x128xf32, #tpu.memory_space<vmem>> -> memref<1x128x128xf32, #tpu.memory_space<vmem>>
    %dma_wait3A_1550 = tpu.memref_squeeze %dma_wait3A_1549 : memref<1x128x128xf32, #tpu.memory_space<vmem>> -> memref<128x128xf32, #tpu.memory_space<vmem>>
    %dma_wait3A_1551 = arith.constant 0 : i32
    %dma_wait3A_1552 = arith.constant 0 : i32
    %dma_wait3A_1553 = tpu.memref_slice %arg5[%add3A, %dma_wait3A_1546, %dma_wait3A_1551, %dma_wait3A_1552] : memref<32x4x128x128xf32, #tpu.memory_space<hbm>> -> memref<1x1x128x128xf32, #tpu.memory_space<hbm>>
    %dma_wait3A_1554 = tpu.memref_squeeze %dma_wait3A_1553 : memref<1x1x128x128xf32, #tpu.memory_space<hbm>> -> memref<128x128xf32, #tpu.memory_space<hbm>>
    %dma_wait3A_1555 = arith.constant 0 : i32
    %dma_wait3A_1556 = arith.constant 0 : i32
    %dma_wait3A_1557 = tpu.memref_slice %arg5[%add3A, %dma_wait3A_1546, %dma_wait3A_1555, %dma_wait3A_1556] : memref<32x4x128x128xf32, #tpu.memory_space<hbm>> -> memref<1x1x128x128xf32, #tpu.memory_space<hbm>>
    %dma_wait3A_1558 = tpu.memref_squeeze %dma_wait3A_1557 : memref<1x1x128x128xf32, #tpu.memory_space<hbm>> -> memref<128x128xf32, #tpu.memory_space<hbm>>
    %dma_wait3A_1559 = arith.constant 0 : i32
    %dma_wait3A_1560 = arith.constant 0 : i32
    %dma_wait3A_1561 = tpu.memref_slice %arg8[%dma_wait3A_1545, %dma_wait3A_1559, %dma_wait3A_1560] : memref<4x128x128xf32, #tpu.memory_space<vmem>> -> memref<1x128x128xf32, #tpu.memory_space<vmem>>
    %dma_wait3A_1562 = tpu.memref_squeeze %dma_wait3A_1561 : memref<1x128x128xf32, #tpu.memory_space<vmem>> -> memref<128x128xf32, #tpu.memory_space<vmem>>
    tpu.wait_dma2 semaphore(%arg10 : memref<!tpu.dma_semaphore, #tpu.memory_space<semaphore_mem>>) src(%dma_wait3A_1562 : memref<128x128xf32, #tpu.memory_space<vmem>>) dst(%dma_wait3A_1558 : memref<128x128xf32, #tpu.memory_space<hbm>>)
    %dma_wait3A_1563 = arith.constant 2 : i32
    %dma_wait3A_1564 = arith.constant 2 : i32
    %dma_wait3A_1565 = arith.constant 0 : i32
    %dma_wait3A_1566 = arith.constant 0 : i32
    %dma_wait3A_1567 = tpu.memref_slice %arg8[%dma_wait3A_1563, %dma_wait3A_1565, %dma_wait3A_1566] : memref<4x128x128xf32, #tpu.memory_space<vmem>> -> memref<1x128x128xf32, #tpu.memory_space<vmem>>
    %dma_wait3A_1568 = tpu.memref_squeeze %dma_wait3A_1567 : memref<1x128x128xf32, #tpu.memory_space<vmem>> -> memref<128x128xf32, #tpu.memory_space<vmem>>
    %dma_wait3A_1569 = arith.constant 0 : i32
    %dma_wait3A_1570 = arith.constant 0 : i32
    %dma_wait3A_1571 = tpu.memref_slice %arg5[%add3A, %dma_wait3A_1564, %dma_wait3A_1569, %dma_wait3A_1570] : memref<32x4x128x128xf32, #tpu.memory_space<hbm>> -> memref<1x1x128x128xf32, #tpu.memory_space<hbm>>
    %dma_wait3A_1572 = tpu.memref_squeeze %dma_wait3A_1571 : memref<1x1x128x128xf32, #tpu.memory_space<hbm>> -> memref<128x128xf32, #tpu.memory_space<hbm>>
    %dma_wait3A_1573 = arith.constant 0 : i32
    %dma_wait3A_1574 = arith.constant 0 : i32
    %dma_wait3A_1575 = tpu.memref_slice %arg5[%add3A, %dma_wait3A_1564, %dma_wait3A_1573, %dma_wait3A_1574] : memref<32x4x128x128xf32, #tpu.memory_space<hbm>> -> memref<1x1x128x128xf32, #tpu.memory_space<hbm>>
    %dma_wait3A_1576 = tpu.memref_squeeze %dma_wait3A_1575 : memref<1x1x128x128xf32, #tpu.memory_space<hbm>> -> memref<128x128xf32, #tpu.memory_space<hbm>>
    %dma_wait3A_1577 = arith.constant 0 : i32
    %dma_wait3A_1578 = arith.constant 0 : i32
    %dma_wait3A_1579 = tpu.memref_slice %arg8[%dma_wait3A_1563, %dma_wait3A_1577, %dma_wait3A_1578] : memref<4x128x128xf32, #tpu.memory_space<vmem>> -> memref<1x128x128xf32, #tpu.memory_space<vmem>>
    %dma_wait3A_1580 = tpu.memref_squeeze %dma_wait3A_1579 : memref<1x128x128xf32, #tpu.memory_space<vmem>> -> memref<128x128xf32, #tpu.memory_space<vmem>>
    tpu.wait_dma2 semaphore(%arg10 : memref<!tpu.dma_semaphore, #tpu.memory_space<semaphore_mem>>) src(%dma_wait3A_1580 : memref<128x128xf32, #tpu.memory_space<vmem>>) dst(%dma_wait3A_1576 : memref<128x128xf32, #tpu.memory_space<hbm>>)
    %dma_wait3A_1581 = arith.constant 3 : i32
    %dma_wait3A_1582 = arith.constant 3 : i32
    %dma_wait3A_1583 = arith.constant 0 : i32
    %dma_wait3A_1584 = arith.constant 0 : i32
    %dma_wait3A_1585 = tpu.memref_slice %arg8[%dma_wait3A_1581, %dma_wait3A_1583, %dma_wait3A_1584] : memref<4x128x128xf32, #tpu.memory_space<vmem>> -> memref<1x128x128xf32, #tpu.memory_space<vmem>>
    %dma_wait3A_1586 = tpu.memref_squeeze %dma_wait3A_1585 : memref<1x128x128xf32, #tpu.memory_space<vmem>> -> memref<128x128xf32, #tpu.memory_space<vmem>>
    %dma_wait3A_1587 = arith.constant 0 : i32
    %dma_wait3A_1588 = arith.constant 0 : i32
    %dma_wait3A_1589 = tpu.memref_slice %arg5[%add3A, %dma_wait3A_1582, %dma_wait3A_1587, %dma_wait3A_1588] : memref<32x4x128x128xf32, #tpu.memory_space<hbm>> -> memref<1x1x128x128xf32, #tpu.memory_space<hbm>>
    %dma_wait3A_1590 = tpu.memref_squeeze %dma_wait3A_1589 : memref<1x1x128x128xf32, #tpu.memory_space<hbm>> -> memref<128x128xf32, #tpu.memory_space<hbm>>
    %dma_wait3A_1591 = arith.constant 0 : i32
    %dma_wait3A_1592 = arith.constant 0 : i32
    %dma_wait3A_1593 = tpu.memref_slice %arg5[%add3A, %dma_wait3A_1582, %dma_wait3A_1591, %dma_wait3A_1592] : memref<32x4x128x128xf32, #tpu.memory_space<hbm>> -> memref<1x1x128x128xf32, #tpu.memory_space<hbm>>
    %dma_wait3A_1594 = tpu.memref_squeeze %dma_wait3A_1593 : memref<1x1x128x128xf32, #tpu.memory_space<hbm>> -> memref<128x128xf32, #tpu.memory_space<hbm>>
    %dma_wait3A_1595 = arith.constant 0 : i32
    %dma_wait3A_1596 = arith.constant 0 : i32
    %dma_wait3A_1597 = tpu.memref_slice %arg8[%dma_wait3A_1581, %dma_wait3A_1595, %dma_wait3A_1596] : memref<4x128x128xf32, #tpu.memory_space<vmem>> -> memref<1x128x128xf32, #tpu.memory_space<vmem>>
    %dma_wait3A_1598 = tpu.memref_squeeze %dma_wait3A_1597 : memref<1x128x128xf32, #tpu.memory_space<vmem>> -> memref<128x128xf32, #tpu.memory_space<vmem>>
    tpu.wait_dma2 semaphore(%arg10 : memref<!tpu.dma_semaphore, #tpu.memory_space<semaphore_mem>>) src(%dma_wait3A_1598 : memref<128x128xf32, #tpu.memory_space<vmem>>) dst(%dma_wait3A_1594 : memref<128x128xf32, #tpu.memory_space<hbm>>)
    return
  }
}

module attributes {stable_mosaic.version = 14 : i64} {
  func.func @body(%arg0: i32, %arg1: memref<1xf32, #tpu.memory_space<smem>>, %arg2: memref<1024x128xf32, #tpu.memory_space<vmem>>, %arg3: memref<2048x128xf32, #tpu.memory_space<vmem>>, %arg4: memref<16384x2048xf32, #tpu.memory_space<any>>, %arg5: memref<4x1024x2048xf32, #tpu.memory_space<vmem>>, %arg6: memref<4x4x!tpu.dma_semaphore, #tpu.memory_space<semaphore_mem>>) attributes {dimension_semantics = [#tpu.dimension_semantics<arbitrary>], iteration_bounds = array<i64: 16>, scalar_prefetch = 0 : i64, scratch_operands = 2 : i64, tpu.core_type = #tpu.core_type<tc>, window_params = [{transform_indices = @transform_0, window_bounds = array<i64: 1>}, {transform_indices = @transform_1, window_bounds = array<i64: 1024, 128>}, {pipeline_mode = #tpu.pipeline_mode<synchronous>, transform_indices = @transform_2, window_bounds = array<i64: 2048, 128>}, {}]} {
    %rem3A = arith.constant 4 : i32
    %rem3A_0 = arith.remsi %arg0, %rem3A : i32
    %ge3A = arith.constant 4 : i32
    %ge3A_1 = arith.cmpi sge, %arg0, %ge3A : i32
    %convert_element_type3A = arith.extui %ge3A_1 : i1 to i32
    %cond3A = arith.constant 0 : i32
    %cond3A_2 = arith.cmpi ne, %convert_element_type3A, %cond3A : i32
    scf.if %cond3A_2 {
      %sub3A = arith.constant 4 : i32
      %sub3A_79 = arith.subi %arg0, %sub3A : i32
      %mul3A_80 = arith.constant 1024 : i32
      %mul3A_81 = arith.muli %sub3A_79, %mul3A_80 : i32
      %add3A_82 = arith.constant 0 : i32
      %add3A_83 = arith.addi %add3A_82, %mul3A_81 : i32
      %add3A_84 = arith.constant 0 : i32
      %add3A_85 = arith.addi %add3A_83, %add3A_84 : i32
      %mul3A_86 = arith.constant 1024 : i32
      %mul3A_87 = arith.muli %sub3A_79, %mul3A_86 : i32
      %add3A_88 = arith.constant 0 : i32
      %add3A_89 = arith.addi %add3A_88, %mul3A_87 : i32
      %add3A_90 = arith.constant 256 : i32
      %add3A_91 = arith.addi %add3A_89, %add3A_90 : i32
      %mul3A_92 = arith.constant 1024 : i32
      %mul3A_93 = arith.muli %sub3A_79, %mul3A_92 : i32
      %add3A_94 = arith.constant 0 : i32
      %add3A_95 = arith.addi %add3A_94, %mul3A_93 : i32
      %add3A_96 = arith.constant 512 : i32
      %add3A_97 = arith.addi %add3A_95, %add3A_96 : i32
      %mul3A_98 = arith.constant 1024 : i32
      %mul3A_99 = arith.muli %sub3A_79, %mul3A_98 : i32
      %add3A_100 = arith.constant 0 : i32
      %add3A_101 = arith.addi %add3A_100, %mul3A_99 : i32
      %add3A_102 = arith.constant 768 : i32
      %add3A_103 = arith.addi %add3A_101, %add3A_102 : i32
      %dma_wait3A = arith.constant 0 : i32
      %dma_wait3A_104 = tpu.memref_slice %arg6[%rem3A_0, %dma_wait3A] : memref<4x4x!tpu.dma_semaphore, #tpu.memory_space<semaphore_mem>> -> memref<1x1x!tpu.dma_semaphore, #tpu.memory_space<semaphore_mem>>
      %dma_wait3A_105 = tpu.memref_squeeze %dma_wait3A_104 : memref<1x1x!tpu.dma_semaphore, #tpu.memory_space<semaphore_mem>> -> memref<!tpu.dma_semaphore, #tpu.memory_space<semaphore_mem>>
      %dma_wait3A_106 = arith.constant 0 : i32
      %dma_wait3A_107 = tpu.memref_slice %arg4[%add3A_85, %dma_wait3A_106] : memref<16384x2048xf32, #tpu.memory_space<any>> -> memref<256x2048xf32, #tpu.memory_space<any>>
      %dma_wait3A_108 = arith.constant 0 : i32
      %dma_wait3A_109 = arith.constant 0 : i32
      %dma_wait3A_110 = tpu.memref_slice %arg5[%rem3A_0, %dma_wait3A_108, %dma_wait3A_109] : memref<4x1024x2048xf32, #tpu.memory_space<vmem>> -> memref<1x256x2048xf32, #tpu.memory_space<vmem>>
      %dma_wait3A_111 = tpu.memref_squeeze %dma_wait3A_110 : memref<1x256x2048xf32, #tpu.memory_space<vmem>> -> memref<256x2048xf32, #tpu.memory_space<vmem>>
      tpu.wait_dma2 semaphore(%dma_wait3A_105 : memref<!tpu.dma_semaphore, #tpu.memory_space<semaphore_mem>>) src(%dma_wait3A_111 : memref<256x2048xf32, #tpu.memory_space<vmem>>) dst(%dma_wait3A_107 : memref<256x2048xf32, #tpu.memory_space<any>>)
      %dma_wait3A_112 = arith.constant 1 : i32
      %dma_wait3A_113 = tpu.memref_slice %arg6[%rem3A_0, %dma_wait3A_112] : memref<4x4x!tpu.dma_semaphore, #tpu.memory_space<semaphore_mem>> -> memref<1x1x!tpu.dma_semaphore, #tpu.memory_space<semaphore_mem>>
      %dma_wait3A_114 = tpu.memref_squeeze %dma_wait3A_113 : memref<1x1x!tpu.dma_semaphore, #tpu.memory_space<semaphore_mem>> -> memref<!tpu.dma_semaphore, #tpu.memory_space<semaphore_mem>>
      %dma_wait3A_115 = arith.constant 0 : i32
      %dma_wait3A_116 = tpu.memref_slice %arg4[%add3A_91, %dma_wait3A_115] : memref<16384x2048xf32, #tpu.memory_space<any>> -> memref<256x2048xf32, #tpu.memory_space<any>>
      %dma_wait3A_117 = arith.constant 256 : i32
      %dma_wait3A_118 = arith.constant 0 : i32
      %dma_wait3A_119 = tpu.memref_slice %arg5[%rem3A_0, %dma_wait3A_117, %dma_wait3A_118] : memref<4x1024x2048xf32, #tpu.memory_space<vmem>> -> memref<1x256x2048xf32, #tpu.memory_space<vmem>>
      %dma_wait3A_120 = tpu.memref_squeeze %dma_wait3A_119 : memref<1x256x2048xf32, #tpu.memory_space<vmem>> -> memref<256x2048xf32, #tpu.memory_space<vmem>>
      tpu.wait_dma2 semaphore(%dma_wait3A_114 : memref<!tpu.dma_semaphore, #tpu.memory_space<semaphore_mem>>) src(%dma_wait3A_120 : memref<256x2048xf32, #tpu.memory_space<vmem>>) dst(%dma_wait3A_116 : memref<256x2048xf32, #tpu.memory_space<any>>)
      %dma_wait3A_121 = arith.constant 2 : i32
      %dma_wait3A_122 = tpu.memref_slice %arg6[%rem3A_0, %dma_wait3A_121] : memref<4x4x!tpu.dma_semaphore, #tpu.memory_space<semaphore_mem>> -> memref<1x1x!tpu.dma_semaphore, #tpu.memory_space<semaphore_mem>>
      %dma_wait3A_123 = tpu.memref_squeeze %dma_wait3A_122 : memref<1x1x!tpu.dma_semaphore, #tpu.memory_space<semaphore_mem>> -> memref<!tpu.dma_semaphore, #tpu.memory_space<semaphore_mem>>
      %dma_wait3A_124 = arith.constant 0 : i32
      %dma_wait3A_125 = tpu.memref_slice %arg4[%add3A_97, %dma_wait3A_124] : memref<16384x2048xf32, #tpu.memory_space<any>> -> memref<256x2048xf32, #tpu.memory_space<any>>
      %dma_wait3A_126 = arith.constant 512 : i32
      %dma_wait3A_127 = arith.constant 0 : i32
      %dma_wait3A_128 = tpu.memref_slice %arg5[%rem3A_0, %dma_wait3A_126, %dma_wait3A_127] : memref<4x1024x2048xf32, #tpu.memory_space<vmem>> -> memref<1x256x2048xf32, #tpu.memory_space<vmem>>
      %dma_wait3A_129 = tpu.memref_squeeze %dma_wait3A_128 : memref<1x256x2048xf32, #tpu.memory_space<vmem>> -> memref<256x2048xf32, #tpu.memory_space<vmem>>
      tpu.wait_dma2 semaphore(%dma_wait3A_123 : memref<!tpu.dma_semaphore, #tpu.memory_space<semaphore_mem>>) src(%dma_wait3A_129 : memref<256x2048xf32, #tpu.memory_space<vmem>>) dst(%dma_wait3A_125 : memref<256x2048xf32, #tpu.memory_space<any>>)
      %dma_wait3A_130 = arith.constant 3 : i32
      %dma_wait3A_131 = tpu.memref_slice %arg6[%rem3A_0, %dma_wait3A_130] : memref<4x4x!tpu.dma_semaphore, #tpu.memory_space<semaphore_mem>> -> memref<1x1x!tpu.dma_semaphore, #tpu.memory_space<semaphore_mem>>
      %dma_wait3A_132 = tpu.memref_squeeze %dma_wait3A_131 : memref<1x1x!tpu.dma_semaphore, #tpu.memory_space<semaphore_mem>> -> memref<!tpu.dma_semaphore, #tpu.memory_space<semaphore_mem>>
      %dma_wait3A_133 = arith.constant 0 : i32
      %dma_wait3A_134 = tpu.memref_slice %arg4[%add3A_103, %dma_wait3A_133] : memref<16384x2048xf32, #tpu.memory_space<any>> -> memref<256x2048xf32, #tpu.memory_space<any>>
      %dma_wait3A_135 = arith.constant 768 : i32
      %dma_wait3A_136 = arith.constant 0 : i32
      %dma_wait3A_137 = tpu.memref_slice %arg5[%rem3A_0, %dma_wait3A_135, %dma_wait3A_136] : memref<4x1024x2048xf32, #tpu.memory_space<vmem>> -> memref<1x256x2048xf32, #tpu.memory_space<vmem>>
      %dma_wait3A_138 = tpu.memref_squeeze %dma_wait3A_137 : memref<1x256x2048xf32, #tpu.memory_space<vmem>> -> memref<256x2048xf32, #tpu.memory_space<vmem>>
      tpu.wait_dma2 semaphore(%dma_wait3A_132 : memref<!tpu.dma_semaphore, #tpu.memory_space<semaphore_mem>>) src(%dma_wait3A_138 : memref<256x2048xf32, #tpu.memory_space<vmem>>) dst(%dma_wait3A_134 : memref<256x2048xf32, #tpu.memory_space<any>>)
    } else {
    }
    %get3A = arith.constant 0 : index
    %get3A_3 = arith.constant 0 : index
    %get3A_4 = vector.load %arg2[%get3A, %get3A_3] : memref<1024x128xf32, #tpu.memory_space<vmem>>, vector<1024x128xf32>
    %get3A_5 = arith.constant 0 : index
    %get3A_6 = arith.constant 0 : index
    %get3A_7 = vector.load %arg3[%get3A_5, %get3A_6] : memref<2048x128xf32, #tpu.memory_space<vmem>>, vector<2048x128xf32>
    %dot_general3A = arith.constant dense<0.000000e+00> : vector<1024x2048xf32>
    %dot_general3A_8 = tpu.matmul %get3A_4, %get3A_7, %dot_general3A {dimension_numbers = #tpu.dot_dimension_numbers<[1], [1], [0], [0], [0, 0, 1, 0], [], []>, transpose_lhs_hint = false} : vector<1024x128xf32>, vector<2048x128xf32>, vector<1024x2048xf32> -> vector<1024x2048xf32>
    %get3A_9 = arith.constant 0 : index
    %get3A_10 = memref.load %arg1[%get3A_9] : memref<1xf32, #tpu.memory_space<smem>>
    %mul3A = vector.broadcast %get3A_10 : f32 to vector<1024x2048xf32>
    %mul3A_11 = arith.mulf %dot_general3A_8, %mul3A : vector<1024x2048xf32>
    %swap3A = arith.index_cast %rem3A_0 : i32 to index
    %swap3A_12 = arith.constant 0 : index
    %swap3A_13 = arith.constant 0 : index
    %swap3A_14 = vector.load %arg5[%swap3A, %swap3A_12, %swap3A_13] : memref<4x1024x2048xf32, #tpu.memory_space<vmem>>, vector<1x1024x2048xf32>
    %swap3A_15 = vector.shape_cast %swap3A_14 : vector<1x1024x2048xf32> to vector<1024x2048xf32>
    %swap3A_16 = vector.shape_cast %mul3A_11 : vector<1024x2048xf32> to vector<1x1024x2048xf32>
    tpu.vector_store %arg5[%swap3A, %swap3A_12, %swap3A_13], %swap3A_16 {strides = array<i32>} : memref<4x1024x2048xf32, #tpu.memory_space<vmem>>, vector<1x1024x2048xf32>,
    %mul3A_17 = arith.constant 1024 : i32
    %mul3A_18 = arith.muli %arg0, %mul3A_17 : i32
    %add3A = arith.constant 0 : i32
    %add3A_19 = arith.addi %add3A, %mul3A_18 : i32
    %add3A_20 = arith.constant 0 : i32
    %add3A_21 = arith.addi %add3A_19, %add3A_20 : i32
    %mul3A_22 = arith.constant 1024 : i32
    %mul3A_23 = arith.muli %arg0, %mul3A_22 : i32
    %add3A_24 = arith.constant 0 : i32
    %add3A_25 = arith.addi %add3A_24, %mul3A_23 : i32
    %add3A_26 = arith.constant 256 : i32
    %add3A_27 = arith.addi %add3A_25, %add3A_26 : i32
    %mul3A_28 = arith.constant 1024 : i32
    %mul3A_29 = arith.muli %arg0, %mul3A_28 : i32
    %add3A_30 = arith.constant 0 : i32
    %add3A_31 = arith.addi %add3A_30, %mul3A_29 : i32
    %add3A_32 = arith.constant 512 : i32
    %add3A_33 = arith.addi %add3A_31, %add3A_32 : i32
    %mul3A_34 = arith.constant 1024 : i32
    %mul3A_35 = arith.muli %arg0, %mul3A_34 : i32
    %add3A_36 = arith.constant 0 : i32
    %add3A_37 = arith.addi %add3A_36, %mul3A_35 : i32
    %add3A_38 = arith.constant 768 : i32
    %add3A_39 = arith.addi %add3A_37, %add3A_38 : i32
    %dma_start3A = arith.constant 0 : i32
    %dma_start3A_40 = tpu.memref_slice %arg6[%rem3A_0, %dma_start3A] : memref<4x4x!tpu.dma_semaphore, #tpu.memory_space<semaphore_mem>> -> memref<1x1x!tpu.dma_semaphore, #tpu.memory_space<semaphore_mem>>
    %dma_start3A_41 = tpu.memref_squeeze %dma_start3A_40 : memref<1x1x!tpu.dma_semaphore, #tpu.memory_space<semaphore_mem>> -> memref<!tpu.dma_semaphore, #tpu.memory_space<semaphore_mem>>
    %dma_start3A_42 = arith.constant 0 : i32
    %dma_start3A_43 = tpu.memref_slice %arg4[%add3A_21, %dma_start3A_42] : memref<16384x2048xf32, #tpu.memory_space<any>> -> memref<256x2048xf32, #tpu.memory_space<any>>
    %dma_start3A_44 = arith.constant 0 : i32
    %dma_start3A_45 = arith.constant 0 : i32
    %dma_start3A_46 = tpu.memref_slice %arg5[%rem3A_0, %dma_start3A_44, %dma_start3A_45] : memref<4x1024x2048xf32, #tpu.memory_space<vmem>> -> memref<1x256x2048xf32, #tpu.memory_space<vmem>>
    %dma_start3A_47 = tpu.memref_squeeze %dma_start3A_46 : memref<1x256x2048xf32, #tpu.memory_space<vmem>> -> memref<256x2048xf32, #tpu.memory_space<vmem>>
    tpu.enqueue_dma source(%dma_start3A_47 : memref<256x2048xf32, #tpu.memory_space<vmem>>) target(%dma_start3A_43 : memref<256x2048xf32, #tpu.memory_space<any>>) target_semaphore(%dma_start3A_41 : memref<!tpu.dma_semaphore, #tpu.memory_space<semaphore_mem>>)
    %dma_start3A_48 = arith.constant 1 : i32
    %dma_start3A_49 = tpu.memref_slice %arg6[%rem3A_0, %dma_start3A_48] : memref<4x4x!tpu.dma_semaphore, #tpu.memory_space<semaphore_mem>> -> memref<1x1x!tpu.dma_semaphore, #tpu.memory_space<semaphore_mem>>
    %dma_start3A_50 = tpu.memref_squeeze %dma_start3A_49 : memref<1x1x!tpu.dma_semaphore, #tpu.memory_space<semaphore_mem>> -> memref<!tpu.dma_semaphore, #tpu.memory_space<semaphore_mem>>
    %dma_start3A_51 = arith.constant 0 : i32
    %dma_start3A_52 = tpu.memref_slice %arg4[%add3A_27, %dma_start3A_51] : memref<16384x2048xf32, #tpu.memory_space<any>> -> memref<256x2048xf32, #tpu.memory_space<any>>
    %dma_start3A_53 = arith.constant 256 : i32
    %dma_start3A_54 = arith.constant 0 : i32
    %dma_start3A_55 = tpu.memref_slice %arg5[%rem3A_0, %dma_start3A_53, %dma_start3A_54] : memref<4x1024x2048xf32, #tpu.memory_space<vmem>> -> memref<1x256x2048xf32, #tpu.memory_space<vmem>>
    %dma_start3A_56 = tpu.memref_squeeze %dma_start3A_55 : memref<1x256x2048xf32, #tpu.memory_space<vmem>> -> memref<256x2048xf32, #tpu.memory_space<vmem>>
    tpu.enqueue_dma source(%dma_start3A_56 : memref<256x2048xf32, #tpu.memory_space<vmem>>) target(%dma_start3A_52 : memref<256x2048xf32, #tpu.memory_space<any>>) target_semaphore(%dma_start3A_50 : memref<!tpu.dma_semaphore, #tpu.memory_space<semaphore_mem>>)
    %dma_start3A_57 = arith.constant 2 : i32
    %dma_start3A_58 = tpu.memref_slice %arg6[%rem3A_0, %dma_start3A_57] : memref<4x4x!tpu.dma_semaphore, #tpu.memory_space<semaphore_mem>> -> memref<1x1x!tpu.dma_semaphore, #tpu.memory_space<semaphore_mem>>
    %dma_start3A_59 = tpu.memref_squeeze %dma_start3A_58 : memref<1x1x!tpu.dma_semaphore, #tpu.memory_space<semaphore_mem>> -> memref<!tpu.dma_semaphore, #tpu.memory_space<semaphore_mem>>
    %dma_start3A_60 = arith.constant 0 : i32
    %dma_start3A_61 = tpu.memref_slice %arg4[%add3A_33, %dma_start3A_60] : memref<16384x2048xf32, #tpu.memory_space<any>> -> memref<256x2048xf32, #tpu.memory_space<any>>
    %dma_start3A_62 = arith.constant 512 : i32
    %dma_start3A_63 = arith.constant 0 : i32
    %dma_start3A_64 = tpu.memref_slice %arg5[%rem3A_0, %dma_start3A_62, %dma_start3A_63] : memref<4x1024x2048xf32, #tpu.memory_space<vmem>> -> memref<1x256x2048xf32, #tpu.memory_space<vmem>>
    %dma_start3A_65 = tpu.memref_squeeze %dma_start3A_64 : memref<1x256x2048xf32, #tpu.memory_space<vmem>> -> memref<256x2048xf32, #tpu.memory_space<vmem>>
    tpu.enqueue_dma source(%dma_start3A_65 : memref<256x2048xf32, #tpu.memory_space<vmem>>) target(%dma_start3A_61 : memref<256x2048xf32, #tpu.memory_space<any>>) target_semaphore(%dma_start3A_59 : memref<!tpu.dma_semaphore, #tpu.memory_space<semaphore_mem>>)
    %dma_start3A_66 = arith.constant 3 : i32
    %dma_start3A_67 = tpu.memref_slice %arg6[%rem3A_0, %dma_start3A_66] : memref<4x4x!tpu.dma_semaphore, #tpu.memory_space<semaphore_mem>> -> memref<1x1x!tpu.dma_semaphore, #tpu.memory_space<semaphore_mem>>
    %dma_start3A_68 = tpu.memref_squeeze %dma_start3A_67 : memref<1x1x!tpu.dma_semaphore, #tpu.memory_space<semaphore_mem>> -> memref<!tpu.dma_semaphore, #tpu.memory_space<semaphore_mem>>
    %dma_start3A_69 = arith.constant 0 : i32
    %dma_start3A_70 = tpu.memref_slice %arg4[%add3A_39, %dma_start3A_69] : memref<16384x2048xf32, #tpu.memory_space<any>> -> memref<256x2048xf32, #tpu.memory_space<any>>
    %dma_start3A_71 = arith.constant 768 : i32
    %dma_start3A_72 = arith.constant 0 : i32
    %dma_start3A_73 = tpu.memref_slice %arg5[%rem3A_0, %dma_start3A_71, %dma_start3A_72] : memref<4x1024x2048xf32, #tpu.memory_space<vmem>> -> memref<1x256x2048xf32, #tpu.memory_space<vmem>>
    %dma_start3A_74 = tpu.memref_squeeze %dma_start3A_73 : memref<1x256x2048xf32, #tpu.memory_space<vmem>> -> memref<256x2048xf32, #tpu.memory_space<vmem>>
    tpu.enqueue_dma source(%dma_start3A_74 : memref<256x2048xf32, #tpu.memory_space<vmem>>) target(%dma_start3A_70 : memref<256x2048xf32, #tpu.memory_space<any>>) target_semaphore(%dma_start3A_68 : memref<!tpu.dma_semaphore, #tpu.memory_space<semaphore_mem>>)
    %eq3A = arith.constant 15 : i32
    %eq3A_75 = arith.cmpi eq, %arg0, %eq3A : i32
    %convert_element_type3A_76 = arith.extui %eq3A_75 : i1 to i32
    %cond3A_77 = arith.constant 0 : i32
    %cond3A_78 = arith.cmpi ne, %convert_element_type3A_76, %cond3A_77 : i32
    scf.if %cond3A_78 {
      %dma_wait3A = arith.constant 0 : i32
      %dma_wait3A_79 = arith.constant 0 : i32
      %dma_wait3A_80 = arith.constant 0 : i32
      %dma_wait3A_81 = tpu.memref_slice %arg6[%dma_wait3A_79, %dma_wait3A_80] : memref<4x4x!tpu.dma_semaphore, #tpu.memory_space<semaphore_mem>> -> memref<1x1x!tpu.dma_semaphore, #tpu.memory_space<semaphore_mem>>
      %dma_wait3A_82 = tpu.memref_squeeze %dma_wait3A_81 : memref<1x1x!tpu.dma_semaphore, #tpu.memory_space<semaphore_mem>> -> memref<!tpu.dma_semaphore, #tpu.memory_space<semaphore_mem>>
      %dma_wait3A_83 = arith.constant 12288 : i32
      %dma_wait3A_84 = arith.constant 0 : i32
      %dma_wait3A_85 = tpu.memref_slice %arg4[%dma_wait3A_83, %dma_wait3A_84] : memref<16384x2048xf32, #tpu.memory_space<any>> -> memref<256x2048xf32, #tpu.memory_space<any>>
      %dma_wait3A_86 = arith.constant 0 : i32
      %dma_wait3A_87 = arith.constant 0 : i32
      %dma_wait3A_88 = tpu.memref_slice %arg5[%dma_wait3A, %dma_wait3A_86, %dma_wait3A_87] : memref<4x1024x2048xf32, #tpu.memory_space<vmem>> -> memref<1x256x2048xf32, #tpu.memory_space<vmem>>
      %dma_wait3A_89 = tpu.memref_squeeze %dma_wait3A_88 : memref<1x256x2048xf32, #tpu.memory_space<vmem>> -> memref<256x2048xf32, #tpu.memory_space<vmem>>
      tpu.wait_dma2 semaphore(%dma_wait3A_82 : memref<!tpu.dma_semaphore, #tpu.memory_space<semaphore_mem>>) src(%dma_wait3A_89 : memref<256x2048xf32, #tpu.memory_space<vmem>>) dst(%dma_wait3A_85 : memref<256x2048xf32, #tpu.memory_space<any>>)
      %dma_wait3A_90 = arith.constant 0 : i32
      %dma_wait3A_91 = arith.constant 0 : i32
      %dma_wait3A_92 = arith.constant 1 : i32
      %dma_wait3A_93 = tpu.memref_slice %arg6[%dma_wait3A_91, %dma_wait3A_92] : memref<4x4x!tpu.dma_semaphore, #tpu.memory_space<semaphore_mem>> -> memref<1x1x!tpu.dma_semaphore, #tpu.memory_space<semaphore_mem>>
      %dma_wait3A_94 = tpu.memref_squeeze %dma_wait3A_93 : memref<1x1x!tpu.dma_semaphore, #tpu.memory_space<semaphore_mem>> -> memref<!tpu.dma_semaphore, #tpu.memory_space<semaphore_mem>>
      %dma_wait3A_95 = arith.constant 12544 : i32
      %dma_wait3A_96 = arith.constant 0 : i32
      %dma_wait3A_97 = tpu.memref_slice %arg4[%dma_wait3A_95, %dma_wait3A_96] : memref<16384x2048xf32, #tpu.memory_space<any>> -> memref<256x2048xf32, #tpu.memory_space<any>>
      %dma_wait3A_98 = arith.constant 256 : i32
      %dma_wait3A_99 = arith.constant 0 : i32
      %dma_wait3A_100 = tpu.memref_slice %arg5[%dma_wait3A_90, %dma_wait3A_98, %dma_wait3A_99] : memref<4x1024x2048xf32, #tpu.memory_space<vmem>> -> memref<1x256x2048xf32, #tpu.memory_space<vmem>>
      %dma_wait3A_101 = tpu.memref_squeeze %dma_wait3A_100 : memref<1x256x2048xf32, #tpu.memory_space<vmem>> -> memref<256x2048xf32, #tpu.memory_space<vmem>>
      tpu.wait_dma2 semaphore(%dma_wait3A_94 : memref<!tpu.dma_semaphore, #tpu.memory_space<semaphore_mem>>) src(%dma_wait3A_101 : memref<256x2048xf32, #tpu.memory_space<vmem>>) dst(%dma_wait3A_97 : memref<256x2048xf32, #tpu.memory_space<any>>)
      %dma_wait3A_102 = arith.constant 0 : i32
      %dma_wait3A_103 = arith.constant 0 : i32
      %dma_wait3A_104 = arith.constant 2 : i32
      %dma_wait3A_105 = tpu.memref_slice %arg6[%dma_wait3A_103, %dma_wait3A_104] : memref<4x4x!tpu.dma_semaphore, #tpu.memory_space<semaphore_mem>> -> memref<1x1x!tpu.dma_semaphore, #tpu.memory_space<semaphore_mem>>
      %dma_wait3A_106 = tpu.memref_squeeze %dma_wait3A_105 : memref<1x1x!tpu.dma_semaphore, #tpu.memory_space<semaphore_mem>> -> memref<!tpu.dma_semaphore, #tpu.memory_space<semaphore_mem>>
      %dma_wait3A_107 = arith.constant 12800 : i32
      %dma_wait3A_108 = arith.constant 0 : i32
      %dma_wait3A_109 = tpu.memref_slice %arg4[%dma_wait3A_107, %dma_wait3A_108] : memref<16384x2048xf32, #tpu.memory_space<any>> -> memref<256x2048xf32, #tpu.memory_space<any>>
      %dma_wait3A_110 = arith.constant 512 : i32
      %dma_wait3A_111 = arith.constant 0 : i32
      %dma_wait3A_112 = tpu.memref_slice %arg5[%dma_wait3A_102, %dma_wait3A_110, %dma_wait3A_111] : memref<4x1024x2048xf32, #tpu.memory_space<vmem>> -> memref<1x256x2048xf32, #tpu.memory_space<vmem>>
      %dma_wait3A_113 = tpu.memref_squeeze %dma_wait3A_112 : memref<1x256x2048xf32, #tpu.memory_space<vmem>> -> memref<256x2048xf32, #tpu.memory_space<vmem>>
      tpu.wait_dma2 semaphore(%dma_wait3A_106 : memref<!tpu.dma_semaphore, #tpu.memory_space<semaphore_mem>>) src(%dma_wait3A_113 : memref<256x2048xf32, #tpu.memory_space<vmem>>) dst(%dma_wait3A_109 : memref<256x2048xf32, #tpu.memory_space<any>>)
      %dma_wait3A_114 = arith.constant 0 : i32
      %dma_wait3A_115 = arith.constant 0 : i32
      %dma_wait3A_116 = arith.constant 3 : i32
      %dma_wait3A_117 = tpu.memref_slice %arg6[%dma_wait3A_115, %dma_wait3A_116] : memref<4x4x!tpu.dma_semaphore, #tpu.memory_space<semaphore_mem>> -> memref<1x1x!tpu.dma_semaphore, #tpu.memory_space<semaphore_mem>>
      %dma_wait3A_118 = tpu.memref_squeeze %dma_wait3A_117 : memref<1x1x!tpu.dma_semaphore, #tpu.memory_space<semaphore_mem>> -> memref<!tpu.dma_semaphore, #tpu.memory_space<semaphore_mem>>
      %dma_wait3A_119 = arith.constant 13056 : i32
      %dma_wait3A_120 = arith.constant 0 : i32
      %dma_wait3A_121 = tpu.memref_slice %arg4[%dma_wait3A_119, %dma_wait3A_120] : memref<16384x2048xf32, #tpu.memory_space<any>> -> memref<256x2048xf32, #tpu.memory_space<any>>
      %dma_wait3A_122 = arith.constant 768 : i32
      %dma_wait3A_123 = arith.constant 0 : i32
      %dma_wait3A_124 = tpu.memref_slice %arg5[%dma_wait3A_114, %dma_wait3A_122, %dma_wait3A_123] : memref<4x1024x2048xf32, #tpu.memory_space<vmem>> -> memref<1x256x2048xf32, #tpu.memory_space<vmem>>
      %dma_wait3A_125 = tpu.memref_squeeze %dma_wait3A_124 : memref<1x256x2048xf32, #tpu.memory_space<vmem>> -> memref<256x2048xf32, #tpu.memory_space<vmem>>
      tpu.wait_dma2 semaphore(%dma_wait3A_118 : memref<!tpu.dma_semaphore, #tpu.memory_space<semaphore_mem>>) src(%dma_wait3A_125 : memref<256x2048xf32, #tpu.memory_space<vmem>>) dst(%dma_wait3A_121 : memref<256x2048xf32, #tpu.memory_space<any>>)
      %dma_wait3A_126 = arith.constant 1 : i32
      %dma_wait3A_127 = arith.constant 1 : i32
      %dma_wait3A_128 = arith.constant 0 : i32
      %dma_wait3A_129 = tpu.memref_slice %arg6[%dma_wait3A_127, %dma_wait3A_128] : memref<4x4x!tpu.dma_semaphore, #tpu.memory_space<semaphore_mem>> -> memref<1x1x!tpu.dma_semaphore, #tpu.memory_space<semaphore_mem>>
      %dma_wait3A_130 = tpu.memref_squeeze %dma_wait3A_129 : memref<1x1x!tpu.dma_semaphore, #tpu.memory_space<semaphore_mem>> -> memref<!tpu.dma_semaphore, #tpu.memory_space<semaphore_mem>>
      %dma_wait3A_131 = arith.constant 13312 : i32
      %dma_wait3A_132 = arith.constant 0 : i32
      %dma_wait3A_133 = tpu.memref_slice %arg4[%dma_wait3A_131, %dma_wait3A_132] : memref<16384x2048xf32, #tpu.memory_space<any>> -> memref<256x2048xf32, #tpu.memory_space<any>>
      %dma_wait3A_134 = arith.constant 0 : i32
      %dma_wait3A_135 = arith.constant 0 : i32
      %dma_wait3A_136 = tpu.memref_slice %arg5[%dma_wait3A_126, %dma_wait3A_134, %dma_wait3A_135] : memref<4x1024x2048xf32, #tpu.memory_space<vmem>> -> memref<1x256x2048xf32, #tpu.memory_space<vmem>>
      %dma_wait3A_137 = tpu.memref_squeeze %dma_wait3A_136 : memref<1x256x2048xf32, #tpu.memory_space<vmem>> -> memref<256x2048xf32, #tpu.memory_space<vmem>>
      tpu.wait_dma2 semaphore(%dma_wait3A_130 : memref<!tpu.dma_semaphore, #tpu.memory_space<semaphore_mem>>) src(%dma_wait3A_137 : memref<256x2048xf32, #tpu.memory_space<vmem>>) dst(%dma_wait3A_133 : memref<256x2048xf32, #tpu.memory_space<any>>)
      %dma_wait3A_138 = arith.constant 1 : i32
      %dma_wait3A_139 = arith.constant 1 : i32
      %dma_wait3A_140 = arith.constant 1 : i32
      %dma_wait3A_141 = tpu.memref_slice %arg6[%dma_wait3A_139, %dma_wait3A_140] : memref<4x4x!tpu.dma_semaphore, #tpu.memory_space<semaphore_mem>> -> memref<1x1x!tpu.dma_semaphore, #tpu.memory_space<semaphore_mem>>
      %dma_wait3A_142 = tpu.memref_squeeze %dma_wait3A_141 : memref<1x1x!tpu.dma_semaphore, #tpu.memory_space<semaphore_mem>> -> memref<!tpu.dma_semaphore, #tpu.memory_space<semaphore_mem>>
      %dma_wait3A_143 = arith.constant 13568 : i32
      %dma_wait3A_144 = arith.constant 0 : i32
      %dma_wait3A_145 = tpu.memref_slice %arg4[%dma_wait3A_143, %dma_wait3A_144] : memref<16384x2048xf32, #tpu.memory_space<any>> -> memref<256x2048xf32, #tpu.memory_space<any>>
      %dma_wait3A_146 = arith.constant 256 : i32
      %dma_wait3A_147 = arith.constant 0 : i32
      %dma_wait3A_148 = tpu.memref_slice %arg5[%dma_wait3A_138, %dma_wait3A_146, %dma_wait3A_147] : memref<4x1024x2048xf32, #tpu.memory_space<vmem>> -> memref<1x256x2048xf32, #tpu.memory_space<vmem>>
      %dma_wait3A_149 = tpu.memref_squeeze %dma_wait3A_148 : memref<1x256x2048xf32, #tpu.memory_space<vmem>> -> memref<256x2048xf32, #tpu.memory_space<vmem>>
      tpu.wait_dma2 semaphore(%dma_wait3A_142 : memref<!tpu.dma_semaphore, #tpu.memory_space<semaphore_mem>>) src(%dma_wait3A_149 : memref<256x2048xf32, #tpu.memory_space<vmem>>) dst(%dma_wait3A_145 : memref<256x2048xf32, #tpu.memory_space<any>>)
      %dma_wait3A_150 = arith.constant 1 : i32
      %dma_wait3A_151 = arith.constant 1 : i32
      %dma_wait3A_152 = arith.constant 2 : i32
      %dma_wait3A_153 = tpu.memref_slice %arg6[%dma_wait3A_151, %dma_wait3A_152] : memref<4x4x!tpu.dma_semaphore, #tpu.memory_space<semaphore_mem>> -> memref<1x1x!tpu.dma_semaphore, #tpu.memory_space<semaphore_mem>>
      %dma_wait3A_154 = tpu.memref_squeeze %dma_wait3A_153 : memref<1x1x!tpu.dma_semaphore, #tpu.memory_space<semaphore_mem>> -> memref<!tpu.dma_semaphore, #tpu.memory_space<semaphore_mem>>
      %dma_wait3A_155 = arith.constant 13824 : i32
      %dma_wait3A_156 = arith.constant 0 : i32
      %dma_wait3A_157 = tpu.memref_slice %arg4[%dma_wait3A_155, %dma_wait3A_156] : memref<16384x2048xf32, #tpu.memory_space<any>> -> memref<256x2048xf32, #tpu.memory_space<any>>
      %dma_wait3A_158 = arith.constant 512 : i32
      %dma_wait3A_159 = arith.constant 0 : i32
      %dma_wait3A_160 = tpu.memref_slice %arg5[%dma_wait3A_150, %dma_wait3A_158, %dma_wait3A_159] : memref<4x1024x2048xf32, #tpu.memory_space<vmem>> -> memref<1x256x2048xf32, #tpu.memory_space<vmem>>
      %dma_wait3A_161 = tpu.memref_squeeze %dma_wait3A_160 : memref<1x256x2048xf32, #tpu.memory_space<vmem>> -> memref<256x2048xf32, #tpu.memory_space<vmem>>
      tpu.wait_dma2 semaphore(%dma_wait3A_154 : memref<!tpu.dma_semaphore, #tpu.memory_space<semaphore_mem>>) src(%dma_wait3A_161 : memref<256x2048xf32, #tpu.memory_space<vmem>>) dst(%dma_wait3A_157 : memref<256x2048xf32, #tpu.memory_space<any>>)
      %dma_wait3A_162 = arith.constant 1 : i32
      %dma_wait3A_163 = arith.constant 1 : i32
      %dma_wait3A_164 = arith.constant 3 : i32
      %dma_wait3A_165 = tpu.memref_slice %arg6[%dma_wait3A_163, %dma_wait3A_164] : memref<4x4x!tpu.dma_semaphore, #tpu.memory_space<semaphore_mem>> -> memref<1x1x!tpu.dma_semaphore, #tpu.memory_space<semaphore_mem>>
      %dma_wait3A_166 = tpu.memref_squeeze %dma_wait3A_165 : memref<1x1x!tpu.dma_semaphore, #tpu.memory_space<semaphore_mem>> -> memref<!tpu.dma_semaphore, #tpu.memory_space<semaphore_mem>>
      %dma_wait3A_167 = arith.constant 14080 : i32
      %dma_wait3A_168 = arith.constant 0 : i32
      %dma_wait3A_169 = tpu.memref_slice %arg4[%dma_wait3A_167, %dma_wait3A_168] : memref<16384x2048xf32, #tpu.memory_space<any>> -> memref<256x2048xf32, #tpu.memory_space<any>>
      %dma_wait3A_170 = arith.constant 768 : i32
      %dma_wait3A_171 = arith.constant 0 : i32
      %dma_wait3A_172 = tpu.memref_slice %arg5[%dma_wait3A_162, %dma_wait3A_170, %dma_wait3A_171] : memref<4x1024x2048xf32, #tpu.memory_space<vmem>> -> memref<1x256x2048xf32, #tpu.memory_space<vmem>>
      %dma_wait3A_173 = tpu.memref_squeeze %dma_wait3A_172 : memref<1x256x2048xf32, #tpu.memory_space<vmem>> -> memref<256x2048xf32, #tpu.memory_space<vmem>>
      tpu.wait_dma2 semaphore(%dma_wait3A_166 : memref<!tpu.dma_semaphore, #tpu.memory_space<semaphore_mem>>) src(%dma_wait3A_173 : memref<256x2048xf32, #tpu.memory_space<vmem>>) dst(%dma_wait3A_169 : memref<256x2048xf32, #tpu.memory_space<any>>)
      %dma_wait3A_174 = arith.constant 2 : i32
      %dma_wait3A_175 = arith.constant 2 : i32
      %dma_wait3A_176 = arith.constant 0 : i32
      %dma_wait3A_177 = tpu.memref_slice %arg6[%dma_wait3A_175, %dma_wait3A_176] : memref<4x4x!tpu.dma_semaphore, #tpu.memory_space<semaphore_mem>> -> memref<1x1x!tpu.dma_semaphore, #tpu.memory_space<semaphore_mem>>
      %dma_wait3A_178 = tpu.memref_squeeze %dma_wait3A_177 : memref<1x1x!tpu.dma_semaphore, #tpu.memory_space<semaphore_mem>> -> memref<!tpu.dma_semaphore, #tpu.memory_space<semaphore_mem>>
      %dma_wait3A_179 = arith.constant 14336 : i32
      %dma_wait3A_180 = arith.constant 0 : i32
      %dma_wait3A_181 = tpu.memref_slice %arg4[%dma_wait3A_179, %dma_wait3A_180] : memref<16384x2048xf32, #tpu.memory_space<any>> -> memref<256x2048xf32, #tpu.memory_space<any>>
      %dma_wait3A_182 = arith.constant 0 : i32
      %dma_wait3A_183 = arith.constant 0 : i32
      %dma_wait3A_184 = tpu.memref_slice %arg5[%dma_wait3A_174, %dma_wait3A_182, %dma_wait3A_183] : memref<4x1024x2048xf32, #tpu.memory_space<vmem>> -> memref<1x256x2048xf32, #tpu.memory_space<vmem>>
      %dma_wait3A_185 = tpu.memref_squeeze %dma_wait3A_184 : memref<1x256x2048xf32, #tpu.memory_space<vmem>> -> memref<256x2048xf32, #tpu.memory_space<vmem>>
      tpu.wait_dma2 semaphore(%dma_wait3A_178 : memref<!tpu.dma_semaphore, #tpu.memory_space<semaphore_mem>>) src(%dma_wait3A_185 : memref<256x2048xf32, #tpu.memory_space<vmem>>) dst(%dma_wait3A_181 : memref<256x2048xf32, #tpu.memory_space<any>>)
      %dma_wait3A_186 = arith.constant 2 : i32
      %dma_wait3A_187 = arith.constant 2 : i32
      %dma_wait3A_188 = arith.constant 1 : i32
      %dma_wait3A_189 = tpu.memref_slice %arg6[%dma_wait3A_187, %dma_wait3A_188] : memref<4x4x!tpu.dma_semaphore, #tpu.memory_space<semaphore_mem>> -> memref<1x1x!tpu.dma_semaphore, #tpu.memory_space<semaphore_mem>>
      %dma_wait3A_190 = tpu.memref_squeeze %dma_wait3A_189 : memref<1x1x!tpu.dma_semaphore, #tpu.memory_space<semaphore_mem>> -> memref<!tpu.dma_semaphore, #tpu.memory_space<semaphore_mem>>
      %dma_wait3A_191 = arith.constant 14592 : i32
      %dma_wait3A_192 = arith.constant 0 : i32
      %dma_wait3A_193 = tpu.memref_slice %arg4[%dma_wait3A_191, %dma_wait3A_192] : memref<16384x2048xf32, #tpu.memory_space<any>> -> memref<256x2048xf32, #tpu.memory_space<any>>
      %dma_wait3A_194 = arith.constant 256 : i32
      %dma_wait3A_195 = arith.constant 0 : i32
      %dma_wait3A_196 = tpu.memref_slice %arg5[%dma_wait3A_186, %dma_wait3A_194, %dma_wait3A_195] : memref<4x1024x2048xf32, #tpu.memory_space<vmem>> -> memref<1x256x2048xf32, #tpu.memory_space<vmem>>
      %dma_wait3A_197 = tpu.memref_squeeze %dma_wait3A_196 : memref<1x256x2048xf32, #tpu.memory_space<vmem>> -> memref<256x2048xf32, #tpu.memory_space<vmem>>
      tpu.wait_dma2 semaphore(%dma_wait3A_190 : memref<!tpu.dma_semaphore, #tpu.memory_space<semaphore_mem>>) src(%dma_wait3A_197 : memref<256x2048xf32, #tpu.memory_space<vmem>>) dst(%dma_wait3A_193 : memref<256x2048xf32, #tpu.memory_space<any>>)
      %dma_wait3A_198 = arith.constant 2 : i32
      %dma_wait3A_199 = arith.constant 2 : i32
      %dma_wait3A_200 = arith.constant 2 : i32
      %dma_wait3A_201 = tpu.memref_slice %arg6[%dma_wait3A_199, %dma_wait3A_200] : memref<4x4x!tpu.dma_semaphore, #tpu.memory_space<semaphore_mem>> -> memref<1x1x!tpu.dma_semaphore, #tpu.memory_space<semaphore_mem>>
      %dma_wait3A_202 = tpu.memref_squeeze %dma_wait3A_201 : memref<1x1x!tpu.dma_semaphore, #tpu.memory_space<semaphore_mem>> -> memref<!tpu.dma_semaphore, #tpu.memory_space<semaphore_mem>>
      %dma_wait3A_203 = arith.constant 14848 : i32
      %dma_wait3A_204 = arith.constant 0 : i32
      %dma_wait3A_205 = tpu.memref_slice %arg4[%dma_wait3A_203, %dma_wait3A_204] : memref<16384x2048xf32, #tpu.memory_space<any>> -> memref<256x2048xf32, #tpu.memory_space<any>>
      %dma_wait3A_206 = arith.constant 512 : i32
      %dma_wait3A_207 = arith.constant 0 : i32
      %dma_wait3A_208 = tpu.memref_slice %arg5[%dma_wait3A_198, %dma_wait3A_206, %dma_wait3A_207] : memref<4x1024x2048xf32, #tpu.memory_space<vmem>> -> memref<1x256x2048xf32, #tpu.memory_space<vmem>>
      %dma_wait3A_209 = tpu.memref_squeeze %dma_wait3A_208 : memref<1x256x2048xf32, #tpu.memory_space<vmem>> -> memref<256x2048xf32, #tpu.memory_space<vmem>>
      tpu.wait_dma2 semaphore(%dma_wait3A_202 : memref<!tpu.dma_semaphore, #tpu.memory_space<semaphore_mem>>) src(%dma_wait3A_209 : memref<256x2048xf32, #tpu.memory_space<vmem>>) dst(%dma_wait3A_205 : memref<256x2048xf32, #tpu.memory_space<any>>)
      %dma_wait3A_210 = arith.constant 2 : i32
      %dma_wait3A_211 = arith.constant 2 : i32
      %dma_wait3A_212 = arith.constant 3 : i32
      %dma_wait3A_213 = tpu.memref_slice %arg6[%dma_wait3A_211, %dma_wait3A_212] : memref<4x4x!tpu.dma_semaphore, #tpu.memory_space<semaphore_mem>> -> memref<1x1x!tpu.dma_semaphore, #tpu.memory_space<semaphore_mem>>
      %dma_wait3A_214 = tpu.memref_squeeze %dma_wait3A_213 : memref<1x1x!tpu.dma_semaphore, #tpu.memory_space<semaphore_mem>> -> memref<!tpu.dma_semaphore, #tpu.memory_space<semaphore_mem>>
      %dma_wait3A_215 = arith.constant 15104 : i32
      %dma_wait3A_216 = arith.constant 0 : i32
      %dma_wait3A_217 = tpu.memref_slice %arg4[%dma_wait3A_215, %dma_wait3A_216] : memref<16384x2048xf32, #tpu.memory_space<any>> -> memref<256x2048xf32, #tpu.memory_space<any>>
      %dma_wait3A_218 = arith.constant 768 : i32
      %dma_wait3A_219 = arith.constant 0 : i32
      %dma_wait3A_220 = tpu.memref_slice %arg5[%dma_wait3A_210, %dma_wait3A_218, %dma_wait3A_219] : memref<4x1024x2048xf32, #tpu.memory_space<vmem>> -> memref<1x256x2048xf32, #tpu.memory_space<vmem>>
      %dma_wait3A_221 = tpu.memref_squeeze %dma_wait3A_220 : memref<1x256x2048xf32, #tpu.memory_space<vmem>> -> memref<256x2048xf32, #tpu.memory_space<vmem>>
      tpu.wait_dma2 semaphore(%dma_wait3A_214 : memref<!tpu.dma_semaphore, #tpu.memory_space<semaphore_mem>>) src(%dma_wait3A_221 : memref<256x2048xf32, #tpu.memory_space<vmem>>) dst(%dma_wait3A_217 : memref<256x2048xf32, #tpu.memory_space<any>>)
      %dma_wait3A_222 = arith.constant 3 : i32
      %dma_wait3A_223 = arith.constant 3 : i32
      %dma_wait3A_224 = arith.constant 0 : i32
      %dma_wait3A_225 = tpu.memref_slice %arg6[%dma_wait3A_223, %dma_wait3A_224] : memref<4x4x!tpu.dma_semaphore, #tpu.memory_space<semaphore_mem>> -> memref<1x1x!tpu.dma_semaphore, #tpu.memory_space<semaphore_mem>>
      %dma_wait3A_226 = tpu.memref_squeeze %dma_wait3A_225 : memref<1x1x!tpu.dma_semaphore, #tpu.memory_space<semaphore_mem>> -> memref<!tpu.dma_semaphore, #tpu.memory_space<semaphore_mem>>
      %dma_wait3A_227 = arith.constant 15360 : i32
      %dma_wait3A_228 = arith.constant 0 : i32
      %dma_wait3A_229 = tpu.memref_slice %arg4[%dma_wait3A_227, %dma_wait3A_228] : memref<16384x2048xf32, #tpu.memory_space<any>> -> memref<256x2048xf32, #tpu.memory_space<any>>
      %dma_wait3A_230 = arith.constant 0 : i32
      %dma_wait3A_231 = arith.constant 0 : i32
      %dma_wait3A_232 = tpu.memref_slice %arg5[%dma_wait3A_222, %dma_wait3A_230, %dma_wait3A_231] : memref<4x1024x2048xf32, #tpu.memory_space<vmem>> -> memref<1x256x2048xf32, #tpu.memory_space<vmem>>
      %dma_wait3A_233 = tpu.memref_squeeze %dma_wait3A_232 : memref<1x256x2048xf32, #tpu.memory_space<vmem>> -> memref<256x2048xf32, #tpu.memory_space<vmem>>
      tpu.wait_dma2 semaphore(%dma_wait3A_226 : memref<!tpu.dma_semaphore, #tpu.memory_space<semaphore_mem>>) src(%dma_wait3A_233 : memref<256x2048xf32, #tpu.memory_space<vmem>>) dst(%dma_wait3A_229 : memref<256x2048xf32, #tpu.memory_space<any>>)
      %dma_wait3A_234 = arith.constant 3 : i32
      %dma_wait3A_235 = arith.constant 3 : i32
      %dma_wait3A_236 = arith.constant 1 : i32
      %dma_wait3A_237 = tpu.memref_slice %arg6[%dma_wait3A_235, %dma_wait3A_236] : memref<4x4x!tpu.dma_semaphore, #tpu.memory_space<semaphore_mem>> -> memref<1x1x!tpu.dma_semaphore, #tpu.memory_space<semaphore_mem>>
      %dma_wait3A_238 = tpu.memref_squeeze %dma_wait3A_237 : memref<1x1x!tpu.dma_semaphore, #tpu.memory_space<semaphore_mem>> -> memref<!tpu.dma_semaphore, #tpu.memory_space<semaphore_mem>>
      %dma_wait3A_239 = arith.constant 15616 : i32
      %dma_wait3A_240 = arith.constant 0 : i32
      %dma_wait3A_241 = tpu.memref_slice %arg4[%dma_wait3A_239, %dma_wait3A_240] : memref<16384x2048xf32, #tpu.memory_space<any>> -> memref<256x2048xf32, #tpu.memory_space<any>>
      %dma_wait3A_242 = arith.constant 256 : i32
      %dma_wait3A_243 = arith.constant 0 : i32
      %dma_wait3A_244 = tpu.memref_slice %arg5[%dma_wait3A_234, %dma_wait3A_242, %dma_wait3A_243] : memref<4x1024x2048xf32, #tpu.memory_space<vmem>> -> memref<1x256x2048xf32, #tpu.memory_space<vmem>>
      %dma_wait3A_245 = tpu.memref_squeeze %dma_wait3A_244 : memref<1x256x2048xf32, #tpu.memory_space<vmem>> -> memref<256x2048xf32, #tpu.memory_space<vmem>>
      tpu.wait_dma2 semaphore(%dma_wait3A_238 : memref<!tpu.dma_semaphore, #tpu.memory_space<semaphore_mem>>) src(%dma_wait3A_245 : memref<256x2048xf32, #tpu.memory_space<vmem>>) dst(%dma_wait3A_241 : memref<256x2048xf32, #tpu.memory_space<any>>)
      %dma_wait3A_246 = arith.constant 3 : i32
      %dma_wait3A_247 = arith.constant 3 : i32
      %dma_wait3A_248 = arith.constant 2 : i32
      %dma_wait3A_249 = tpu.memref_slice %arg6[%dma_wait3A_247, %dma_wait3A_248] : memref<4x4x!tpu.dma_semaphore, #tpu.memory_space<semaphore_mem>> -> memref<1x1x!tpu.dma_semaphore, #tpu.memory_space<semaphore_mem>>
      %dma_wait3A_250 = tpu.memref_squeeze %dma_wait3A_249 : memref<1x1x!tpu.dma_semaphore, #tpu.memory_space<semaphore_mem>> -> memref<!tpu.dma_semaphore, #tpu.memory_space<semaphore_mem>>
      %dma_wait3A_251 = arith.constant 15872 : i32
      %dma_wait3A_252 = arith.constant 0 : i32
      %dma_wait3A_253 = tpu.memref_slice %arg4[%dma_wait3A_251, %dma_wait3A_252] : memref<16384x2048xf32, #tpu.memory_space<any>> -> memref<256x2048xf32, #tpu.memory_space<any>>
      %dma_wait3A_254 = arith.constant 512 : i32
      %dma_wait3A_255 = arith.constant 0 : i32
      %dma_wait3A_256 = tpu.memref_slice %arg5[%dma_wait3A_246, %dma_wait3A_254, %dma_wait3A_255] : memref<4x1024x2048xf32, #tpu.memory_space<vmem>> -> memref<1x256x2048xf32, #tpu.memory_space<vmem>>
      %dma_wait3A_257 = tpu.memref_squeeze %dma_wait3A_256 : memref<1x256x2048xf32, #tpu.memory_space<vmem>> -> memref<256x2048xf32, #tpu.memory_space<vmem>>
      tpu.wait_dma2 semaphore(%dma_wait3A_250 : memref<!tpu.dma_semaphore, #tpu.memory_space<semaphore_mem>>) src(%dma_wait3A_257 : memref<256x2048xf32, #tpu.memory_space<vmem>>) dst(%dma_wait3A_253 : memref<256x2048xf32, #tpu.memory_space<any>>)
      %dma_wait3A_258 = arith.constant 3 : i32
      %dma_wait3A_259 = arith.constant 3 : i32
      %dma_wait3A_260 = arith.constant 3 : i32
      %dma_wait3A_261 = tpu.memref_slice %arg6[%dma_wait3A_259, %dma_wait3A_260] : memref<4x4x!tpu.dma_semaphore, #tpu.memory_space<semaphore_mem>> -> memref<1x1x!tpu.dma_semaphore, #tpu.memory_space<semaphore_mem>>
      %dma_wait3A_262 = tpu.memref_squeeze %dma_wait3A_261 : memref<1x1x!tpu.dma_semaphore, #tpu.memory_space<semaphore_mem>> -> memref<!tpu.dma_semaphore, #tpu.memory_space<semaphore_mem>>
      %dma_wait3A_263 = arith.constant 16128 : i32
      %dma_wait3A_264 = arith.constant 0 : i32
      %dma_wait3A_265 = tpu.memref_slice %arg4[%dma_wait3A_263, %dma_wait3A_264] : memref<16384x2048xf32, #tpu.memory_space<any>> -> memref<256x2048xf32, #tpu.memory_space<any>>
      %dma_wait3A_266 = arith.constant 768 : i32
      %dma_wait3A_267 = arith.constant 0 : i32
      %dma_wait3A_268 = tpu.memref_slice %arg5[%dma_wait3A_258, %dma_wait3A_266, %dma_wait3A_267] : memref<4x1024x2048xf32, #tpu.memory_space<vmem>> -> memref<1x256x2048xf32, #tpu.memory_space<vmem>>
      %dma_wait3A_269 = tpu.memref_squeeze %dma_wait3A_268 : memref<1x256x2048xf32, #tpu.memory_space<vmem>> -> memref<256x2048xf32, #tpu.memory_space<vmem>>
      tpu.wait_dma2 semaphore(%dma_wait3A_262 : memref<!tpu.dma_semaphore, #tpu.memory_space<semaphore_mem>>) src(%dma_wait3A_269 : memref<256x2048xf32, #tpu.memory_space<vmem>>) dst(%dma_wait3A_265 : memref<256x2048xf32, #tpu.memory_space<any>>)
    } else {
    }
    return
  }
  func.func @transform_0(%arg0: i32) -> i32 {
    %c0_i32 = arith.constant 0 : i32
    %c0_i32_0 = arith.constant 0 : i32
    return %c0_i32 : i32
  }
  func.func @transform_1(%arg0: i32) -> (i32, i32) {
    %c0_i32 = arith.constant 0 : i32
    %c0_i32_0 = arith.constant 0 : i32
    return %arg0, %c0_i32 : i32, i32
  }
  func.func @transform_2(%arg0: i32) -> (i32, i32) {
    %c0_i32 = arith.constant 0 : i32
    %c0_i32_0 = arith.constant 0 : i32
    %c0_i32_1 = arith.constant 0 : i32
    return %c0_i32, %c0_i32_0 : i32, i32
  }
}

</mosaic_0001>

<sc_bundles>
// kernel: kernel.4.cloned.1.call-start
scs
__scs_entry_jumppad:
0x0: {  	(pc) =	sbr.rel $0x88, $3  }
0x1: {  	(tag) =	ssettag $0x0;
	lr =	simm.s32 $0x1  }
0x2: {  	[smem:$0x3F9D] =	sst lr;
	_ =	strace $0xD0000000  }
0x3: {  	_ = 	snop  }
0x4: {  	_ = 	snop  }
0x5: {  	_ = 	snop  }
0x6: {  	_ = 	snop  }
0x7: {  	_ = 	snop  }
__scs_overlays_trampoline_lowered:
0x8: {  	[smem:$0x3FAC] =	sst s0  }
0x9: {  	[smem:$0x3FAD] =	sst s1  }
0xa: {  	[smem:$0x3FAE] =	sst s2  }
0xb: {  	[smem:$0x3FAF] =	sst s3  }
0xc: {  	[smem:$0x3FB0] =	sst s4  }
0xd: {  	[smem:$0x3FB1] =	sst s5  }
0xe: {  	[smem:$0x3FB2] =	sst s6  }
0xf: {  	[smem:$0x3FB3] =	sst s7  }
0x10: {  	[smem:$0x3FB4] =	sst s8  }
0x11: {  	[smem:$0x3FB5] =	sst s9;
	s0 =	simm.s32 @!p0 $0x0  }
0x12: {  	s1 =	sld [smem:$0x3F9B];
	s0 =	simm.s32 @p0 $0x1  }
0x13: {  	[smem:$0x3FB6] =	sst s0;
	s0 =	simm.s32 @!p1 $0x0  }
0x14: {  	s2 =	sld [smem:$0x3F9A];
	s0 =	simm.s32 @p1 $0x1  }
0x15: {  	[smem:$0x3FB7] =	sst s0;
	s0 =	simm.s32 @!p2 $0x0  }
0x16: {  	s3 =	sld [smem:$0x3FDB];
	s0 =	simm.s32 @p2 $0x1  }
0x17: {  	s4 =	simm.s32 $0x1BF5;
	[smem:$0x3FB9] =	sst s0  }
0x18: {  	s0 =	sld [smem:$0x3F9C];
	_ =	swait.ge [sflag:s4], $0x0  }
0x19: {  	s7 =	sld [smem:$0x3F9D]  }
0x1a: {  	s8 =	sadd.s32 $0xFFFFE003, lr  }
0x1b: {  	s9 =	sadd.s32 $0xFFFFFEF7, lr;
	s5 =	simm.s32 $0xFFFFFFFF;
	p2 =	slt.u32 s8, $0xFFFFF086  }
0x1c: {  	p1 =	slt.u32 s9, $0xF7A;
	s5 =	simm.s32 @!p2 $0x0  }
0x1d: {  	s5 =	simm.s32 @p1 $0x1;
	p0 =	seq.s32 s7, s2  }
0x1e: {  	s7 =	smul.u32 @!p0 $0xF7A, s2;
	p2 =	seq.s32 @!p0 s5, $0x0  }
0x1f: {  	s9 =	smul.u32 $0xF7A, s1;
	s8 =	simm.s32 @!p0 $0x1BF5;
	p2 =	por !p2, p0  }
0x20: {  	[sflag:s8] =	ssyncset.s32 @!p0 $0xFFFFF086;
	s6 =	sadd.s32 @!p0 s3, s7;
	s7 =	simm.s32 @!p0 $0x108  }
0x21: {  	s3 =	sadd.s32 s3, s9;
	s6 =	sadd.s32 @!p0 $0x88, s6;
	s7 =	simm.s32 @p2 $0x1082  }
0x22: {  	[simem:s7], [sflag:s8] =	dma.local @!p0 [hbm:s6], $0xF7A  }
0x23: {  	s9 =	sor.u32 $0xD0000000, s2;
	s6 =	simm.s32 $0x108;
	_ =	swait.ge @!p0 [sflag:s8], $0x0  }
0x24: {  	s3 =	sadd.s32 $0x88, s3;
	s6 =	simm.s32 @!p1 $0x1082;
	[sflag:s4] =	ssyncset.s32 $0xFFFFF086  }
0x25: {  	[simem:s6], [sflag:s4] =	dma.local [hbm:s3], $0xF7A  }
0x26: {  	[smem:$0x3F9D] =	sst s1;
	(tag) =	ssettag s2;
	_ =	strace s9  }
0x27: {  	s1 =	sld [smem:$0x3FAD]  }
0x28: {  	s2 =	sld [smem:$0x3FAE]  }
0x29: {  	s4 =	sld [smem:$0x3FB0]  }
0x2a: {  	p0 =	seq.s32 s5, $0x0;
	s5 =	sld [smem:$0x3FB1]  }
0x2b: {  	s6 =	sld [smem:$0x3FB2]  }
0x2c: {  	s7 =	sld [smem:$0x3FB3]  }
0x2d: {  	s3 =	simm.s32 $0x108;
	s8 =	sld [smem:$0x3FB4]  }
0x2e: {  	s3 =	simm.s32 @!p0 $0x1082;
	s9 =	sld [smem:$0x3FB5]  }
0x2f: {  	lr =	sadd.s32 s0, s3;
	s0 =	sld [smem:$0x3FAC]  }
0x30: {  	s3 =	sld [smem:$0x3FAF]  }
0x31: {  	[smem:$0x3FB8] =	sst s10  }
0x32: {  	s10 =	sld [smem:$0x3FB6];
	_ =	sdelay $0x3  }
0x33: {  	p0 =	seq.s32 s10, $0x1;
	s10 =	sld [smem:$0x3FB8];
	_ =	sdelay $0x3  }
0x34: {  	[smem:$0x3FB8] =	sst s10  }
0x35: {  	s10 =	sld [smem:$0x3FB7];
	_ =	sdelay $0x3  }
0x36: {  	p1 =	seq.s32 s10, $0x1;
	s10 =	sld [smem:$0x3FB8];
	_ =	sdelay $0x3  }
0x37: {  	[smem:$0x3FB8] =	sst s10  }
0x38: {  	s10 =	sld [smem:$0x3FB9]  }
0x39: {  	_ = 	snop;
	(pc) =	sbr.ind lr, $3  }
0x3a: {  	_ = 	snop  }
0x3b: {  	_ = 	snop  }
0x3c: {  	p2 =	seq.s32 s10, $0x1;
	s10 =	sld [smem:$0x3FB8]  }
0x3d: {  	_ =	shalt  }
0x3e: {  	_ =	shalt  }
0x3f: {  	_ =	shalt  }
0x40: {  	_ =	shalt  }
0x41: {  	_ =	shalt  }
0x42: {  	_ =	shalt  }
0x43: {  	_ =	shalt  }
0x44: {  	_ =	shalt  }
0x45: {  	_ =	shalt  }
0x46: {  	_ =	shalt  }
0x47: {  	_ =	shalt  }
0x48: {  	_ =	shalt  }
0x49: {  	_ =	shalt  }
0x4a: {  	_ =	shalt  }
0x4b: {  	_ =	shalt  }
0x4c: {  	_ =	shalt  }
0x4d: {  	_ =	shalt  }
0x4e: {  	_ =	shalt  }
0x4f: {  	_ =	shalt  }
0x50: {  	_ =	shalt  }
0x51: {  	_ =	shalt  }
0x52: {  	_ =	shalt  }
0x53: {  	_ =	shalt  }
0x54: {  	_ =	shalt  }
0x55: {  	_ =	shalt  }
0x56: {  	_ =	shalt  }
0x57: {  	_ =	shalt  }
0x58: {  	_ =	shalt  }
0x59: {  	_ =	shalt  }
0x5a: {  	_ =	shalt  }
0x5b: {  	_ =	shalt  }
0x5c: {  	_ =	shalt  }
0x5d: {  	_ =	shalt  }
0x5e: {  	_ =	shalt  }
0x5f: {  	_ =	shalt  }
0x60: {  	_ =	shalt  }
0x61: {  	_ =	shalt  }
0x62: {  	_ =	shalt  }
0x63: {  	_ =	shalt  }
0x64: {  	_ =	shalt  }
0x65: {  	_ =	shalt  }
0x66: {  	_ =	shalt  }
0x67: {  	_ =	shalt  }
0x68: {  	_ =	shalt  }
0x69: {  	_ =	shalt  }
0x6a: {  	_ =	shalt  }
0x6b: {  	_ =	shalt  }
0x6c: {  	_ =	shalt  }
0x6d: {  	_ =	shalt  }
0x6e: {  	_ =	shalt  }
0x6f: {  	_ =	shalt  }
0x70: {  	_ =	shalt  }
0x71: {  	_ =	shalt  }
0x72: {  	_ =	shalt  }
0x73: {  	_ =	shalt  }
0x74: {  	_ =	shalt  }
0x75: {  	_ =	shalt  }
0x76: {  	_ =	shalt  }
0x77: {  	_ =	shalt  }
0x78: {  	_ =	shalt  }
0x79: {  	_ =	shalt  }
0x7a: {  	_ =	shalt  }
0x7b: {  	_ =	shalt  }
0x7c: {  	_ =	shalt  }
0x7d: {  	_ =	shalt  }
0x7e: {  	_ =	shalt  }
0x7f: {  	_ =	shalt  }
0x80: {  	_ =	shalt  }
0x81: {  	_ =	shalt  }
0x82: {  	_ =	shalt  }
0x83: {  	_ =	shalt  }
0x84: {  	_ =	shalt  }
0x85: {  	_ =	shalt  }
0x86: {  	_ =	shalt  }
0x87: {  	_ =	shalt  }
.Lfunc_end0:
.L_simem_size_0:
called_computation_lowered:
.L_overlay_start_0:
0x88: {  	s2 =	sld [smem:$0x3FD9]  }
0x89: {  	s3 =	sld [smem:$0x3FFE];
	_ =	sdelay $0x1  }
0x8a: {  	s1 =	srdreg.scid  }
0x8b: {  	s0 =	sand.u32 $0x1, s1  }
0x8c: {  	s17 =	sshll.u32 s0, $0xA;
	s2 =	sadd.s32 s3, s2  }
0x8d: {  	s2 =	sadd.s32 s2, s17  }
0x8e: {  	[smem:$0x3FC4] =	sst s2  }
0x8f: {  	_ = 	snop  }
0x90: {  	s2 =	sld [smem:$0x3FC8]  }
0x91: {  	s18 =	sld [smem:$0x3FD0];
	(tm) =	ssettm $0x1  }
0x92: {  	s4 =	sld [smem:$0x3FFB];
	_ =	sdelay $0x3  }
0x93: {  	_ =	strace s4  }
0x94: {  	s4 =	sld [smem:$0x3FFC];
	_ =	sdelay $0x3  }
0x95: {  	_ =	strace s4  }
0x96: {  	s4 =	sld [smem:$0x3FFD];
	_ =	sdelay $0x3  }
0x97: {  	_ =	strace s4  }
0x98: {  	_ =	strace $0x8FFFFFFF  }
0x99: {  	s19 =	sld [smem:$0x3FDB];
	_ =	sdelay $0x1  }
0x9a: {  	s5 =	simm.s32 $_scs_section_size  }
0x9b: {  	s6 =	simm.s32 $_size__tile_overlayer_lowered;
	s7 =	simm.s32 $_tile_overlayer_lowered  }
0x9c: {  	s22 =	simm.s32 $0x1BFF;
	s21 =	sshll.u32 s7, $0x1;
	s4 =	sadd.s32 s5, s19  }
0x9d: {  	s8 =	simm.s32 $0x0;
	s20 =	sshll.u32 s6, $0x1;
	s6 =	sadd.s32 s21, s4  }
0x9e: {  	[timem:s8], [sflag:s22] =	dma.local [hbm:s6], s20  }
0x9f: {  	_ =	swait.ge [sflag:s22], s20  }
0xa0: {  	s5 =	ssub.s32 $0x0, s20;
	[sflag:s22] =	ssyncset.done $0x0  }
0xa1: {  	[sflag:s22] =	ssyncadd.s32 s5;
	_ =	sdelay $0x1  }
0xa2: {  	s23 =	simm.s32 $0x1B8B  }
0xa3: {  	_ =	swait.ge [sflag:s23], $0x1  }
0xa4: {  	[sflag:s23] =	ssyncset.done $0x0  }
0xa5: {  	s25 =	simm.s32 $0x1B8E;
	s24 =	sld [smem:$0x3FFE];
	[sflag:s23] =	ssyncadd.s32 $0xFFFFFFFF  }
0xa6: {  	s26 =	simm.s32 $execute0_lowered;
	[smem:$0x3FD2] =	sst s25  }
0xa7: {  	s6 =	sshll.u32 s26, $0x1;
	_ =	strace $0x80000046;
	[dreg:$0x1] =	wrdreg $0xFFFFFFFF  }
0xa8: {  	s28 =	simm.s32 $_size_execute0_lowered;
	s4 =	sadd.s32 s4, s6;
	[dreg:$0x0] =	wrdreg $0x0  }
0xa9: {  	s6 =	sshll.u32 s28, $0x1;
	[dreg:$0x2] =	wrdreg s4  }
0xaa: {  	[dreg:$0x3] =	wrdreg s6  }
0xab: {  	[dreg:$0x4] =	wrdreg $0xC0  }
0xac: {  	_ =	task [dreg:s8], $0x5FFFF  }
0xad: {  	[dreg:$0x1] =	wrdreg $0xFFFFFFFF  }
0xae: {  	[dreg:$0x0] =	wrdreg $0x60  }
0xaf: {  	[dreg:$0x2] =	wrdreg s24  }
0xb0: {  	[dreg:$0x3] =	wrdreg s2  }
0xb1: {  	[dreg:$0x4] =	wrdreg s18  }
0xb2: {  	[dreg:$0x5] =	wrdreg $0x9  }
0xb3: {  	_ =	task.clear_ibuf [dreg:s8], $0x6FFFF;
	_ =	strace $0x90000046  }
0xb4: {  	s29 =	simm.s32 $0x9;
	_ =	strace $0x80000048  }
0xb5: {  	_ =	swait.ge [sflag:s29], $0x1  }
0xb6: {  	[sflag:s29] =	ssyncadd.s32 $0xFFFFFFFF  }
0xb7: {  	_ =	strace $0x90000048  }
0xb8: {  	_ =	sfence  }
0xb9: {  	s30 =	sld [smem:$0x0];
	_ =	sdelay $0x2  }
0xba: {  	s31 =	sshll.u32 s1, $0xD;
	s1 =	sshrl.u32 s1, $0x2  }
0xbb: {  	s3 =	sand.u32 $0x4000, s31;
	s1 =	sadd.s32 s1, s30  }
0xbc: {  	s0 =	sor.u32 s3, s0;
	s1 =	sshll.u32 s1, $0x11  }
0xbd: {  	s0 =	sor.u32 s1, s0  }
0xbe: {  	s0 =	sadd.s32 $0x8F2B, s0  }
0xbf: {  	[sflag:s0] =	ssyncadd.remote.s32 $0x1  }
0xc0: {  	_ =	sfence.sel $0xFFFF  }
0xc1: {  	[dreg:$0x0] =	wrdreg $0xFFFFFFFF;
	(pc) =	sbr.abs _section_cstart, $3  }
0xc2: {  	[dreg:$0x1] =	wrdreg $0xFFFFFFFF  }
0xc3: {  	_ =	task.clear_ibuf [dreg:s8], $0x2FFFF;
	_ =	strace $0x9FFFFFFF  }
0xc4: {  	(tm) =	ssettm $0x7FFFFFFF  }
0xc5: {  	_ =	shalt  }
tec
execute0_lowered:
.L_overlay_start_1:
0x0: {  	(tag) =	ssettag $0x1  }
0x1: {  	s5 =	rddreg [dreg:$0x0]  }
0x2: {  	s1 =	rddreg [dreg:$0x1]  }
0x3: {  	s6 =	rddreg [dreg:$0x2]  }
0x4: {  	s0 =	rddreg [dreg:$0x3];
	s3 =	simm.s32 $0x0  }
0x5: {  	s4 =	srdreg.scid;
	s2 =	stileid.u32;
	s12 =	simm.s32 $0x6  }
0x6: {  	s14 =	simm.s32 $0x280;
	s15 =	simm.s32 $0x480;
	s16 =	simm.s32 $0x300  }
0x7: {  	s17 =	simm.s32 $0x4480;
	s18 =	simm.s32 $0x380;
	s19 =	simm.s32 $0x8480  }
0x8: {  	s20 =	simm.s32 $0x400;
	s21 =	simm.s32 $0xC480;
	s22 =	simm.s32 $0x1  }
0x9: {  	s23 =	simm.s32 $0x2;
	s24 =	simm.s32 $0x3;
	s25 =	simm.s32 $0x4  }
0xa: {  	s26 =	simm.s32 $0x5;
	[smem:$0x7FF] =	sst s3;
	s7 =	sand.u32 $0x1, s4  }
0xb: {  	s8 =	sshll.u32 s2, $0x1;
	s4 =	sadd.s32 $0x800, s5;
	s5 =	sadd.s32 $0x1000, s5  }
0xc: {  	_ =	strace $0x80000047;
	s11 =	sor.u32 s7, s8;
	s29 =	ssub.s32 $0x2, s7  }
0xd: {  	[dreg:$0x4] =	wrdreg s5;
	s30 =	sshll.u32 s11, $0x9;
	s31 =	sshrl.u32 s29, $0x1  }
0xe: {  	s9 =	sshll.u32 s11, $0xD;
	s13 =	sand.u32 $0x7, s11;
	p0 =	sne.s32 s11, $0x0  }
0xf: {  	s11 =	simm.s32 $0x10480;
	s7 =	sadd.s32 $0xFFFFFFF8, s30;
	s10 =	ssub.s32 s29, s31  }
0x10: {  	s5 =	sadd.s32 s6, s9;
	p1 =	sne.s32 s13, $0x0;
	s13 =	simm.s32 $0x80  }
0x11: {  	s7 =	sshrl.u32 s7, $0x3;
	s8 =	sadd.s32 $0x1000, s5;
	s9 =	sadd.s32 $0x1800, s5  }
0x12: {  	s10 =	smax.u32 s10, $0x1;
	vm0 =	vcmask @!p1 $0x300;
	s6 =	sadd.s32 s4, s7;
	s7 =	sadd.s32 $0x800, s5  }
.LBB2_1:
0x13: {  	s28 =	rddreg [dreg:$0x4]  }
0x14: {  	[tilespmem:s11], [sflag:$0x6] =	stream.linear.gather [hbm4b:s28+s3], $0x1, $0x38;
	[tilespmem:$0x10500] =	vst v63  }
0x15: {  	_ =	swait.ge [sflag:s12], $0x1  }
0x16: {  	[sflag:s12] =	ssyncset.done $0x0  }
0x17: {  	s28 =	simm.s32 @p0 $0x0;
	[sflag:s12] =	ssyncadd.s32 $0xFFFFFFFF  }
0x18: {  	v0 =	vld [tilespmem:$0x10480];
	[tilespmem:s28], [sflag:$0x6] =	stream.linear.gather @p0 [hbm4b:s6+s28], $0x208, $0x38  }
0x19: {  	s28 =	simm.s32 @p0 $0x6  }
0x1a: {  	_ =	swait.ge @p0 [sflag:s28], $0x208  }
0x1b: {  	[sflag:s28] =	ssyncset.done @p0 $0x0  }
0x1c: {  	s29 =	simm.s32 @!p0 $0x8;
	[sflag:s28] =	ssyncadd.s32 @p0 $0xFFFFFDF8;
	s28 =	simm.s32 @!p0 $0x0  }
0x1d: {  	[tilespmem:s29], [sflag:$0x6] =	stream.linear.gather @!p0 [hbm4b:s4+s28], $0x200, $0x38;
	[tilespmem:$0x10500] =	vst v63  }
0x1e: {  	s28 =	simm.s32 @!p0 $0x6  }
0x1f: {  	_ =	swait.ge @!p0 [sflag:s28], $0x200  }
0x20: {  	[sflag:s28] =	ssyncset.done @!p0 $0x0  }
0x21: {  	[sflag:s28] =	ssyncadd.s32 @!p0 $0xFFFFFE00  }
0x22: {  	v1 =	vld [tilespmem:$0x7]  }
0x23: {  	v2 =	vld [tilespmem:$0x8]  }
0x24: {  	v3 =	vld [tilespmem:$0x17]  }
0x25: {  	v4 =	vld [tilespmem:$0x18]  }
0x26: {  	v5 =	vld [tilespmem:$0x27]  }
0x27: {  	v6 =	vld [tilespmem:$0x28]  }
0x28: {  	v7 =	vld [tilespmem:$0x37]  }
0x29: {  	v9 =	vld [tilespmem:$0x47]  }
0x2a: {  	v12 =	vld [tilespmem:$0x58];
	v2 =	vmul.u32 $0x8DD9, v2  }
0x2b: {  	v11 =	vld [tilespmem:$0x57];
	v1 =	vmul.u32 $0x6A37, v1;
	v4 =	vmul.u32 $0x8DD9, v4;
	v3 =	vmul.u32 $0x6A37, v3  }
0x2c: {  	v0 =	vbroadcast v0, $0x0;
	v13 =	vld [tilespmem:$0x67]  }
0x2d: {  	v59 =	vld [tilespmem:$0x38];
	v6 =	vmul.u32 $0x8DD9, v6;
	v1 =	vxor.u32 v1, v2;
	v3 =	vxor.u32 v3, v4  }
0x2e: {  	v14 =	vld [tilespmem:$0x77];
	v5 =	vmul.u32 $0x6A37, v5;
	v2 =	vcvt.s32.f32 v1;
	v4 =	vcvt.s32.f32 v3  }
0x2f: {  	v31 =	vld [tilespmem:$0x87];
	v7 =	vmul.u32 $0x6A37, v7;
	v9 =	vmul.u32 $0x6A37, v9;
	v12 =	vmul.u32 $0x8DD9, v12  }
0x30: {  	v5 =	vxor.u32 v5, v6;
	v2 =	vmul.f32 $1.000009980e-05, v2;
	v4 =	vmul.f32 $1.000009980e-05, v4  }
0x31: {  	v15 =	vld [tilespmem:$0x97];
	v11 =	vmul.u32 $0x6A37, v11;
	v22 =	vmul.u32 $0x6A37, v13;
	v61 =	vcvt.s32.f32 v5  }
0x32: {  	v6 =	vmul.u32 $0x8DD9, v59;
	v2 =	vtrunc.f32 v2;
	v60 =	vtrunc.f32 v4  }
0x33: {  	v21 =	vxor.u32 v11, v12;
	v4 =	vmul.f32 $1.000009980e-05, v61;
	v2 =	vcvt.f32.s32 v2  }
0x34: {  	v14 =	vmul.u32 $0x6A37, v14;
	v13 =	vmul.u32 $0x6A37, v31;
	v11 =	vcvt.s32.f32 v21  }
0x35: {  	v63 =	vxor.u32 v7, v6;
	v4 =	vtrunc.f32 v4;
	v2 =	vmul.u32 v2, v0  }
0x36: {  	v62 =	vld [tilespmem:$0x48];
	v15 =	vmul.u32 $0x6A37, v15;
	v7 =	vcvt.s32.f32 v63;
	v4 =	vcvt.f32.s32 v4  }
0x37: {  	v11 =	vmul.f32 $1.000009980e-05, v11;
	v1 =	vsub.s32 v1, v2;
	v2 =	vcvt.f32.s32 v60  }
0x38: {  	v17 =	vmul.f32 $1.000009980e-05, v7;
	v4 =	vmul.u32 v4, v0;
	v8 =	vshra.s32 v1, $0x1F  }
0x39: {  	v19 =	vld [tilespmem:$0x68];
	v27 =	vtrunc.f32 v11;
	v8 =	vand.u32 v0, v8;
	v2 =	vmul.u32 v2, v0  }
0x3a: {  	v4 =	vsub.s32 v5, v4;
	v5 =	vtrunc.f32 v17;
	v1 =	vadd.s32 v1, v8  }
0x3b: {  	v26 =	vld [tilespmem:$0x78];
	v8 =	vmul.u32 $0x8DD9, v62;
	v18 =	vshra.s32 v4, $0x1F;
	v5 =	vcvt.f32.s32 v5  }
0x3c: {  	v55 =	vld [tilespmem:$0xC7];
	v10 =	vsub.s32 v1, v0;
	v2 =	vsub.s32 v3, v2;
	v7 =	vand.u32 v0, v18  }
0x3d: {  	v17 =	vld [tilespmem:$0xA7];
	vm1 =	vlt.s32 v10, $0x0;
	v16 =	vshra.s32 v2, $0x1F;
	v8 =	vxor.u32 v9, v8  }
0x3e: {  	v4 =	vadd.s32 v4, v7;
	v5 =	vmul.u32 v5, v0;
	v7 =	vmul.u32 $0x8DD9, v19  }
0x3f: {  	v47 =	vld [tilespmem:$0xB7];
	v6 =	vand.u32 v0, v16;
	v9 =	vcvt.s32.f32 v8;
	v20 =	vsub.s32 v4, v0  }
0x40: {  	v18 =	vld [tilespmem:$0xA8];
	v1 =	vsel vm1, v1, v10;
	v2 =	vadd.s32 v2, v6;
	vm1 =	vlt.s32 v20, $0x0  }
0x41: {  	v5 =	vsub.s32 v63, v5;
	v25 =	vxor.u32 v22, v7;
	v7 =	vmul.u32 $0x8DD9, v26  }
0x42: {  	v19 =	vld [tilespmem:$0xD7];
	v45 =	vmul.u32 $0x6A37, v17;
	v17 =	vmul.u32 $0x6A37, v55;
	v6 =	vsub.s32 v2, v0  }
0x43: {  	v16 =	vld [tilespmem:$0x98];
	v9 =	vmul.f32 $1.000009980e-05, v9;
	v23 =	vshra.s32 v5, $0x1F;
	v3 =	vsel vm1, v4, v20  }
0x44: {  	v28 =	vcvt.s32.f32 v25;
	vm2 =	vlt.s32 v6, $0x0;
	v24 =	vand.u32 v0, v23  }
0x45: {  	v22 =	vld [tilespmem:$0xE8];
	v7 =	vxor.u32 v14, v7;
	v44 =	vmul.u32 $0x8DD9, v18;
	v18 =	vmul.u32 $0x6A37, v47  }
0x46: {  	v50 =	vld [tilespmem:$0xB8];
	v2 =	vsel vm2, v2, v6;
	v9 =	vtrunc.f32 v9;
	v4 =	vadd.s32 v5, v24  }
0x47: {  	v20 =	vld [tilespmem:$0xD8];
	v11 =	vmul.f32 $1.000009980e-05, v28;
	v14 =	vcvt.s32.f32 v7;
	v19 =	vmul.u32 $0x6A37, v19  }
0x48: {  	v9 =	vcvt.f32.s32 v9;
	v30 =	vsub.s32 v4, v0;
	v16 =	vmul.u32 $0x8DD9, v16  }
0x49: {  	v49 =	vxor.u32 v45, v44;
	vm1 =	vlt.s32 v30, $0x0;
	v11 =	vtrunc.f32 v11  }
0x4a: {  	v23 =	vld [tilespmem:$0x108];
	v35 =	vmul.f32 $1.000009980e-05, v14;
	v52 =	vcvt.s32.f32 v49;
	v31 =	vmul.u32 $0x8DD9, v22  }
0x4b: {  	v33 =	vld [tilespmem:$0x88];
	v9 =	vmul.u32 v9, v0;
	v4 =	vsel vm1, v4, v30;
	v11 =	vcvt.f32.s32 v11  }
0x4c: {  	v42 =	vxor.u32 v15, v16;
	v15 =	vmul.u32 $0x8DD9, v50;
	v20 =	vmul.u32 $0x8DD9, v20  }
0x4d: {  	v43 =	vcvt.s32.f32 v42;
	v8 =	vsub.s32 v8, v9;
	v9 =	vcvt.f32.s32 v27  }
0x4e: {  	v11 =	vmul.u32 v11, v0;
	v59 =	vxor.u32 v18, v15;
	v29 =	vshra.s32 v8, $0x1F  }
0x4f: {  	v23 =	vmul.u32 $0x8DD9, v23;
	v18 =	vcvt.s32.f32 v59;
	v5 =	vand.u32 v0, v29  }
0x50: {  	v32 =	vmul.u32 v9, v0;
	v9 =	vmul.u32 $0x8DD9, v33;
	v6 =	vsub.s32 v25, v11  }
0x51: {  	v29 =	vxor.u32 v19, v20;
	v5 =	vadd.s32 v8, v5;
	v37 =	vshra.s32 v6, $0x1F  }
0x52: {  	v62 =	vmul.f32 $1.000009980e-05, v18;
	v30 =	vcvt.s32.f32 v29;
	v34 =	vsub.s32 v5, v0  }
0x53: {  	v33 =	vld [tilespmem:$0xF7];
	v8 =	vsub.s32 v21, v32;
	v9 =	vxor.u32 v13, v9;
	v38 =	vand.u32 v0, v37  }
0x54: {  	v21 =	vld [tilespmem:$0xE7];
	vm1 =	vlt.s32 v34, $0x0;
	v10 =	vshra.s32 v8, $0x1F;
	v39 =	vcvt.s32.f32 v9  }
0x55: {  	v13 =	vadd.s32 v6, v38;
	v10 =	vand.u32 v0, v10;
	v6 =	vsel vm1, v5, v34  }
0x56: {  	v40 =	vsub.s32 v13, v0;
	v8 =	vadd.s32 v8, v10;
	v10 =	vtrunc.f32 v35  }
0x57: {  	v14 =	vmul.f32 $1.000009980e-05, v39;
	vm1 =	vlt.s32 v40, $0x0;
	v36 =	vsub.s32 v8, v0  }
0x58: {  	v35 =	vld [tilespmem:$0xF8];
	v20 =	vmul.u32 $0x6A37, v33;
	v10 =	vcvt.f32.s32 v10;
	vm2 =	vlt.s32 v36, $0x0  }
0x59: {  	v41 =	vtrunc.f32 v14;
	v14 =	vmul.f32 $1.000009980e-05, v43;
	v32 =	vmul.u32 $0x6A37, v21  }
0x5a: {  	v5 =	vsel vm2, v8, v36;
	v10 =	vmul.u32 v10, v0;
	v11 =	vcvt.f32.s32 v41  }
0x5b: {  	v51 =	vtrunc.f32 v14;
	v14 =	vmul.f32 $1.000009980e-05, v52;
	v19 =	vxor.u32 v32, v31  }
0x5c: {  	v10 =	vsub.s32 v7, v10;
	v11 =	vmul.u32 v11, v0;
	v7 =	vsel vm1, v13, v40  }
0x5d: {  	v13 =	vtrunc.f32 v62;
	v39 =	vcvt.s32.f32 v19;
	v22 =	vmul.u32 $0x8DD9, v35  }
0x5e: {  	v57 =	vld [tilespmem:$0xC8];
	v46 =	vshra.s32 v10, $0x1F;
	v14 =	vtrunc.f32 v14;
	v13 =	vcvt.f32.s32 v13  }
0x5f: {  	v48 =	vand.u32 v0, v46;
	v9 =	vsub.s32 v9, v11;
	v11 =	vcvt.f32.s32 v51  }
0x60: {  	v14 =	vcvt.f32.s32 v14;
	v44 =	vxor.u32 v20, v22;
	v8 =	vadd.s32 v10, v48  }
0x61: {  	v53 =	vshra.s32 v9, $0x1F;
	v13 =	vmul.u32 v13, v0;
	v54 =	vsub.s32 v8, v0  }
0x62: {  	v10 =	vand.u32 v0, v53;
	v56 =	vmul.u32 v11, v0;
	v14 =	vmul.u32 v14, v0  }
0x63: {  	v11 =	vmul.u32 $0x8DD9, v57;
	vm1 =	vlt.s32 v54, $0x0;
	v9 =	vadd.s32 v9, v10  }
0x64: {  	v12 =	vsub.s32 v59, v13;
	v8 =	vsel vm1, v8, v54;
	v58 =	vsub.s32 v9, v0  }
0x65: {  	v10 =	vsub.s32 v42, v56;
	v61 =	vsub.s32 v49, v14;
	v17 =	vxor.u32 v17, v11  }
0x66: {  	v34 =	vshra.s32 v12, $0x1F;
	vm1 =	vlt.s32 v58, $0x0;
	v60 =	vshra.s32 v10, $0x1F  }
0x67: {  	v24 =	vshra.s32 v61, $0x1F;
	v26 =	vcvt.s32.f32 v17;
	v36 =	vand.u32 v0, v34  }
0x68: {  	v42 =	vld [tilespmem:$0x107];
	v15 =	vand.u32 v0, v60;
	v25 =	vand.u32 v0, v24;
	v12 =	vadd.s32 v12, v36  }
0x69: {  	v24 =	vcvt.s32.f32 v44;
	v15 =	vadd.s32 v10, v15;
	v11 =	vadd.s32 v61, v25  }
0x6a: {  	v57 =	vld [tilespmem:$0x128];
	v18 =	vmul.f32 $1.000009980e-05, v26;
	v10 =	vsel vm1, v9, v58;
	v41 =	vsub.s32 v12, v0  }
0x6b: {  	v55 =	vld [tilespmem:$0x127];
	v63 =	vsub.s32 v15, v0;
	v27 =	vsub.s32 v11, v0;
	v24 =	vmul.f32 $1.000009980e-05, v24  }
0x6c: {  	v25 =	vld [tilespmem:$0x118];
	vm2 =	vlt.s32 v63, $0x0;
	v28 =	vtrunc.f32 v18;
	vm1 =	vlt.s32 v27, $0x0  }
0x6d: {  	v18 =	vmul.f32 $1.000009980e-05, v30;
	v21 =	vmul.u32 $0x6A37, v42;
	v9 =	vsel vm2, v15, v63  }
0x6e: {  	v15 =	vcvt.f32.s32 v28;
	v11 =	vsel vm1, v11, v27;
	vm1 =	vlt.s32 v41, $0x0  }
0x6f: {  	v50 =	vtrunc.f32 v24;
	v24 =	vmul.u32 $0x8DD9, v57;
	v38 =	vtrunc.f32 v18  }
0x70: {  	v63 =	vld [tilespmem:$0x138];
	v51 =	vxor.u32 v21, v23;
	v18 =	vcvt.f32.s32 v50;
	v15 =	vmul.u32 v15, v0  }
0x71: {  	v45 =	vld [tilespmem:$0x117];
	v21 =	vmul.u32 $0x6A37, v55;
	v52 =	vcvt.s32.f32 v51;
	v53 =	vmul.u32 $0x8DD9, v25  }
0x72: {  	v18 =	vmul.u32 v18, v0;
	v37 =	vsub.s32 v17, v15;
	v15 =	vcvt.f32.s32 v38  }
0x73: {  	v27 =	vld [tilespmem:$0x148];
	v21 =	vxor.u32 v21, v24;
	v17 =	vmul.f32 $1.000009980e-05, v39;
	v20 =	vmul.f32 $1.000009980e-05, v52  }
0x74: {  	v32 =	vcvt.s32.f32 v21;
	v40 =	vshra.s32 v37, $0x1F;
	v16 =	vsub.s32 v44, v18  }
0x75: {  	v34 =	vmul.u32 $0x8DD9, v63;
	v14 =	vand.u32 v0, v40;
	v15 =	vmul.u32 v15, v0  }
0x76: {  	v43 =	vtrunc.f32 v17;
	v17 =	vmul.u32 $0x6A37, v45;
	v20 =	vtrunc.f32 v20  }
0x77: {  	v38 =	vld [tilespmem:$0x157];
	v61 =	vshra.s32 v16, $0x1F;
	v33 =	vmul.f32 $1.000009980e-05, v32;
	v14 =	vadd.s32 v37, v14  }
0x78: {  	v13 =	vcvt.f32.s32 v43;
	v59 =	vcvt.f32.s32 v20;
	v37 =	vmul.u32 $0x8DD9, v27  }
0x79: {  	v40 =	vld [tilespmem:$0x167];
	v15 =	vsub.s32 v29, v15;
	v46 =	vsub.s32 v14, v0;
	v17 =	vxor.u32 v17, v53  }
0x7a: {  	v47 =	vshra.s32 v15, $0x1F;
	vm2 =	vlt.s32 v46, $0x0;
	v26 =	vmul.u32 v13, v0  }
0x7b: {  	v13 =	vsel vm1, v12, v41;
	v56 =	vcvt.s32.f32 v17;
	v18 =	vmul.u32 v59, v0  }
0x7c: {  	v29 =	vld [tilespmem:$0x178];
	v27 =	vmul.u32 $0x6A37, v38;
	v22 =	vand.u32 v0, v47;
	v12 =	vsel vm2, v14, v46  }
0x7d: {  	v48 =	vadd.s32 v15, v22;
	v49 =	vsub.s32 v19, v26;
	v60 =	vmul.f32 $1.000009980e-05, v56  }
0x7e: {  	v62 =	vld [tilespmem:$0x137];
	v18 =	vsub.s32 v51, v18;
	v24 =	vmul.u32 $0x6A37, v40;
	v54 =	vshra.s32 v49, $0x1F  }
0x7f: {  	v30 =	vld [tilespmem:$0x147];
	v22 =	vsub.s32 v48, v0;
	v19 =	vshra.s32 v18, $0x1F;
	v23 =	vand.u32 v0, v54  }
0x80: {  	vm1 =	vlt.s32 v22, $0x0;
	v20 =	vtrunc.f32 v60;
	v19 =	vand.u32 v0, v19  }
0x81: {  	v29 =	vmul.u32 $0x8DD9, v29;
	v15 =	vadd.s32 v49, v23;
	v14 =	vsel vm1, v48, v22  }
0x82: {  	v22 =	vand.u32 v0, v61;
	v20 =	vcvt.f32.s32 v20;
	v18 =	vadd.s32 v18, v19  }
0x83: {  	v23 =	vmul.u32 $0x6A37, v62;
	v19 =	vtrunc.f32 v33;
	v58 =	vsub.s32 v15, v0  }
0x84: {  	v16 =	vadd.s32 v16, v22;
	v22 =	vmul.u32 $0x6A37, v30;
	v19 =	vcvt.f32.s32 v19  }
0x85: {  	v33 =	vld [tilespmem:$0x197];
	vm1 =	vlt.s32 v58, $0x0;
	v20 =	vmul.u32 v20, v0;
	v31 =	vsub.s32 v16, v0  }
0x86: {  	v43 =	vld [tilespmem:$0x168];
	v35 =	vsub.s32 v18, v0;
	v15 =	vsel vm1, v15, v58;
	vm1 =	vlt.s32 v31, $0x0  }
0x87: {  	v39 =	vld [tilespmem:$0x158];
	v22 =	vxor.u32 v22, v37;
	v19 =	vmul.u32 v19, v0;
	v17 =	vsub.s32 v17, v20  }
0x88: {  	v56 =	vld [tilespmem:$0x198];
	v16 =	vsel vm1, v16, v31;
	v20 =	vxor.u32 v23, v34;
	vm1 =	vlt.s32 v35, $0x0  }
0x89: {  	v37 =	vld [tilespmem:$0x1B7];
	v26 =	vcvt.s32.f32 v22;
	v36 =	vshra.s32 v17, $0x1F;
	v23 =	vcvt.s32.f32 v20  }
0x8a: {  	v31 =	vld [tilespmem:$0x188];
	v18 =	vsel vm1, v18, v35;
	v19 =	vsub.s32 v21, v19;
	v61 =	vmul.u32 $0x6A37, v33  }
0x8b: {  	v62 =	vld [tilespmem:$0x1A8];
	v25 =	vand.u32 v0, v36;
	v42 =	vmul.f32 $1.000009980e-05, v26;
	v26 =	vmul.u32 $0x8DD9, v43  }
0x8c: {  	v44 =	vshra.s32 v19, $0x1F;
	v17 =	vadd.s32 v17, v25;
	v23 =	vmul.f32 $1.000009980e-05, v23  }
0x8d: {  	v25 =	vmul.u32 $0x8DD9, v39;
	v28 =	vsub.s32 v17, v0;
	v48 =	vxor.u32 v24, v26  }
0x8e: {  	v47 =	vld [tilespmem:$0x177];
	v33 =	vmul.u32 $0x6A37, v37;
	vm2 =	vlt.s32 v28, $0x0;
	v23 =	vtrunc.f32 v23  }
0x8f: {  	v25 =	vxor.u32 v27, v25;
	v26 =	vcvt.s32.f32 v48;
	v59 =	vmul.u32 $0x8DD9, v31  }
0x90: {  	v27 =	vmul.u32 $0x8DD9, v56;
	v31 =	vmul.u32 $0x8DD9, v62;
	v17 =	vsel vm2, v17, v28  }
0x91: {  	v41 =	vcvt.f32.s32 v23;
	v28 =	vand.u32 v0, v44;
	v23 =	vtrunc.f32 v42  }
0x92: {  	v46 =	vcvt.s32.f32 v25;
	v19 =	vadd.s32 v19, v28;
	v23 =	vcvt.f32.s32 v23  }
0x93: {  	v26 =	vmul.f32 $1.000009980e-05, v26;
	v28 =	vmul.u32 $0x6A37, v47;
	v27 =	vxor.u32 v61, v27  }
0x94: {  	v21 =	vmul.u32 v41, v0;
	v45 =	vsub.s32 v19, v0;
	v35 =	vcvt.s32.f32 v27  }
0x95: {  	v23 =	vmul.u32 v23, v0;
	vm1 =	vlt.s32 v45, $0x0;
	v51 =	vtrunc.f32 v26  }
0x96: {  	v54 =	vld [tilespmem:$0x187];
	v52 =	vxor.u32 v28, v29;
	v20 =	vsub.s32 v20, v21;
	v21 =	vmul.f32 $1.000009980e-05, v46  }
0x97: {  	v19 =	vsel vm1, v19, v45;
	v29 =	vcvt.s32.f32 v52;
	v30 =	vshra.s32 v20, $0x1F  }
0x98: {  	v38 =	vld [tilespmem:$0x1B8];
	v40 =	vmul.f32 $1.000009980e-05, v35;
	v22 =	vsub.s32 v22, v23;
	v30 =	vand.u32 v0, v30  }
0x99: {  	v46 =	vld [tilespmem:$0x1C8];
	v49 =	vshra.s32 v22, $0x1F;
	v21 =	vtrunc.f32 v21;
	v29 =	vmul.f32 $1.000009980e-05, v29  }
0x9a: {  	v20 =	vadd.s32 v20, v30;
	v24 =	vand.u32 v0, v49;
	v21 =	vcvt.f32.s32 v21  }
0x9b: {  	v30 =	vmul.u32 $0x6A37, v54;
	v50 =	vsub.s32 v20, v0;
	v22 =	vadd.s32 v22, v24  }
0x9c: {  	v24 =	vcvt.f32.s32 v51;
	v57 =	vtrunc.f32 v29;
	v21 =	vmul.u32 v21, v0  }
0x9d: {  	v44 =	vld [tilespmem:$0x1C7];
	v53 =	vsub.s32 v22, v0;
	vm1 =	vlt.s32 v50, $0x0;
	v29 =	vxor.u32 v30, v59  }
0x9e: {  	v54 =	vld [tilespmem:$0x1D8];
	v30 =	vmul.u32 $0x8DD9, v38;
	v56 =	vmul.u32 $0x8DD9, v46;
	vm2 =	vlt.s32 v53, $0x0  }
0x9f: {  	v24 =	vmul.u32 v24, v0;
	v36 =	vcvt.s32.f32 v29;
	v25 =	vsub.s32 v25, v21  }
0xa0: {  	v21 =	vsel vm1, v20, v50;
	v20 =	vsel vm2, v22, v53;
	v30 =	vxor.u32 v33, v30  }
0xa1: {  	v32 =	vshra.s32 v25, $0x1F;
	v23 =	vsub.s32 v48, v24;
	v24 =	vcvt.f32.s32 v57  }
0xa2: {  	v60 =	vld [tilespmem:$0x1A7];
	v26 =	vmul.f32 $1.000009980e-05, v36;
	v42 =	vcvt.s32.f32 v30;
	v57 =	vmul.u32 $0x6A37, v44  }
0xa3: {  	v38 =	vmul.u32 $0x8DD9, v54;
	v55 =	vand.u32 v0, v32;
	v58 =	vshra.s32 v23, $0x1F  }
0xa4: {  	v32 =	vtrunc.f32 v40;
	v22 =	vadd.s32 v25, v55;
	v28 =	vand.u32 v0, v58  }
0xa5: {  	v24 =	vmul.u32 v24, v0;
	v26 =	vtrunc.f32 v26;
	v32 =	vcvt.f32.s32 v32  }
0xa6: {  	v45 =	vmul.f32 $1.000009980e-05, v42;
	v62 =	vxor.u32 v57, v56;
	v25 =	vsub.s32 v22, v0  }
0xa7: {  	v23 =	vadd.s32 v23, v28;
	v26 =	vcvt.f32.s32 v26;
	v28 =	vmul.u32 $0x6A37, v60  }
0xa8: {  	v58 =	vld [tilespmem:$0x1E7];
	vm1 =	vlt.s32 v25, $0x0;
	v63 =	vsub.s32 v23, v0;
	v24 =	vsub.s32 v52, v24  }
0xa9: {  	v41 =	vmul.u32 v32, v0;
	vm2 =	vlt.s32 v63, $0x0;
	v34 =	vshra.s32 v24, $0x1F  }
0xaa: {  	v60 =	vld [tilespmem:$0x1E8];
	v22 =	vsel vm1, v22, v25;
	v26 =	vmul.u32 v26, v0;
	v28 =	vxor.u32 v28, v31  }
0xab: {  	v34 =	vand.u32 v0, v34;
	v23 =	vsel vm2, v23, v63;
	v31 =	vcvt.s32.f32 v28  }
0xac: {  	v32 =	vld [tilespmem:$0x1F7];
	v27 =	vsub.s32 v27, v41;
	v24 =	vadd.s32 v24, v34;
	v26 =	vsub.s32 v29, v26  }
0xad: {  	v47 =	vshra.s32 v27, $0x1F;
	v29 =	vtrunc.f32 v45;
	v41 =	vmul.u32 $0x6A37, v58  }
0xae: {  	v52 =	vld [tilespmem:$0x1D7];
	v39 =	vsub.s32 v24, v0;
	v43 =	vshra.s32 v26, $0x1F;
	v31 =	vmul.f32 $1.000009980e-05, v31  }
0xaf: {  	[tilespmem:$0x280] =	vst v1;
	v48 =	vand.u32 v0, v47;
	v51 =	vcvt.f32.s32 v29;
	v40 =	vmul.u32 $0x8DD9, v60  }
0xb0: {  	[tilespmem:$0x290] =	vst v2;
	vm1 =	vlt.s32 v39, $0x0;
	v25 =	vand.u32 v0, v43;
	v2 =	vadd.s32 v27, v48  }
0xb1: {  	[tilespmem:$0x2A0] =	vst v3;
	v27 =	vcvt.s32.f32 v62;
	v45 =	vmul.u32 $0x6A37, v32;
	v24 =	vsel vm1, v24, v39  }
0xb2: {  	[tilespmem:$0x2B0] =	vst v4;
	v25 =	vadd.s32 v26, v25;
	v31 =	vtrunc.f32 v31;
	v55 =	vmul.u32 v51, v0  }
0xb3: {  	[tilespmem:$0x2C0] =	vst v6;
	v39 =	vmul.u32 $0x6A37, v52;
	v49 =	vcvt.f32.s32 v31;
	v50 =	vsub.s32 v25, v0  }
0xb4: {  	[tilespmem:$0x2D0] =	vst v5;
	v53 =	vsub.s32 v2, v0;
	v37 =	vmul.f32 $1.000009980e-05, v27;
	vm1 =	vlt.s32 v50, $0x0  }
0xb5: {  	[tilespmem:$0x310] =	vst v9;
	v6 =	vsub.s32 v30, v55;
	v9 =	vxor.u32 v39, v38;
	v26 =	vmul.u32 v49, v0  }
0xb6: {  	[tilespmem:$0x2E0] =	vst v7;
	v3 =	vsel vm1, v25, v50;
	vm1 =	vlt.s32 v53, $0x0;
	v63 =	vshra.s32 v6, $0x1F  }
0xb7: {  	[tilespmem:$0x2F0] =	vst v8;
	v36 =	vld [tilespmem:$0x1F8];
	v8 =	vtrunc.f32 v37;
	v43 =	vcvt.s32.f32 v9;
	v2 =	vsel vm1, v2, v53  }
0xb8: {  	[tilespmem:$0x300] =	vst v10;
	v35 =	vand.u32 v0, v63;
	v8 =	vcvt.f32.s32 v8;
	v59 =	vsub.s32 v28, v26  }
0xb9: {  	[tilespmem:$0x320] =	vst v11;
	v5 =	vadd.s32 v6, v35;
	v6 =	vxor.u32 v41, v40;
	v11 =	vmul.f32 $1.000009980e-05, v43  }
0xba: {  	[tilespmem:$0x330] =	vst v13;
	v61 =	vshra.s32 v59, $0x1F;
	v44 =	vcvt.s32.f32 v6;
	v8 =	vmul.u32 v8, v0  }
0xbb: {  	[tilespmem:$0x340] =	vst v12;
	v46 =	vsub.s32 v5, v0;
	v7 =	vand.u32 v0, v61;
	v11 =	vtrunc.f32 v11  }
0xbc: {  	[tilespmem:$0x350] =	vst v14;
	v34 =	vadd.s32 v59, v7;
	v7 =	vmul.u32 $0x8DD9, v36;
	v12 =	vmul.f32 $1.000009980e-05, v44  }
0xbd: {  	[tilespmem:$0x360] =	vst v15;
	v8 =	vsub.s32 v62, v8;
	v11 =	vcvt.f32.s32 v11;
	v42 =	vsub.s32 v34, v0  }
0xbe: {  	[tilespmem:$0x370] =	vst v16;
	v48 =	vshra.s32 v8, $0x1F;
	vm1 =	vlt.s32 v42, $0x0;
	v7 =	vxor.u32 v45, v7  }
0xbf: {  	[tilespmem:$0x380] =	vst v18;
	v12 =	vtrunc.f32 v12;
	v15 =	vand.u32 v0, v48;
	v47 =	vcvt.s32.f32 v7  }
0xc0: {  	[tilespmem:$0x390] =	vst v17;
	v49 =	vmul.u32 v11, v0;
	v12 =	vcvt.f32.s32 v12;
	v4 =	vsel vm1, v34, v42  }
0xc1: {  	[tilespmem:$0x3A0] =	vst v19;
	v8 =	vadd.s32 v8, v15;
	vm1 =	vlt.s32 v46, $0x0;
	v14 =	vmul.f32 $1.000009980e-05, v47  }
0xc2: {  	[tilespmem:$0x3B0] =	vst v21;
	v5 =	vsel vm1, v5, v46;
	v52 =	vsub.s32 v8, v0;
	v50 =	vmul.u32 v12, v0  }
0xc3: {  	[tilespmem:$0x3C0] =	vst v20;
	v9 =	vsub.s32 v9, v49;
	vm1 =	vlt.s32 v52, $0x0;
	v51 =	vtrunc.f32 v14  }
0xc4: {  	[tilespmem:$0x3D0] =	vst v22;
	v10 =	vshra.s32 v9, $0x1F;
	v6 =	vsub.s32 v6, v50;
	v12 =	vcvt.f32.s32 v51  }
0xc5: {  	[tilespmem:$0x430] =	vst v5;
	v5 =	vimm.s32 @!p1 $0xFFFFFFFF;
	v53 =	vsel vm1, v8, v52;
	v11 =	vshra.s32 v6, $0x1F  }
0xc6: {  	[tilespmem:$0x3E0] =	vst v23;
	v54 =	vand.u32 v0, v10;
	v55 =	vand.u32 v0, v11;
	v12 =	vmul.u32 v12, v0  }
0xc7: {  	[tilespmem:$0x420] =	vst v4;
	v4 =	vsel @!p1 vm0, $0x0, v5;
	v56 =	vadd.s32 v9, v54;
	v6 =	vadd.s32 v6, v55  }
0xc8: {  	[tilespmem:$0x3F0] =	vst v24;
	v57 =	vsub.s32 v56, v0;
	v58 =	vsub.s32 v6, v0;
	v7 =	vsub.s32 v7, v12  }
0xc9: {  	[tilespmem:$0x400] =	vst v3;
	vm1 =	vlt.s32 v57, $0x0;
	vm2 =	vlt.s32 v58, $0x0;
	v59 =	vshra.s32 v7, $0x1F  }
0xca: {  	[tilespmem:$0x410] =	vst v2;
	v61 =	vsel vm2, v6, v58;
	v6 =	vimm.s32 @!p1 $0x0;
	v60 =	vand.u32 v0, v59  }
0xcb: {  	[tilespmem:$0x440] =	vst v53;
	v2 =	vsel vm1, v56, v57;
	v5 =	vsel @!p1 vm0, $0xFFFFFFFF, v6;
	v62 =	vadd.s32 v7, v60  }
0xcc: {  	v1 =	vand.u32 @!p1 v4, v1;
	[tilespmem:$0x450] =	vst v2;
	v63 =	vsub.s32 v62, v0;
	v0 =	vand.u32 @!p1 v5, v0  }
0xcd: {  	[tilespmem:$0x460] =	vst v61;
	vm1 =	vlt.s32 v63, $0x0;
	v0 =	vadd.s32 @!p1 v0, v1  }
0xce: {  	v2 =	vsel vm1, v62, v63;
	[tilespmem:$0x280] =	vst @!p1 v0  }
0xcf: {  	[tilespmem:$0x470] =	vst v2  }
0xd0: {  	[tilespmem:s15], [sflag:$0x1] =	stream.indirect.gather [hbm4b:s1+s13], $0x80, s14, s13, $0xb8;
	[tilespmem:$0x10500] =	vst v63  }
0xd1: {  	_ = 	snop  }
0xd2: {  	[tilespmem:s17], [sflag:$0x2] =	stream.indirect.gather [hbm4b:s1+s13], $0x80, s16, s13, $0xb8;
	[tilespmem:$0x10500] =	vst v63  }
0xd3: {  	_ = 	snop  }
0xd4: {  	[tilespmem:s19], [sflag:$0x3] =	stream.indirect.gather [hbm4b:s1+s13], $0x80, s18, s13, $0xb8;
	[tilespmem:$0x10500] =	vst v63  }
0xd5: {  	_ = 	snop  }
0xd6: {  	[tilespmem:s21], [sflag:$0x4] =	stream.indirect.gather [hbm4b:s1+s13], $0x80, s20, s13, $0xb8;
	[tilespmem:$0x10500] =	vst v63  }
0xd7: {  	_ =	swait.ge [sflag:s22], $0x4000  }
0xd8: {  	[sflag:s22] =	ssyncset.done $0x0  }
0xd9: {  	[sflag:s22] =	ssyncadd.s32 $0xFFFFC000  }
0xda: {  	[hbm4b:s5+s3] =	stream.linear.scatter [tilespmem:s15], [sflag:$0x5], $0x4000, $0x38;
	[tilespmem:$0x10500] =	vst v63  }
0xdb: {  	_ =	swait.ge [sflag:s23], $0x4000  }
0xdc: {  	[sflag:s23] =	ssyncset.done $0x0  }
0xdd: {  	[sflag:s23] =	ssyncadd.s32 $0xFFFFC000  }
0xde: {  	[hbm4b:s7+s3] =	stream.linear.scatter [tilespmem:s17], [sflag:$0x5], $0x4000, $0x38;
	[tilespmem:$0x10500] =	vst v63  }
0xdf: {  	_ =	swait.ge [sflag:s24], $0x4000  }
0xe0: {  	[sflag:s24] =	ssyncset.done $0x0  }
0xe1: {  	[sflag:s24] =	ssyncadd.s32 $0xFFFFC000  }
0xe2: {  	[hbm4b:s8+s3] =	stream.linear.scatter [tilespmem:s19], [sflag:$0x5], $0x4000, $0x38;
	[tilespmem:$0x10500] =	vst v63  }
0xe3: {  	_ =	swait.ge [sflag:s25], $0x4000  }
0xe4: {  	[sflag:s25] =	ssyncset.done $0x0  }
0xe5: {  	[sflag:s25] =	ssyncadd.s32 $0xFFFFC000  }
0xe6: {  	[hbm4b:s9+s3] =	stream.linear.scatter [tilespmem:s21], [sflag:$0x5], $0x4000, $0x38;
	[tilespmem:$0x10500] =	vst v63  }
0xe7: {  	_ =	swait.ge [sflag:s26], $0x4000  }
0xe8: {  	[sflag:s26] =	ssyncset.done $0x0  }
0xe9: {  	[sflag:s26] =	ssyncadd.s32 $0xFFFFC000  }
0xea: {  	_ =	swait.ge [sflag:s26], $0x4000  }
0xeb: {  	[sflag:s26] =	ssyncset.done $0x0  }
0xec: {  	s10 =	sadd.s32 $0xFFFFFFFF, s10;
	[sflag:s26] =	ssyncadd.s32 $0xFFFFC000  }
0xed: {  	p2 =	sne.s32 s10, $0x0;
	_ =	swait.ge [sflag:s26], $0x4000  }
.Ltmp0:
0xee: {  	[sflag:s26] =	ssyncset.done $0x0;
	(pc) =	sbr.rel @p2 .LBB2_1-.Ltmp0, $4  }
0xef: {  	[sflag:s26] =	ssyncadd.s32 $0xFFFFC000  }
0xf0: {  	_ =	swait.ge [sflag:s26], $0x4000  }
0xf1: {  	[sflag:s26] =	ssyncset.done $0x0  }
0xf2: {  	[sflag:s26] =	ssyncadd.s32 $0xFFFFC000  }
0xf3: {  	_ =	sfence.sel $0x180000  }
0xf4: {  	[bflag:$0x0] =	sbarrier.arrive $0xFFFF  }
0xf5: {  	p0 =	sne.s32 s2, $0x0;
	_ =	strace $0x90000047  }
0xf6: {  	s0 =	sadd.s32 @!p0 $0x100000, s0;
	[bflag:$0x2] =	sbarrier.arrive $0xFFFF  }
0xf7: {  	[sflag:s0] =	ssyncadd.tile.s32 @!p0 $0x1;
	_ =	shalt  }
.Lfunc_end2:
_tile_overlayer_lowered:
.L_overlay_start_2:
0xf8: {  	(tag) =	ssettag $0x2  }
0xf9: {  	s0 =	rddreg [dreg:$0x0];
	s2 =	stileid.u32  }
0xfa: {  	s1 =	rddreg [dreg:$0x1];
	p0 =	sne.s32 s2, $0x0  }
0xfb: {  	s3 =	rddreg [dreg:$0x2];
	[bflag:$0x3] =	sbarrier.arrive $0xFFFF;
	s2 =	simm.s32 @!p0 $0x1C06  }
0xfc: {  	[timem:s3], [sflag:s2] =	dma.local @!p0 [hbm:s0], s1  }
0xfd: {  	s0 =	simm.s32 @!p0 $0x6  }
0xfe: {  	_ =	swait.ge @!p0 [sflag:s0], s1  }
0xff: {  	s1 =	ssub.s32 @!p0 $0x0, s1;
	[sflag:s0] =	ssyncset.done @!p0 $0x0  }
0x100: {  	[sflag:s0] =	ssyncadd.s32 @!p0 s1  }
0x101: {  	[bflag:$0x3] =	sbarrier.arrive $0xFFFF  }
0x102: {  	_ =	shalt  }

</sc_bundles>
